<compile_context>
chip_gen: v7x
topology: tpu7x:2x2x1
jax: 0.10.2.dev20260603
libtpu: 0.0.44.dev20260713+nightly
codegen_flags: <defaults>
</compile_context>

<pallas_src>
import functools

import jax
import jax.numpy as jnp
from jax import lax
from jax.experimental import pallas as pl
from jax.experimental.pallas import tpu as pltpu
from jax.experimental.pallas import tpu_sc as plsc

VOCAB = 1000000
EMBED_DIM = 32
BATCH = 4096
SEQ = 200

NC = 2
NS = 16
NW = NC * NS

NB = BATCH // 128
N_GRP = SEQ * NB
PER_W = N_GRP // NW
NBUF = 8
N_REV = PER_W // NBUF


def _body(xg_hbm, table_hbm, out_hbm, idx_v, raws, trs, gsems, wsems, isem):
    wid = lax.axis_index("s") * NC + lax.axis_index("c")
    g0 = wid * PER_W

    pltpu.async_copy(xg_hbm.at[pl.ds(g0, PER_W)], idx_v, isem).wait()

    def fire_gather(j, b):
        pltpu.async_copy(table_hbm.at[idx_v.at[j]], raws[b], gsems[b])

    def wait_gather(b):
        pltpu.make_async_copy(table_hbm.at[idx_v.at[0]], raws[b],
                              gsems[b]).wait()

    def fire_write(j, b):
        g = g0 + j
        s = g // NB
        tb = g % NB
        pltpu.async_copy(trs[b], out_hbm.at[s, :, tb], wsems[b])

    def wait_write(b):
        pltpu.make_async_copy(trs[b], out_hbm.at[0, :, 0], wsems[b]).wait()

    iotac = [jnp.arange(c0 * 16, c0 * 16 + 16, dtype=jnp.int32)
             for c0 in range(8)]

    def transpose(b):
        raw, tr = raws[b], trs[b]

        def d_body(d, carry):
            dv = jnp.broadcast_to(d, (16,)).astype(jnp.int32)
            for c0 in range(8):
                ev = (iotac[c0] + dv) & 31
                v = plsc.load_gather(raw, [iotac[c0], ev])
                plsc.store_scatter(
                    tr, [ev >> 3, ev & 7, iotac[c0]], v)
            return carry

        lax.fori_loop(0, EMBED_DIM, d_body, 0)

    for b in range(NBUF):
        fire_gather(b, b)

    def rev(g, carry):
        for b in range(NBUF):
            j = g * NBUF + b
            wait_gather(b)
            transpose(b)
            fire_write(j, b)
        for b in range(NBUF):
            j = g * NBUF + b
            wait_write(b)

            @pl.when(g < N_REV - 1)
            def _():
                fire_gather(j + NBUF, b)

        return carry

    lax.fori_loop(0, N_REV, rev, 0)


@functools.partial(jax.jit, static_argnames=())
def kernel(x, table):
    xg = x.T.reshape(N_GRP, 128)
    mesh = plsc.VectorSubcoreMesh(core_axis_name="c", subcore_axis_name="s")
    out5 = pl.kernel(
        _body,
        out_type=jax.ShapeDtypeStruct((SEQ, 4, NB, 8, 128), jnp.float32),
        mesh=mesh,
        compiler_params=pltpu.CompilerParams(use_tc_tiling_on_sc=False,
                                             needs_layout_passes=False),
        scratch_types=[
            pltpu.VMEM((PER_W, 128), jnp.int32),
            [pltpu.VMEM((128, EMBED_DIM), jnp.float32) for _ in range(NBUF)],
            [pltpu.VMEM((4, 8, 128), jnp.float32) for _ in range(NBUF)],
            [pltpu.SemaphoreType.DMA for _ in range(NBUF)],
            [pltpu.SemaphoreType.DMA for _ in range(NBUF)],
            pltpu.SemaphoreType.DMA,
        ],
    )(xg, table)
    return out5.transpose(2, 4, 0, 1, 3).reshape(BATCH, SEQ, EMBED_DIM)

# --- scband reference (transcript-rebuilt; emitter-appended) ---
"""Pipeline reference for scband-token-embedding-2499670966272 (READ-ONLY COPY).

The authoritative reference and input builder live on the scoring server;
editing this copy changes nothing except your own understanding.
"""

import jax, jax.numpy as jnp
import numpy as np

VOCAB = 1000000
EMBED_DIM = 32
BATCH = 4096
SEQ = 200

def setup_inputs(seed: int = 0) -> dict:
    key = jax.random.key(seed)
    k_idx, k_tab = jax.random.split(key)
    x = jax.random.randint(k_idx, (BATCH, SEQ), 0, VOCAB, dtype=jnp.int64 if jax.config.jax_enable_x64 else jnp.int32).astype(jnp.int32)
    table = jax.random.normal(k_tab, (VOCAB, EMBED_DIM), dtype=jnp.float32)
    return {"x": x, "table": table}

def reference(x, table):
    # TokenEmbedding.forward: dropout(embedding(x)); dropout p=0.0 -> identity (inference)
    out = jnp.take(table, x, axis=0)
    return out

if __name__ == "__main__":
    import jax
    _d = setup_inputs()
    print(jax.jit(kernel)(*tuple(_d.values())))

</pallas_src>

<mosaic_0001>
#map = affine_map<(d0, d1) -> (0, 0)>
#map1 = affine_map<(d0, d1) -> (0, 0, 0, 0, 0)>
module attributes {stable_mosaic.version = 14 : i64} {
  func.func @_body(%arg0: i32, %arg1: i32, %arg2: memref<6400x128xi32, #tpu.memory_space<hbm>>, %arg3: memref<1000000x32xf32, #tpu.memory_space<hbm>>, %arg4: memref<200x4x32x8x128xf32, #tpu.memory_space<hbm>>, %arg5: memref<200x128xi32, #tpu.memory_space<vmem>>, %arg6: memref<128x32xf32, #tpu.memory_space<vmem>>, %arg7: memref<128x32xf32, #tpu.memory_space<vmem>>, %arg8: memref<128x32xf32, #tpu.memory_space<vmem>>, %arg9: memref<128x32xf32, #tpu.memory_space<vmem>>, %arg10: memref<128x32xf32, #tpu.memory_space<vmem>>, %arg11: memref<128x32xf32, #tpu.memory_space<vmem>>, %arg12: memref<128x32xf32, #tpu.memory_space<vmem>>, %arg13: memref<128x32xf32, #tpu.memory_space<vmem>>, %arg14: memref<4x8x128xf32, #tpu.memory_space<vmem>>, %arg15: memref<4x8x128xf32, #tpu.memory_space<vmem>>, %arg16: memref<4x8x128xf32, #tpu.memory_space<vmem>>, %arg17: memref<4x8x128xf32, #tpu.memory_space<vmem>>, %arg18: memref<4x8x128xf32, #tpu.memory_space<vmem>>, %arg19: memref<4x8x128xf32, #tpu.memory_space<vmem>>, %arg20: memref<4x8x128xf32, #tpu.memory_space<vmem>>, %arg21: memref<4x8x128xf32, #tpu.memory_space<vmem>>, %arg22: memref<!tpu.dma_semaphore, #tpu.memory_space<semaphore_mem>>, %arg23: memref<!tpu.dma_semaphore, #tpu.memory_space<semaphore_mem>>, %arg24: memref<!tpu.dma_semaphore, #tpu.memory_space<semaphore_mem>>, %arg25: memref<!tpu.dma_semaphore, #tpu.memory_space<semaphore_mem>>, %arg26: memref<!tpu.dma_semaphore, #tpu.memory_space<semaphore_mem>>, %arg27: memref<!tpu.dma_semaphore, #tpu.memory_space<semaphore_mem>>, %arg28: memref<!tpu.dma_semaphore, #tpu.memory_space<semaphore_mem>>, %arg29: memref<!tpu.dma_semaphore, #tpu.memory_space<semaphore_mem>>, %arg30: memref<!tpu.dma_semaphore, #tpu.memory_space<semaphore_mem>>, %arg31: memref<!tpu.dma_semaphore, #tpu.memory_space<semaphore_mem>>, %arg32: memref<!tpu.dma_semaphore, #tpu.memory_space<semaphore_mem>>, %arg33: memref<!tpu.dma_semaphore, #tpu.memory_space<semaphore_mem>>, %arg34: memref<!tpu.dma_semaphore, #tpu.memory_space<semaphore_mem>>, %arg35: memref<!tpu.dma_semaphore, #tpu.memory_space<semaphore_mem>>, %arg36: memref<!tpu.dma_semaphore, #tpu.memory_space<semaphore_mem>>, %arg37: memref<!tpu.dma_semaphore, #tpu.memory_space<semaphore_mem>>, %arg38: memref<!tpu.dma_semaphore, #tpu.memory_space<semaphore_mem>>) attributes {dimension_semantics = [#tpu.dimension_semantics<core_parallel>, #tpu.dimension_semantics<subcore_parallel>], iteration_bounds = array<i64: 2, 16>, scalar_prefetch = 0 : i64, scratch_operands = 34 : i64, tpu.core_type = #tpu.core_type<sc_vector_subcore>, window_params = [{transform_indices = #map}, {transform_indices = #map}, {transform_indices = #map1}]} {
    %mul3A = arith.constant 2 : i32
    %mul3A_0 = arith.muli %arg1, %mul3A : i32
    %add3A = arith.addi %mul3A_0, %arg0 : i32
    %mul3A_1 = arith.constant 200 : i32
    %mul3A_2 = arith.muli %add3A, %mul3A_1 : i32
    %dma_start3A = arith.constant 0 : i32
    %dma_start3A_3 = tpu.memref_slice %arg2[%mul3A_2, %dma_start3A] : memref<6400x128xi32, #tpu.memory_space<hbm>> -> memref<200x128xi32, #tpu.memory_space<hbm>>
    %dma_start3A_4 = arith.constant 0 : i32
    %dma_start3A_5 = tpu.memref_slice %arg2[%mul3A_2, %dma_start3A_4] : memref<6400x128xi32, #tpu.memory_space<hbm>> -> memref<200x128xi32, #tpu.memory_space<hbm>>
    tpu.enqueue_dma source(%dma_start3A_5 : memref<200x128xi32, #tpu.memory_space<hbm>>) target(%arg5 : memref<200x128xi32, #tpu.memory_space<vmem>>) target_semaphore(%arg38 : memref<!tpu.dma_semaphore, #tpu.memory_space<semaphore_mem>>)
    %dma_wait3A = arith.constant 0 : i32
    %dma_wait3A_6 = tpu.memref_slice %arg2[%mul3A_2, %dma_wait3A] : memref<6400x128xi32, #tpu.memory_space<hbm>> -> memref<200x128xi32, #tpu.memory_space<hbm>>
    %dma_wait3A_7 = arith.constant 0 : i32
    %dma_wait3A_8 = tpu.memref_slice %arg2[%mul3A_2, %dma_wait3A_7] : memref<6400x128xi32, #tpu.memory_space<hbm>> -> memref<200x128xi32, #tpu.memory_space<hbm>>
    tpu.wait_dma2 semaphore(%arg38 : memref<!tpu.dma_semaphore, #tpu.memory_space<semaphore_mem>>) src(%dma_wait3A_8 : memref<200x128xi32, #tpu.memory_space<hbm>>) dst(%arg5 : memref<200x128xi32, #tpu.memory_space<vmem>>)
    %iota3A = tpu.iota {dimensions = array<i32: 0>} : vector<16xi32>
    %iota3A_9 = tpu.iota {dimensions = array<i32: 0>} : vector<16xi32>
    %add3A_10 = arith.constant 16 : i32
    %add3A_11 = vector.broadcast %add3A_10 : i32 to vector<16xi32>
    %add3A_12 = arith.addi %add3A_11, %iota3A_9 : vector<16xi32>
    %iota3A_13 = tpu.iota {dimensions = array<i32: 0>} : vector<16xi32>
    %add3A_14 = arith.constant 32 : i32
    %add3A_15 = vector.broadcast %add3A_14 : i32 to vector<16xi32>
    %add3A_16 = arith.addi %add3A_15, %iota3A_13 : vector<16xi32>
    %iota3A_17 = tpu.iota {dimensions = array<i32: 0>} : vector<16xi32>
    %add3A_18 = arith.constant 48 : i32
    %add3A_19 = vector.broadcast %add3A_18 : i32 to vector<16xi32>
    %add3A_20 = arith.addi %add3A_19, %iota3A_17 : vector<16xi32>
    %iota3A_21 = tpu.iota {dimensions = array<i32: 0>} : vector<16xi32>
    %add3A_22 = arith.constant 64 : i32
    %add3A_23 = vector.broadcast %add3A_22 : i32 to vector<16xi32>
    %add3A_24 = arith.addi %add3A_23, %iota3A_21 : vector<16xi32>
    %iota3A_25 = tpu.iota {dimensions = array<i32: 0>} : vector<16xi32>
    %add3A_26 = arith.constant 80 : i32
    %add3A_27 = vector.broadcast %add3A_26 : i32 to vector<16xi32>
    %add3A_28 = arith.addi %add3A_27, %iota3A_25 : vector<16xi32>
    %iota3A_29 = tpu.iota {dimensions = array<i32: 0>} : vector<16xi32>
    %add3A_30 = arith.constant 96 : i32
    %add3A_31 = vector.broadcast %add3A_30 : i32 to vector<16xi32>
    %add3A_32 = arith.addi %add3A_31, %iota3A_29 : vector<16xi32>
    %iota3A_33 = tpu.iota {dimensions = array<i32: 0>} : vector<16xi32>
    %add3A_34 = arith.constant 112 : i32
    %add3A_35 = vector.broadcast %add3A_34 : i32 to vector<16xi32>
    %add3A_36 = arith.addi %add3A_35, %iota3A_33 : vector<16xi32>
    %dma_start3A_37 = arith.constant 0 : i32
    %dma_start3A_38 = arith.constant 0 : i32
    %dma_start3A_39 = tpu.memref_slice %arg5[%dma_start3A_37, %dma_start3A_38] : memref<200x128xi32, #tpu.memory_space<vmem>> -> memref<1x128xi32, #tpu.memory_space<vmem>>
    %dma_start3A_40 = tpu.memref_squeeze %dma_start3A_39 : memref<1x128xi32, #tpu.memory_space<vmem>> -> memref<128xi32, #tpu.memory_space<vmem>>
    %dma_start3A_41 = arith.constant 0 : i32
    %dma_start3A_42 = arith.constant 0 : i32
    %dma_start3A_43 = tpu.memref_slice %arg3[%dma_start3A_41, %dma_start3A_42] : memref<1000000x32xf32, #tpu.memory_space<hbm>> -> memref<1000000x32xf32, #tpu.memory_space<hbm>>
    tpu.enqueue_indirect_dma source(%dma_start3A_43 : memref<1000000x32xf32, #tpu.memory_space<hbm>>) target(%arg6 : memref<128x32xf32, #tpu.memory_space<vmem>>) offsets(%dma_start3A_40 : memref<128xi32, #tpu.memory_space<vmem>>) semaphore(%arg22 : memref<!tpu.dma_semaphore, #tpu.memory_space<semaphore_mem>>)
    %dma_start3A_44 = arith.constant 1 : i32
    %dma_start3A_45 = arith.constant 0 : i32
    %dma_start3A_46 = tpu.memref_slice %arg5[%dma_start3A_44, %dma_start3A_45] : memref<200x128xi32, #tpu.memory_space<vmem>> -> memref<1x128xi32, #tpu.memory_space<vmem>>
    %dma_start3A_47 = tpu.memref_squeeze %dma_start3A_46 : memref<1x128xi32, #tpu.memory_space<vmem>> -> memref<128xi32, #tpu.memory_space<vmem>>
    %dma_start3A_48 = arith.constant 0 : i32
    %dma_start3A_49 = arith.constant 0 : i32
    %dma_start3A_50 = tpu.memref_slice %arg3[%dma_start3A_48, %dma_start3A_49] : memref<1000000x32xf32, #tpu.memory_space<hbm>> -> memref<1000000x32xf32, #tpu.memory_space<hbm>>
    tpu.enqueue_indirect_dma source(%dma_start3A_50 : memref<1000000x32xf32, #tpu.memory_space<hbm>>) target(%arg7 : memref<128x32xf32, #tpu.memory_space<vmem>>) offsets(%dma_start3A_47 : memref<128xi32, #tpu.memory_space<vmem>>) semaphore(%arg23 : memref<!tpu.dma_semaphore, #tpu.memory_space<semaphore_mem>>)
    %dma_start3A_51 = arith.constant 2 : i32
    %dma_start3A_52 = arith.constant 0 : i32
    %dma_start3A_53 = tpu.memref_slice %arg5[%dma_start3A_51, %dma_start3A_52] : memref<200x128xi32, #tpu.memory_space<vmem>> -> memref<1x128xi32, #tpu.memory_space<vmem>>
    %dma_start3A_54 = tpu.memref_squeeze %dma_start3A_53 : memref<1x128xi32, #tpu.memory_space<vmem>> -> memref<128xi32, #tpu.memory_space<vmem>>
    %dma_start3A_55 = arith.constant 0 : i32
    %dma_start3A_56 = arith.constant 0 : i32
    %dma_start3A_57 = tpu.memref_slice %arg3[%dma_start3A_55, %dma_start3A_56] : memref<1000000x32xf32, #tpu.memory_space<hbm>> -> memref<1000000x32xf32, #tpu.memory_space<hbm>>
    tpu.enqueue_indirect_dma source(%dma_start3A_57 : memref<1000000x32xf32, #tpu.memory_space<hbm>>) target(%arg8 : memref<128x32xf32, #tpu.memory_space<vmem>>) offsets(%dma_start3A_54 : memref<128xi32, #tpu.memory_space<vmem>>) semaphore(%arg24 : memref<!tpu.dma_semaphore, #tpu.memory_space<semaphore_mem>>)
    %dma_start3A_58 = arith.constant 3 : i32
    %dma_start3A_59 = arith.constant 0 : i32
    %dma_start3A_60 = tpu.memref_slice %arg5[%dma_start3A_58, %dma_start3A_59] : memref<200x128xi32, #tpu.memory_space<vmem>> -> memref<1x128xi32, #tpu.memory_space<vmem>>
    %dma_start3A_61 = tpu.memref_squeeze %dma_start3A_60 : memref<1x128xi32, #tpu.memory_space<vmem>> -> memref<128xi32, #tpu.memory_space<vmem>>
    %dma_start3A_62 = arith.constant 0 : i32
    %dma_start3A_63 = arith.constant 0 : i32
    %dma_start3A_64 = tpu.memref_slice %arg3[%dma_start3A_62, %dma_start3A_63] : memref<1000000x32xf32, #tpu.memory_space<hbm>> -> memref<1000000x32xf32, #tpu.memory_space<hbm>>
    tpu.enqueue_indirect_dma source(%dma_start3A_64 : memref<1000000x32xf32, #tpu.memory_space<hbm>>) target(%arg9 : memref<128x32xf32, #tpu.memory_space<vmem>>) offsets(%dma_start3A_61 : memref<128xi32, #tpu.memory_space<vmem>>) semaphore(%arg25 : memref<!tpu.dma_semaphore, #tpu.memory_space<semaphore_mem>>)
    %dma_start3A_65 = arith.constant 4 : i32
    %dma_start3A_66 = arith.constant 0 : i32
    %dma_start3A_67 = tpu.memref_slice %arg5[%dma_start3A_65, %dma_start3A_66] : memref<200x128xi32, #tpu.memory_space<vmem>> -> memref<1x128xi32, #tpu.memory_space<vmem>>
    %dma_start3A_68 = tpu.memref_squeeze %dma_start3A_67 : memref<1x128xi32, #tpu.memory_space<vmem>> -> memref<128xi32, #tpu.memory_space<vmem>>
    %dma_start3A_69 = arith.constant 0 : i32
    %dma_start3A_70 = arith.constant 0 : i32
    %dma_start3A_71 = tpu.memref_slice %arg3[%dma_start3A_69, %dma_start3A_70] : memref<1000000x32xf32, #tpu.memory_space<hbm>> -> memref<1000000x32xf32, #tpu.memory_space<hbm>>
    tpu.enqueue_indirect_dma source(%dma_start3A_71 : memref<1000000x32xf32, #tpu.memory_space<hbm>>) target(%arg10 : memref<128x32xf32, #tpu.memory_space<vmem>>) offsets(%dma_start3A_68 : memref<128xi32, #tpu.memory_space<vmem>>) semaphore(%arg26 : memref<!tpu.dma_semaphore, #tpu.memory_space<semaphore_mem>>)
    %dma_start3A_72 = arith.constant 5 : i32
    %dma_start3A_73 = arith.constant 0 : i32
    %dma_start3A_74 = tpu.memref_slice %arg5[%dma_start3A_72, %dma_start3A_73] : memref<200x128xi32, #tpu.memory_space<vmem>> -> memref<1x128xi32, #tpu.memory_space<vmem>>
    %dma_start3A_75 = tpu.memref_squeeze %dma_start3A_74 : memref<1x128xi32, #tpu.memory_space<vmem>> -> memref<128xi32, #tpu.memory_space<vmem>>
    %dma_start3A_76 = arith.constant 0 : i32
    %dma_start3A_77 = arith.constant 0 : i32
    %dma_start3A_78 = tpu.memref_slice %arg3[%dma_start3A_76, %dma_start3A_77] : memref<1000000x32xf32, #tpu.memory_space<hbm>> -> memref<1000000x32xf32, #tpu.memory_space<hbm>>
    tpu.enqueue_indirect_dma source(%dma_start3A_78 : memref<1000000x32xf32, #tpu.memory_space<hbm>>) target(%arg11 : memref<128x32xf32, #tpu.memory_space<vmem>>) offsets(%dma_start3A_75 : memref<128xi32, #tpu.memory_space<vmem>>) semaphore(%arg27 : memref<!tpu.dma_semaphore, #tpu.memory_space<semaphore_mem>>)
    %dma_start3A_79 = arith.constant 6 : i32
    %dma_start3A_80 = arith.constant 0 : i32
    %dma_start3A_81 = tpu.memref_slice %arg5[%dma_start3A_79, %dma_start3A_80] : memref<200x128xi32, #tpu.memory_space<vmem>> -> memref<1x128xi32, #tpu.memory_space<vmem>>
    %dma_start3A_82 = tpu.memref_squeeze %dma_start3A_81 : memref<1x128xi32, #tpu.memory_space<vmem>> -> memref<128xi32, #tpu.memory_space<vmem>>
    %dma_start3A_83 = arith.constant 0 : i32
    %dma_start3A_84 = arith.constant 0 : i32
    %dma_start3A_85 = tpu.memref_slice %arg3[%dma_start3A_83, %dma_start3A_84] : memref<1000000x32xf32, #tpu.memory_space<hbm>> -> memref<1000000x32xf32, #tpu.memory_space<hbm>>
    tpu.enqueue_indirect_dma source(%dma_start3A_85 : memref<1000000x32xf32, #tpu.memory_space<hbm>>) target(%arg12 : memref<128x32xf32, #tpu.memory_space<vmem>>) offsets(%dma_start3A_82 : memref<128xi32, #tpu.memory_space<vmem>>) semaphore(%arg28 : memref<!tpu.dma_semaphore, #tpu.memory_space<semaphore_mem>>)
    %dma_start3A_86 = arith.constant 7 : i32
    %dma_start3A_87 = arith.constant 0 : i32
    %dma_start3A_88 = tpu.memref_slice %arg5[%dma_start3A_86, %dma_start3A_87] : memref<200x128xi32, #tpu.memory_space<vmem>> -> memref<1x128xi32, #tpu.memory_space<vmem>>
    %dma_start3A_89 = tpu.memref_squeeze %dma_start3A_88 : memref<1x128xi32, #tpu.memory_space<vmem>> -> memref<128xi32, #tpu.memory_space<vmem>>
    %dma_start3A_90 = arith.constant 0 : i32
    %dma_start3A_91 = arith.constant 0 : i32
    %dma_start3A_92 = tpu.memref_slice %arg3[%dma_start3A_90, %dma_start3A_91] : memref<1000000x32xf32, #tpu.memory_space<hbm>> -> memref<1000000x32xf32, #tpu.memory_space<hbm>>
    tpu.enqueue_indirect_dma source(%dma_start3A_92 : memref<1000000x32xf32, #tpu.memory_space<hbm>>) target(%arg13 : memref<128x32xf32, #tpu.memory_space<vmem>>) offsets(%dma_start3A_89 : memref<128xi32, #tpu.memory_space<vmem>>) semaphore(%arg29 : memref<!tpu.dma_semaphore, #tpu.memory_space<semaphore_mem>>)
    %scan3A = arith.constant 0 : i32
    %scan3A_93 = arith.constant 0 : i32
    %scan3A_94 = arith.constant 25 : i32
    %scan3A_95 = arith.addi %scan3A_93, %scan3A_94 : i32
    %scan3A_96 = arith.constant 1 : i32
    scf.for %scan3A_98 = %scan3A_93 to %scan3A_95 step %scan3A_96  : i32 {
      %mul3A_99 = arith.constant 8 : i32
      %mul3A_100 = arith.muli %scan3A_98, %mul3A_99 : i32
      %add3A_101 = arith.constant 0 : i32
      %add3A_102 = arith.addi %mul3A_100, %add3A_101 : i32
      %dma_wait3A_103 = arith.constant 0 : i32
      %dma_wait3A_104 = arith.constant 0 : i32
      %dma_wait3A_105 = tpu.memref_slice %arg5[%dma_wait3A_103, %dma_wait3A_104] : memref<200x128xi32, #tpu.memory_space<vmem>> -> memref<1x128xi32, #tpu.memory_space<vmem>>
      %dma_wait3A_106 = tpu.memref_squeeze %dma_wait3A_105 : memref<1x128xi32, #tpu.memory_space<vmem>> -> memref<128xi32, #tpu.memory_space<vmem>>
      %dma_wait3A_107 = arith.constant 0 : i32
      %dma_wait3A_108 = arith.constant 0 : i32
      %dma_wait3A_109 = tpu.memref_slice %arg3[%dma_wait3A_107, %dma_wait3A_108] : memref<1000000x32xf32, #tpu.memory_space<hbm>> -> memref<1000000x32xf32, #tpu.memory_space<hbm>>
      tpu.wait_indirect_dma semaphore(%arg22 : memref<!tpu.dma_semaphore, #tpu.memory_space<semaphore_mem>>) src(%dma_wait3A_109 : memref<1000000x32xf32, #tpu.memory_space<hbm>>) dst(%arg6 : memref<128x32xf32, #tpu.memory_space<vmem>>)
      %scan3A_110 = arith.constant 0 : i32
      %scan3A_111 = arith.constant 0 : i32
      %scan3A_112 = arith.constant 32 : i32
      %scan3A_113 = arith.addi %scan3A_111, %scan3A_112 : i32
      %scan3A_114 = arith.constant 1 : i32
      scf.for %scan3A_799 = %scan3A_111 to %scan3A_113 step %scan3A_114  : i32 {
        %broadcast_in_dim3A = vector.broadcast %scan3A_799 : i32 to vector<16xi32>
        %add3A_800 = arith.addi %iota3A, %broadcast_in_dim3A : vector<16xi32>
        %and3A_801 = arith.constant 31 : i32
        %and3A_802 = vector.broadcast %and3A_801 : i32 to vector<16xi32>
        %and3A_803 = arith.andi %add3A_800, %and3A_802 : vector<16xi32>
        %gather3A = tpu.vector_load_idx %arg6[%iota3A, %and3A_803] : memref<128x32xf32, #tpu.memory_space<vmem>>[vector<16xi32>, vector<16xi32>], vector<16xf32>,
        %shift_right_arithmetic3A = arith.constant 3 : i32
        %shift_right_arithmetic3A_804 = vector.broadcast %shift_right_arithmetic3A : i32 to vector<16xi32>
        %shift_right_arithmetic3A_805 = arith.shrsi %and3A_803, %shift_right_arithmetic3A_804 : vector<16xi32>
        %and3A_806 = arith.constant 7 : i32
        %and3A_807 = vector.broadcast %and3A_806 : i32 to vector<16xi32>
        %and3A_808 = arith.andi %and3A_803, %and3A_807 : vector<16xi32>
        tpu.vector_store_idx %arg14[%shift_right_arithmetic3A_805, %and3A_808, %iota3A], %gather3A : memref<4x8x128xf32, #tpu.memory_space<vmem>>[vector<16xi32>, vector<16xi32>, vector<16xi32>], vector<16xf32>,
        %add3A_809 = arith.addi %add3A_12, %broadcast_in_dim3A : vector<16xi32>
        %and3A_810 = arith.constant 31 : i32
        %and3A_811 = vector.broadcast %and3A_810 : i32 to vector<16xi32>
        %and3A_812 = arith.andi %add3A_809, %and3A_811 : vector<16xi32>
        %gather3A_813 = tpu.vector_load_idx %arg6[%add3A_12, %and3A_812] : memref<128x32xf32, #tpu.memory_space<vmem>>[vector<16xi32>, vector<16xi32>], vector<16xf32>,
        %shift_right_arithmetic3A_814 = arith.constant 3 : i32
        %shift_right_arithmetic3A_815 = vector.broadcast %shift_right_arithmetic3A_814 : i32 to vector<16xi32>
        %shift_right_arithmetic3A_816 = arith.shrsi %and3A_812, %shift_right_arithmetic3A_815 : vector<16xi32>
        %and3A_817 = arith.constant 7 : i32
        %and3A_818 = vector.broadcast %and3A_817 : i32 to vector<16xi32>
        %and3A_819 = arith.andi %and3A_812, %and3A_818 : vector<16xi32>
        tpu.vector_store_idx %arg14[%shift_right_arithmetic3A_816, %and3A_819, %add3A_12], %gather3A_813 : memref<4x8x128xf32, #tpu.memory_space<vmem>>[vector<16xi32>, vector<16xi32>, vector<16xi32>], vector<16xf32>,
        %add3A_820 = arith.addi %add3A_16, %broadcast_in_dim3A : vector<16xi32>
        %and3A_821 = arith.constant 31 : i32
        %and3A_822 = vector.broadcast %and3A_821 : i32 to vector<16xi32>
        %and3A_823 = arith.andi %add3A_820, %and3A_822 : vector<16xi32>
        %gather3A_824 = tpu.vector_load_idx %arg6[%add3A_16, %and3A_823] : memref<128x32xf32, #tpu.memory_space<vmem>>[vector<16xi32>, vector<16xi32>], vector<16xf32>,
        %shift_right_arithmetic3A_825 = arith.constant 3 : i32
        %shift_right_arithmetic3A_826 = vector.broadcast %shift_right_arithmetic3A_825 : i32 to vector<16xi32>
        %shift_right_arithmetic3A_827 = arith.shrsi %and3A_823, %shift_right_arithmetic3A_826 : vector<16xi32>
        %and3A_828 = arith.constant 7 : i32
        %and3A_829 = vector.broadcast %and3A_828 : i32 to vector<16xi32>
        %and3A_830 = arith.andi %and3A_823, %and3A_829 : vector<16xi32>
        tpu.vector_store_idx %arg14[%shift_right_arithmetic3A_827, %and3A_830, %add3A_16], %gather3A_824 : memref<4x8x128xf32, #tpu.memory_space<vmem>>[vector<16xi32>, vector<16xi32>, vector<16xi32>], vector<16xf32>,
        %add3A_831 = arith.addi %add3A_20, %broadcast_in_dim3A : vector<16xi32>
        %and3A_832 = arith.constant 31 : i32
        %and3A_833 = vector.broadcast %and3A_832 : i32 to vector<16xi32>
        %and3A_834 = arith.andi %add3A_831, %and3A_833 : vector<16xi32>
        %gather3A_835 = tpu.vector_load_idx %arg6[%add3A_20, %and3A_834] : memref<128x32xf32, #tpu.memory_space<vmem>>[vector<16xi32>, vector<16xi32>], vector<16xf32>,
        %shift_right_arithmetic3A_836 = arith.constant 3 : i32
        %shift_right_arithmetic3A_837 = vector.broadcast %shift_right_arithmetic3A_836 : i32 to vector<16xi32>
        %shift_right_arithmetic3A_838 = arith.shrsi %and3A_834, %shift_right_arithmetic3A_837 : vector<16xi32>
        %and3A_839 = arith.constant 7 : i32
        %and3A_840 = vector.broadcast %and3A_839 : i32 to vector<16xi32>
        %and3A_841 = arith.andi %and3A_834, %and3A_840 : vector<16xi32>
        tpu.vector_store_idx %arg14[%shift_right_arithmetic3A_838, %and3A_841, %add3A_20], %gather3A_835 : memref<4x8x128xf32, #tpu.memory_space<vmem>>[vector<16xi32>, vector<16xi32>, vector<16xi32>], vector<16xf32>,
        %add3A_842 = arith.addi %add3A_24, %broadcast_in_dim3A : vector<16xi32>
        %and3A_843 = arith.constant 31 : i32
        %and3A_844 = vector.broadcast %and3A_843 : i32 to vector<16xi32>
        %and3A_845 = arith.andi %add3A_842, %and3A_844 : vector<16xi32>
        %gather3A_846 = tpu.vector_load_idx %arg6[%add3A_24, %and3A_845] : memref<128x32xf32, #tpu.memory_space<vmem>>[vector<16xi32>, vector<16xi32>], vector<16xf32>,
        %shift_right_arithmetic3A_847 = arith.constant 3 : i32
        %shift_right_arithmetic3A_848 = vector.broadcast %shift_right_arithmetic3A_847 : i32 to vector<16xi32>
        %shift_right_arithmetic3A_849 = arith.shrsi %and3A_845, %shift_right_arithmetic3A_848 : vector<16xi32>
        %and3A_850 = arith.constant 7 : i32
        %and3A_851 = vector.broadcast %and3A_850 : i32 to vector<16xi32>
        %and3A_852 = arith.andi %and3A_845, %and3A_851 : vector<16xi32>
        tpu.vector_store_idx %arg14[%shift_right_arithmetic3A_849, %and3A_852, %add3A_24], %gather3A_846 : memref<4x8x128xf32, #tpu.memory_space<vmem>>[vector<16xi32>, vector<16xi32>, vector<16xi32>], vector<16xf32>,
        %add3A_853 = arith.addi %add3A_28, %broadcast_in_dim3A : vector<16xi32>
        %and3A_854 = arith.constant 31 : i32
        %and3A_855 = vector.broadcast %and3A_854 : i32 to vector<16xi32>
        %and3A_856 = arith.andi %add3A_853, %and3A_855 : vector<16xi32>
        %gather3A_857 = tpu.vector_load_idx %arg6[%add3A_28, %and3A_856] : memref<128x32xf32, #tpu.memory_space<vmem>>[vector<16xi32>, vector<16xi32>], vector<16xf32>,
        %shift_right_arithmetic3A_858 = arith.constant 3 : i32
        %shift_right_arithmetic3A_859 = vector.broadcast %shift_right_arithmetic3A_858 : i32 to vector<16xi32>
        %shift_right_arithmetic3A_860 = arith.shrsi %and3A_856, %shift_right_arithmetic3A_859 : vector<16xi32>
        %and3A_861 = arith.constant 7 : i32
        %and3A_862 = vector.broadcast %and3A_861 : i32 to vector<16xi32>
        %and3A_863 = arith.andi %and3A_856, %and3A_862 : vector<16xi32>
        tpu.vector_store_idx %arg14[%shift_right_arithmetic3A_860, %and3A_863, %add3A_28], %gather3A_857 : memref<4x8x128xf32, #tpu.memory_space<vmem>>[vector<16xi32>, vector<16xi32>, vector<16xi32>], vector<16xf32>,
        %add3A_864 = arith.addi %add3A_32, %broadcast_in_dim3A : vector<16xi32>
        %and3A_865 = arith.constant 31 : i32
        %and3A_866 = vector.broadcast %and3A_865 : i32 to vector<16xi32>
        %and3A_867 = arith.andi %add3A_864, %and3A_866 : vector<16xi32>
        %gather3A_868 = tpu.vector_load_idx %arg6[%add3A_32, %and3A_867] : memref<128x32xf32, #tpu.memory_space<vmem>>[vector<16xi32>, vector<16xi32>], vector<16xf32>,
        %shift_right_arithmetic3A_869 = arith.constant 3 : i32
        %shift_right_arithmetic3A_870 = vector.broadcast %shift_right_arithmetic3A_869 : i32 to vector<16xi32>
        %shift_right_arithmetic3A_871 = arith.shrsi %and3A_867, %shift_right_arithmetic3A_870 : vector<16xi32>
        %and3A_872 = arith.constant 7 : i32
        %and3A_873 = vector.broadcast %and3A_872 : i32 to vector<16xi32>
        %and3A_874 = arith.andi %and3A_867, %and3A_873 : vector<16xi32>
        tpu.vector_store_idx %arg14[%shift_right_arithmetic3A_871, %and3A_874, %add3A_32], %gather3A_868 : memref<4x8x128xf32, #tpu.memory_space<vmem>>[vector<16xi32>, vector<16xi32>, vector<16xi32>], vector<16xf32>,
        %add3A_875 = arith.addi %add3A_36, %broadcast_in_dim3A : vector<16xi32>
        %and3A_876 = arith.constant 31 : i32
        %and3A_877 = vector.broadcast %and3A_876 : i32 to vector<16xi32>
        %and3A_878 = arith.andi %add3A_875, %and3A_877 : vector<16xi32>
        %gather3A_879 = tpu.vector_load_idx %arg6[%add3A_36, %and3A_878] : memref<128x32xf32, #tpu.memory_space<vmem>>[vector<16xi32>, vector<16xi32>], vector<16xf32>,
        %shift_right_arithmetic3A_880 = arith.constant 3 : i32
        %shift_right_arithmetic3A_881 = vector.broadcast %shift_right_arithmetic3A_880 : i32 to vector<16xi32>
        %shift_right_arithmetic3A_882 = arith.shrsi %and3A_878, %shift_right_arithmetic3A_881 : vector<16xi32>
        %and3A_883 = arith.constant 7 : i32
        %and3A_884 = vector.broadcast %and3A_883 : i32 to vector<16xi32>
        %and3A_885 = arith.andi %and3A_878, %and3A_884 : vector<16xi32>
        tpu.vector_store_idx %arg14[%shift_right_arithmetic3A_882, %and3A_885, %add3A_36], %gather3A_879 : memref<4x8x128xf32, #tpu.memory_space<vmem>>[vector<16xi32>, vector<16xi32>, vector<16xi32>], vector<16xf32>,
      }
      %scan3A_115 = arith.constant 32 : i32
      %add3A_116 = arith.addi %mul3A_2, %add3A_102 : i32
      %jit3A = arith.constant 32 : i32
      %div3A = arith.divsi %add3A_116, %jit3A : i32
      %sign3A = arith.constant 0 : i32
      %sign3A_117 = arith.cmpi sgt, %add3A_116, %sign3A : i32
      %sign3A_118 = arith.extui %sign3A_117 : i1 to i32
      %sign3A_119 = arith.constant 0 : i32
      %sign3A_120 = arith.cmpi slt, %add3A_116, %sign3A_119 : i32
      %sign3A_121 = arith.extui %sign3A_120 : i1 to i32
      %sign3A_122 = arith.subi %sign3A_118, %sign3A_121 : i32
      %sign3A_123 = arith.constant 0 : i32
      %sign3A_124 = arith.cmpi sgt, %jit3A, %sign3A_123 : i32
      %sign3A_125 = arith.extui %sign3A_124 : i1 to i32
      %sign3A_126 = arith.constant 0 : i32
      %sign3A_127 = arith.cmpi slt, %jit3A, %sign3A_126 : i32
      %sign3A_128 = arith.extui %sign3A_127 : i1 to i32
      %sign3A_129 = arith.subi %sign3A_125, %sign3A_128 : i32
      %ne3A = arith.cmpi ne, %sign3A_122, %sign3A_129 : i32
      %rem3A = arith.remsi %add3A_116, %jit3A : i32
      %ne3A_130 = arith.constant 0 : i32
      %ne3A_131 = arith.cmpi ne, %rem3A, %ne3A_130 : i32
      %and3A = arith.andi %ne3A, %ne3A_131 : i1
      %sub3A = arith.constant 1 : i32
      %sub3A_132 = arith.subi %div3A, %sub3A : i32
      %select_n3A = arith.select %and3A, %sub3A_132, %div3A : i32
      %jit3A_133 = arith.constant 32 : i32
      %eq3A = arith.constant 0 : i32
      %eq3A_134 = arith.cmpi eq, %jit3A_133, %eq3A : i32
      %jit3A_135 = arith.constant 1 : i32
      %select_n3A_136 = arith.select %eq3A_134, %jit3A_135, %jit3A_133 : i32
      %rem3A_137 = arith.remsi %add3A_116, %select_n3A_136 : i32
      %ne3A_138 = arith.constant 0 : i32
      %ne3A_139 = arith.cmpi ne, %rem3A_137, %ne3A_138 : i32
      %lt3A = arith.constant 0 : i32
      %lt3A_140 = arith.cmpi slt, %rem3A_137, %lt3A : i32
      %lt3A_141 = arith.constant 0 : i32
      %lt3A_142 = arith.cmpi slt, %select_n3A_136, %lt3A_141 : i32
      %ne3A_143 = arith.xori %lt3A_140, %lt3A_142 : i1
      %and3A_144 = arith.andi %ne3A_143, %ne3A_139 : i1
      %add3A_145 = arith.addi %rem3A_137, %select_n3A_136 : i32
      %select_n3A_146 = arith.select %and3A_144, %add3A_145, %rem3A_137 : i32
      %dma_start3A_147 = arith.constant 0 : i32
      %dma_start3A_148 = arith.constant 0 : i32
      %dma_start3A_149 = arith.constant 0 : i32
      %dma_start3A_150 = tpu.memref_slice %arg4[%select_n3A, %dma_start3A_147, %select_n3A_146, %dma_start3A_148, %dma_start3A_149] : memref<200x4x32x8x128xf32, #tpu.memory_space<hbm>> -> memref<1x4x1x8x128xf32, #tpu.memory_space<hbm>>
      %dma_start3A_151 = tpu.memref_squeeze %dma_start3A_150 : memref<1x4x1x8x128xf32, #tpu.memory_space<hbm>> -> memref<4x8x128xf32, #tpu.memory_space<hbm>>
      %dma_start3A_152 = arith.constant 0 : i32
      %dma_start3A_153 = arith.constant 0 : i32
      %dma_start3A_154 = arith.constant 0 : i32
      %dma_start3A_155 = tpu.memref_slice %arg4[%select_n3A, %dma_start3A_152, %select_n3A_146, %dma_start3A_153, %dma_start3A_154] : memref<200x4x32x8x128xf32, #tpu.memory_space<hbm>> -> memref<1x4x1x8x128xf32, #tpu.memory_space<hbm>>
      %dma_start3A_156 = tpu.memref_squeeze %dma_start3A_155 : memref<1x4x1x8x128xf32, #tpu.memory_space<hbm>> -> memref<4x8x128xf32, #tpu.memory_space<hbm>>
      tpu.enqueue_dma source(%arg14 : memref<4x8x128xf32, #tpu.memory_space<vmem>>) target(%dma_start3A_156 : memref<4x8x128xf32, #tpu.memory_space<hbm>>) target_semaphore(%arg30 : memref<!tpu.dma_semaphore, #tpu.memory_space<semaphore_mem>>)
      %mul3A_157 = arith.constant 8 : i32
      %mul3A_158 = arith.muli %scan3A_98, %mul3A_157 : i32
      %add3A_159 = arith.constant 1 : i32
      %add3A_160 = arith.addi %mul3A_158, %add3A_159 : i32
      %dma_wait3A_161 = arith.constant 0 : i32
      %dma_wait3A_162 = arith.constant 0 : i32
      %dma_wait3A_163 = tpu.memref_slice %arg5[%dma_wait3A_161, %dma_wait3A_162] : memref<200x128xi32, #tpu.memory_space<vmem>> -> memref<1x128xi32, #tpu.memory_space<vmem>>
      %dma_wait3A_164 = tpu.memref_squeeze %dma_wait3A_163 : memref<1x128xi32, #tpu.memory_space<vmem>> -> memref<128xi32, #tpu.memory_space<vmem>>
      %dma_wait3A_165 = arith.constant 0 : i32
      %dma_wait3A_166 = arith.constant 0 : i32
      %dma_wait3A_167 = tpu.memref_slice %arg3[%dma_wait3A_165, %dma_wait3A_166] : memref<1000000x32xf32, #tpu.memory_space<hbm>> -> memref<1000000x32xf32, #tpu.memory_space<hbm>>
      tpu.wait_indirect_dma semaphore(%arg23 : memref<!tpu.dma_semaphore, #tpu.memory_space<semaphore_mem>>) src(%dma_wait3A_167 : memref<1000000x32xf32, #tpu.memory_space<hbm>>) dst(%arg7 : memref<128x32xf32, #tpu.memory_space<vmem>>)
      %scan3A_168 = arith.constant 0 : i32
      %scan3A_169 = arith.constant 0 : i32
      %scan3A_170 = arith.constant 32 : i32
      %scan3A_171 = arith.addi %scan3A_169, %scan3A_170 : i32
      %scan3A_172 = arith.constant 1 : i32
      scf.for %scan3A_799 = %scan3A_169 to %scan3A_171 step %scan3A_172  : i32 {
        %broadcast_in_dim3A = vector.broadcast %scan3A_799 : i32 to vector<16xi32>
        %add3A_800 = arith.addi %iota3A, %broadcast_in_dim3A : vector<16xi32>
        %and3A_801 = arith.constant 31 : i32
        %and3A_802 = vector.broadcast %and3A_801 : i32 to vector<16xi32>
        %and3A_803 = arith.andi %add3A_800, %and3A_802 : vector<16xi32>
        %gather3A = tpu.vector_load_idx %arg7[%iota3A, %and3A_803] : memref<128x32xf32, #tpu.memory_space<vmem>>[vector<16xi32>, vector<16xi32>], vector<16xf32>,
        %shift_right_arithmetic3A = arith.constant 3 : i32
        %shift_right_arithmetic3A_804 = vector.broadcast %shift_right_arithmetic3A : i32 to vector<16xi32>
        %shift_right_arithmetic3A_805 = arith.shrsi %and3A_803, %shift_right_arithmetic3A_804 : vector<16xi32>
        %and3A_806 = arith.constant 7 : i32
        %and3A_807 = vector.broadcast %and3A_806 : i32 to vector<16xi32>
        %and3A_808 = arith.andi %and3A_803, %and3A_807 : vector<16xi32>
        tpu.vector_store_idx %arg15[%shift_right_arithmetic3A_805, %and3A_808, %iota3A], %gather3A : memref<4x8x128xf32, #tpu.memory_space<vmem>>[vector<16xi32>, vector<16xi32>, vector<16xi32>], vector<16xf32>,
        %add3A_809 = arith.addi %add3A_12, %broadcast_in_dim3A : vector<16xi32>
        %and3A_810 = arith.constant 31 : i32
        %and3A_811 = vector.broadcast %and3A_810 : i32 to vector<16xi32>
        %and3A_812 = arith.andi %add3A_809, %and3A_811 : vector<16xi32>
        %gather3A_813 = tpu.vector_load_idx %arg7[%add3A_12, %and3A_812] : memref<128x32xf32, #tpu.memory_space<vmem>>[vector<16xi32>, vector<16xi32>], vector<16xf32>,
        %shift_right_arithmetic3A_814 = arith.constant 3 : i32
        %shift_right_arithmetic3A_815 = vector.broadcast %shift_right_arithmetic3A_814 : i32 to vector<16xi32>
        %shift_right_arithmetic3A_816 = arith.shrsi %and3A_812, %shift_right_arithmetic3A_815 : vector<16xi32>
        %and3A_817 = arith.constant 7 : i32
        %and3A_818 = vector.broadcast %and3A_817 : i32 to vector<16xi32>
        %and3A_819 = arith.andi %and3A_812, %and3A_818 : vector<16xi32>
        tpu.vector_store_idx %arg15[%shift_right_arithmetic3A_816, %and3A_819, %add3A_12], %gather3A_813 : memref<4x8x128xf32, #tpu.memory_space<vmem>>[vector<16xi32>, vector<16xi32>, vector<16xi32>], vector<16xf32>,
        %add3A_820 = arith.addi %add3A_16, %broadcast_in_dim3A : vector<16xi32>
        %and3A_821 = arith.constant 31 : i32
        %and3A_822 = vector.broadcast %and3A_821 : i32 to vector<16xi32>
        %and3A_823 = arith.andi %add3A_820, %and3A_822 : vector<16xi32>
        %gather3A_824 = tpu.vector_load_idx %arg7[%add3A_16, %and3A_823] : memref<128x32xf32, #tpu.memory_space<vmem>>[vector<16xi32>, vector<16xi32>], vector<16xf32>,
        %shift_right_arithmetic3A_825 = arith.constant 3 : i32
        %shift_right_arithmetic3A_826 = vector.broadcast %shift_right_arithmetic3A_825 : i32 to vector<16xi32>
        %shift_right_arithmetic3A_827 = arith.shrsi %and3A_823, %shift_right_arithmetic3A_826 : vector<16xi32>
        %and3A_828 = arith.constant 7 : i32
        %and3A_829 = vector.broadcast %and3A_828 : i32 to vector<16xi32>
        %and3A_830 = arith.andi %and3A_823, %and3A_829 : vector<16xi32>
        tpu.vector_store_idx %arg15[%shift_right_arithmetic3A_827, %and3A_830, %add3A_16], %gather3A_824 : memref<4x8x128xf32, #tpu.memory_space<vmem>>[vector<16xi32>, vector<16xi32>, vector<16xi32>], vector<16xf32>,
        %add3A_831 = arith.addi %add3A_20, %broadcast_in_dim3A : vector<16xi32>
        %and3A_832 = arith.constant 31 : i32
        %and3A_833 = vector.broadcast %and3A_832 : i32 to vector<16xi32>
        %and3A_834 = arith.andi %add3A_831, %and3A_833 : vector<16xi32>
        %gather3A_835 = tpu.vector_load_idx %arg7[%add3A_20, %and3A_834] : memref<128x32xf32, #tpu.memory_space<vmem>>[vector<16xi32>, vector<16xi32>], vector<16xf32>,
        %shift_right_arithmetic3A_836 = arith.constant 3 : i32
        %shift_right_arithmetic3A_837 = vector.broadcast %shift_right_arithmetic3A_836 : i32 to vector<16xi32>
        %shift_right_arithmetic3A_838 = arith.shrsi %and3A_834, %shift_right_arithmetic3A_837 : vector<16xi32>
        %and3A_839 = arith.constant 7 : i32
        %and3A_840 = vector.broadcast %and3A_839 : i32 to vector<16xi32>
        %and3A_841 = arith.andi %and3A_834, %and3A_840 : vector<16xi32>
        tpu.vector_store_idx %arg15[%shift_right_arithmetic3A_838, %and3A_841, %add3A_20], %gather3A_835 : memref<4x8x128xf32, #tpu.memory_space<vmem>>[vector<16xi32>, vector<16xi32>, vector<16xi32>], vector<16xf32>,
        %add3A_842 = arith.addi %add3A_24, %broadcast_in_dim3A : vector<16xi32>
        %and3A_843 = arith.constant 31 : i32
        %and3A_844 = vector.broadcast %and3A_843 : i32 to vector<16xi32>
        %and3A_845 = arith.andi %add3A_842, %and3A_844 : vector<16xi32>
        %gather3A_846 = tpu.vector_load_idx %arg7[%add3A_24, %and3A_845] : memref<128x32xf32, #tpu.memory_space<vmem>>[vector<16xi32>, vector<16xi32>], vector<16xf32>,
        %shift_right_arithmetic3A_847 = arith.constant 3 : i32
        %shift_right_arithmetic3A_848 = vector.broadcast %shift_right_arithmetic3A_847 : i32 to vector<16xi32>
        %shift_right_arithmetic3A_849 = arith.shrsi %and3A_845, %shift_right_arithmetic3A_848 : vector<16xi32>
        %and3A_850 = arith.constant 7 : i32
        %and3A_851 = vector.broadcast %and3A_850 : i32 to vector<16xi32>
        %and3A_852 = arith.andi %and3A_845, %and3A_851 : vector<16xi32>
        tpu.vector_store_idx %arg15[%shift_right_arithmetic3A_849, %and3A_852, %add3A_24], %gather3A_846 : memref<4x8x128xf32, #tpu.memory_space<vmem>>[vector<16xi32>, vector<16xi32>, vector<16xi32>], vector<16xf32>,
        %add3A_853 = arith.addi %add3A_28, %broadcast_in_dim3A : vector<16xi32>
        %and3A_854 = arith.constant 31 : i32
        %and3A_855 = vector.broadcast %and3A_854 : i32 to vector<16xi32>
        %and3A_856 = arith.andi %add3A_853, %and3A_855 : vector<16xi32>
        %gather3A_857 = tpu.vector_load_idx %arg7[%add3A_28, %and3A_856] : memref<128x32xf32, #tpu.memory_space<vmem>>[vector<16xi32>, vector<16xi32>], vector<16xf32>,
        %shift_right_arithmetic3A_858 = arith.constant 3 : i32
        %shift_right_arithmetic3A_859 = vector.broadcast %shift_right_arithmetic3A_858 : i32 to vector<16xi32>
        %shift_right_arithmetic3A_860 = arith.shrsi %and3A_856, %shift_right_arithmetic3A_859 : vector<16xi32>
        %and3A_861 = arith.constant 7 : i32
        %and3A_862 = vector.broadcast %and3A_861 : i32 to vector<16xi32>
        %and3A_863 = arith.andi %and3A_856, %and3A_862 : vector<16xi32>
        tpu.vector_store_idx %arg15[%shift_right_arithmetic3A_860, %and3A_863, %add3A_28], %gather3A_857 : memref<4x8x128xf32, #tpu.memory_space<vmem>>[vector<16xi32>, vector<16xi32>, vector<16xi32>], vector<16xf32>,
        %add3A_864 = arith.addi %add3A_32, %broadcast_in_dim3A : vector<16xi32>
        %and3A_865 = arith.constant 31 : i32
        %and3A_866 = vector.broadcast %and3A_865 : i32 to vector<16xi32>
        %and3A_867 = arith.andi %add3A_864, %and3A_866 : vector<16xi32>
        %gather3A_868 = tpu.vector_load_idx %arg7[%add3A_32, %and3A_867] : memref<128x32xf32, #tpu.memory_space<vmem>>[vector<16xi32>, vector<16xi32>], vector<16xf32>,
        %shift_right_arithmetic3A_869 = arith.constant 3 : i32
        %shift_right_arithmetic3A_870 = vector.broadcast %shift_right_arithmetic3A_869 : i32 to vector<16xi32>
        %shift_right_arithmetic3A_871 = arith.shrsi %and3A_867, %shift_right_arithmetic3A_870 : vector<16xi32>
        %and3A_872 = arith.constant 7 : i32
        %and3A_873 = vector.broadcast %and3A_872 : i32 to vector<16xi32>
        %and3A_874 = arith.andi %and3A_867, %and3A_873 : vector<16xi32>
        tpu.vector_store_idx %arg15[%shift_right_arithmetic3A_871, %and3A_874, %add3A_32], %gather3A_868 : memref<4x8x128xf32, #tpu.memory_space<vmem>>[vector<16xi32>, vector<16xi32>, vector<16xi32>], vector<16xf32>,
        %add3A_875 = arith.addi %add3A_36, %broadcast_in_dim3A : vector<16xi32>
        %and3A_876 = arith.constant 31 : i32
        %and3A_877 = vector.broadcast %and3A_876 : i32 to vector<16xi32>
        %and3A_878 = arith.andi %add3A_875, %and3A_877 : vector<16xi32>
        %gather3A_879 = tpu.vector_load_idx %arg7[%add3A_36, %and3A_878] : memref<128x32xf32, #tpu.memory_space<vmem>>[vector<16xi32>, vector<16xi32>], vector<16xf32>,
        %shift_right_arithmetic3A_880 = arith.constant 3 : i32
        %shift_right_arithmetic3A_881 = vector.broadcast %shift_right_arithmetic3A_880 : i32 to vector<16xi32>
        %shift_right_arithmetic3A_882 = arith.shrsi %and3A_878, %shift_right_arithmetic3A_881 : vector<16xi32>
        %and3A_883 = arith.constant 7 : i32
        %and3A_884 = vector.broadcast %and3A_883 : i32 to vector<16xi32>
        %and3A_885 = arith.andi %and3A_878, %and3A_884 : vector<16xi32>
        tpu.vector_store_idx %arg15[%shift_right_arithmetic3A_882, %and3A_885, %add3A_36], %gather3A_879 : memref<4x8x128xf32, #tpu.memory_space<vmem>>[vector<16xi32>, vector<16xi32>, vector<16xi32>], vector<16xf32>,
      }
      %scan3A_173 = arith.constant 32 : i32
      %add3A_174 = arith.addi %mul3A_2, %add3A_160 : i32
      %jit3A_175 = arith.constant 32 : i32
      %div3A_176 = arith.divsi %add3A_174, %jit3A_175 : i32
      %sign3A_177 = arith.constant 0 : i32
      %sign3A_178 = arith.cmpi sgt, %add3A_174, %sign3A_177 : i32
      %sign3A_179 = arith.extui %sign3A_178 : i1 to i32
      %sign3A_180 = arith.constant 0 : i32
      %sign3A_181 = arith.cmpi slt, %add3A_174, %sign3A_180 : i32
      %sign3A_182 = arith.extui %sign3A_181 : i1 to i32
      %sign3A_183 = arith.subi %sign3A_179, %sign3A_182 : i32
      %sign3A_184 = arith.constant 0 : i32
      %sign3A_185 = arith.cmpi sgt, %jit3A_175, %sign3A_184 : i32
      %sign3A_186 = arith.extui %sign3A_185 : i1 to i32
      %sign3A_187 = arith.constant 0 : i32
      %sign3A_188 = arith.cmpi slt, %jit3A_175, %sign3A_187 : i32
      %sign3A_189 = arith.extui %sign3A_188 : i1 to i32
      %sign3A_190 = arith.subi %sign3A_186, %sign3A_189 : i32
      %ne3A_191 = arith.cmpi ne, %sign3A_183, %sign3A_190 : i32
      %rem3A_192 = arith.remsi %add3A_174, %jit3A_175 : i32
      %ne3A_193 = arith.constant 0 : i32
      %ne3A_194 = arith.cmpi ne, %rem3A_192, %ne3A_193 : i32
      %and3A_195 = arith.andi %ne3A_191, %ne3A_194 : i1
      %sub3A_196 = arith.constant 1 : i32
      %sub3A_197 = arith.subi %div3A_176, %sub3A_196 : i32
      %select_n3A_198 = arith.select %and3A_195, %sub3A_197, %div3A_176 : i32
      %jit3A_199 = arith.constant 32 : i32
      %eq3A_200 = arith.constant 0 : i32
      %eq3A_201 = arith.cmpi eq, %jit3A_199, %eq3A_200 : i32
      %jit3A_202 = arith.constant 1 : i32
      %select_n3A_203 = arith.select %eq3A_201, %jit3A_202, %jit3A_199 : i32
      %rem3A_204 = arith.remsi %add3A_174, %select_n3A_203 : i32
      %ne3A_205 = arith.constant 0 : i32
      %ne3A_206 = arith.cmpi ne, %rem3A_204, %ne3A_205 : i32
      %lt3A_207 = arith.constant 0 : i32
      %lt3A_208 = arith.cmpi slt, %rem3A_204, %lt3A_207 : i32
      %lt3A_209 = arith.constant 0 : i32
      %lt3A_210 = arith.cmpi slt, %select_n3A_203, %lt3A_209 : i32
      %ne3A_211 = arith.xori %lt3A_208, %lt3A_210 : i1
      %and3A_212 = arith.andi %ne3A_211, %ne3A_206 : i1
      %add3A_213 = arith.addi %rem3A_204, %select_n3A_203 : i32
      %select_n3A_214 = arith.select %and3A_212, %add3A_213, %rem3A_204 : i32
      %dma_start3A_215 = arith.constant 0 : i32
      %dma_start3A_216 = arith.constant 0 : i32
      %dma_start3A_217 = arith.constant 0 : i32
      %dma_start3A_218 = tpu.memref_slice %arg4[%select_n3A_198, %dma_start3A_215, %select_n3A_214, %dma_start3A_216, %dma_start3A_217] : memref<200x4x32x8x128xf32, #tpu.memory_space<hbm>> -> memref<1x4x1x8x128xf32, #tpu.memory_space<hbm>>
      %dma_start3A_219 = tpu.memref_squeeze %dma_start3A_218 : memref<1x4x1x8x128xf32, #tpu.memory_space<hbm>> -> memref<4x8x128xf32, #tpu.memory_space<hbm>>
      %dma_start3A_220 = arith.constant 0 : i32
      %dma_start3A_221 = arith.constant 0 : i32
      %dma_start3A_222 = arith.constant 0 : i32
      %dma_start3A_223 = tpu.memref_slice %arg4[%select_n3A_198, %dma_start3A_220, %select_n3A_214, %dma_start3A_221, %dma_start3A_222] : memref<200x4x32x8x128xf32, #tpu.memory_space<hbm>> -> memref<1x4x1x8x128xf32, #tpu.memory_space<hbm>>
      %dma_start3A_224 = tpu.memref_squeeze %dma_start3A_223 : memref<1x4x1x8x128xf32, #tpu.memory_space<hbm>> -> memref<4x8x128xf32, #tpu.memory_space<hbm>>
      tpu.enqueue_dma source(%arg15 : memref<4x8x128xf32, #tpu.memory_space<vmem>>) target(%dma_start3A_224 : memref<4x8x128xf32, #tpu.memory_space<hbm>>) target_semaphore(%arg31 : memref<!tpu.dma_semaphore, #tpu.memory_space<semaphore_mem>>)
      %mul3A_225 = arith.constant 8 : i32
      %mul3A_226 = arith.muli %scan3A_98, %mul3A_225 : i32
      %add3A_227 = arith.constant 2 : i32
      %add3A_228 = arith.addi %mul3A_226, %add3A_227 : i32
      %dma_wait3A_229 = arith.constant 0 : i32
      %dma_wait3A_230 = arith.constant 0 : i32
      %dma_wait3A_231 = tpu.memref_slice %arg5[%dma_wait3A_229, %dma_wait3A_230] : memref<200x128xi32, #tpu.memory_space<vmem>> -> memref<1x128xi32, #tpu.memory_space<vmem>>
      %dma_wait3A_232 = tpu.memref_squeeze %dma_wait3A_231 : memref<1x128xi32, #tpu.memory_space<vmem>> -> memref<128xi32, #tpu.memory_space<vmem>>
      %dma_wait3A_233 = arith.constant 0 : i32
      %dma_wait3A_234 = arith.constant 0 : i32
      %dma_wait3A_235 = tpu.memref_slice %arg3[%dma_wait3A_233, %dma_wait3A_234] : memref<1000000x32xf32, #tpu.memory_space<hbm>> -> memref<1000000x32xf32, #tpu.memory_space<hbm>>
      tpu.wait_indirect_dma semaphore(%arg24 : memref<!tpu.dma_semaphore, #tpu.memory_space<semaphore_mem>>) src(%dma_wait3A_235 : memref<1000000x32xf32, #tpu.memory_space<hbm>>) dst(%arg8 : memref<128x32xf32, #tpu.memory_space<vmem>>)
      %scan3A_236 = arith.constant 0 : i32
      %scan3A_237 = arith.constant 0 : i32
      %scan3A_238 = arith.constant 32 : i32
      %scan3A_239 = arith.addi %scan3A_237, %scan3A_238 : i32
      %scan3A_240 = arith.constant 1 : i32
      scf.for %scan3A_799 = %scan3A_237 to %scan3A_239 step %scan3A_240  : i32 {
        %broadcast_in_dim3A = vector.broadcast %scan3A_799 : i32 to vector<16xi32>
        %add3A_800 = arith.addi %iota3A, %broadcast_in_dim3A : vector<16xi32>
        %and3A_801 = arith.constant 31 : i32
        %and3A_802 = vector.broadcast %and3A_801 : i32 to vector<16xi32>
        %and3A_803 = arith.andi %add3A_800, %and3A_802 : vector<16xi32>
        %gather3A = tpu.vector_load_idx %arg8[%iota3A, %and3A_803] : memref<128x32xf32, #tpu.memory_space<vmem>>[vector<16xi32>, vector<16xi32>], vector<16xf32>,
        %shift_right_arithmetic3A = arith.constant 3 : i32
        %shift_right_arithmetic3A_804 = vector.broadcast %shift_right_arithmetic3A : i32 to vector<16xi32>
        %shift_right_arithmetic3A_805 = arith.shrsi %and3A_803, %shift_right_arithmetic3A_804 : vector<16xi32>
        %and3A_806 = arith.constant 7 : i32
        %and3A_807 = vector.broadcast %and3A_806 : i32 to vector<16xi32>
        %and3A_808 = arith.andi %and3A_803, %and3A_807 : vector<16xi32>
        tpu.vector_store_idx %arg16[%shift_right_arithmetic3A_805, %and3A_808, %iota3A], %gather3A : memref<4x8x128xf32, #tpu.memory_space<vmem>>[vector<16xi32>, vector<16xi32>, vector<16xi32>], vector<16xf32>,
        %add3A_809 = arith.addi %add3A_12, %broadcast_in_dim3A : vector<16xi32>
        %and3A_810 = arith.constant 31 : i32
        %and3A_811 = vector.broadcast %and3A_810 : i32 to vector<16xi32>
        %and3A_812 = arith.andi %add3A_809, %and3A_811 : vector<16xi32>
        %gather3A_813 = tpu.vector_load_idx %arg8[%add3A_12, %and3A_812] : memref<128x32xf32, #tpu.memory_space<vmem>>[vector<16xi32>, vector<16xi32>], vector<16xf32>,
        %shift_right_arithmetic3A_814 = arith.constant 3 : i32
        %shift_right_arithmetic3A_815 = vector.broadcast %shift_right_arithmetic3A_814 : i32 to vector<16xi32>
        %shift_right_arithmetic3A_816 = arith.shrsi %and3A_812, %shift_right_arithmetic3A_815 : vector<16xi32>
        %and3A_817 = arith.constant 7 : i32
        %and3A_818 = vector.broadcast %and3A_817 : i32 to vector<16xi32>
        %and3A_819 = arith.andi %and3A_812, %and3A_818 : vector<16xi32>
        tpu.vector_store_idx %arg16[%shift_right_arithmetic3A_816, %and3A_819, %add3A_12], %gather3A_813 : memref<4x8x128xf32, #tpu.memory_space<vmem>>[vector<16xi32>, vector<16xi32>, vector<16xi32>], vector<16xf32>,
        %add3A_820 = arith.addi %add3A_16, %broadcast_in_dim3A : vector<16xi32>
        %and3A_821 = arith.constant 31 : i32
        %and3A_822 = vector.broadcast %and3A_821 : i32 to vector<16xi32>
        %and3A_823 = arith.andi %add3A_820, %and3A_822 : vector<16xi32>
        %gather3A_824 = tpu.vector_load_idx %arg8[%add3A_16, %and3A_823] : memref<128x32xf32, #tpu.memory_space<vmem>>[vector<16xi32>, vector<16xi32>], vector<16xf32>,
        %shift_right_arithmetic3A_825 = arith.constant 3 : i32
        %shift_right_arithmetic3A_826 = vector.broadcast %shift_right_arithmetic3A_825 : i32 to vector<16xi32>
        %shift_right_arithmetic3A_827 = arith.shrsi %and3A_823, %shift_right_arithmetic3A_826 : vector<16xi32>
        %and3A_828 = arith.constant 7 : i32
        %and3A_829 = vector.broadcast %and3A_828 : i32 to vector<16xi32>
        %and3A_830 = arith.andi %and3A_823, %and3A_829 : vector<16xi32>
        tpu.vector_store_idx %arg16[%shift_right_arithmetic3A_827, %and3A_830, %add3A_16], %gather3A_824 : memref<4x8x128xf32, #tpu.memory_space<vmem>>[vector<16xi32>, vector<16xi32>, vector<16xi32>], vector<16xf32>,
        %add3A_831 = arith.addi %add3A_20, %broadcast_in_dim3A : vector<16xi32>
        %and3A_832 = arith.constant 31 : i32
        %and3A_833 = vector.broadcast %and3A_832 : i32 to vector<16xi32>
        %and3A_834 = arith.andi %add3A_831, %and3A_833 : vector<16xi32>
        %gather3A_835 = tpu.vector_load_idx %arg8[%add3A_20, %and3A_834] : memref<128x32xf32, #tpu.memory_space<vmem>>[vector<16xi32>, vector<16xi32>], vector<16xf32>,
        %shift_right_arithmetic3A_836 = arith.constant 3 : i32
        %shift_right_arithmetic3A_837 = vector.broadcast %shift_right_arithmetic3A_836 : i32 to vector<16xi32>
        %shift_right_arithmetic3A_838 = arith.shrsi %and3A_834, %shift_right_arithmetic3A_837 : vector<16xi32>
        %and3A_839 = arith.constant 7 : i32
        %and3A_840 = vector.broadcast %and3A_839 : i32 to vector<16xi32>
        %and3A_841 = arith.andi %and3A_834, %and3A_840 : vector<16xi32>
        tpu.vector_store_idx %arg16[%shift_right_arithmetic3A_838, %and3A_841, %add3A_20], %gather3A_835 : memref<4x8x128xf32, #tpu.memory_space<vmem>>[vector<16xi32>, vector<16xi32>, vector<16xi32>], vector<16xf32>,
        %add3A_842 = arith.addi %add3A_24, %broadcast_in_dim3A : vector<16xi32>
        %and3A_843 = arith.constant 31 : i32
        %and3A_844 = vector.broadcast %and3A_843 : i32 to vector<16xi32>
        %and3A_845 = arith.andi %add3A_842, %and3A_844 : vector<16xi32>
        %gather3A_846 = tpu.vector_load_idx %arg8[%add3A_24, %and3A_845] : memref<128x32xf32, #tpu.memory_space<vmem>>[vector<16xi32>, vector<16xi32>], vector<16xf32>,
        %shift_right_arithmetic3A_847 = arith.constant 3 : i32
        %shift_right_arithmetic3A_848 = vector.broadcast %shift_right_arithmetic3A_847 : i32 to vector<16xi32>
        %shift_right_arithmetic3A_849 = arith.shrsi %and3A_845, %shift_right_arithmetic3A_848 : vector<16xi32>
        %and3A_850 = arith.constant 7 : i32
        %and3A_851 = vector.broadcast %and3A_850 : i32 to vector<16xi32>
        %and3A_852 = arith.andi %and3A_845, %and3A_851 : vector<16xi32>
        tpu.vector_store_idx %arg16[%shift_right_arithmetic3A_849, %and3A_852, %add3A_24], %gather3A_846 : memref<4x8x128xf32, #tpu.memory_space<vmem>>[vector<16xi32>, vector<16xi32>, vector<16xi32>], vector<16xf32>,
        %add3A_853 = arith.addi %add3A_28, %broadcast_in_dim3A : vector<16xi32>
        %and3A_854 = arith.constant 31 : i32
        %and3A_855 = vector.broadcast %and3A_854 : i32 to vector<16xi32>
        %and3A_856 = arith.andi %add3A_853, %and3A_855 : vector<16xi32>
        %gather3A_857 = tpu.vector_load_idx %arg8[%add3A_28, %and3A_856] : memref<128x32xf32, #tpu.memory_space<vmem>>[vector<16xi32>, vector<16xi32>], vector<16xf32>,
        %shift_right_arithmetic3A_858 = arith.constant 3 : i32
        %shift_right_arithmetic3A_859 = vector.broadcast %shift_right_arithmetic3A_858 : i32 to vector<16xi32>
        %shift_right_arithmetic3A_860 = arith.shrsi %and3A_856, %shift_right_arithmetic3A_859 : vector<16xi32>
        %and3A_861 = arith.constant 7 : i32
        %and3A_862 = vector.broadcast %and3A_861 : i32 to vector<16xi32>
        %and3A_863 = arith.andi %and3A_856, %and3A_862 : vector<16xi32>
        tpu.vector_store_idx %arg16[%shift_right_arithmetic3A_860, %and3A_863, %add3A_28], %gather3A_857 : memref<4x8x128xf32, #tpu.memory_space<vmem>>[vector<16xi32>, vector<16xi32>, vector<16xi32>], vector<16xf32>,
        %add3A_864 = arith.addi %add3A_32, %broadcast_in_dim3A : vector<16xi32>
        %and3A_865 = arith.constant 31 : i32
        %and3A_866 = vector.broadcast %and3A_865 : i32 to vector<16xi32>
        %and3A_867 = arith.andi %add3A_864, %and3A_866 : vector<16xi32>
        %gather3A_868 = tpu.vector_load_idx %arg8[%add3A_32, %and3A_867] : memref<128x32xf32, #tpu.memory_space<vmem>>[vector<16xi32>, vector<16xi32>], vector<16xf32>,
        %shift_right_arithmetic3A_869 = arith.constant 3 : i32
        %shift_right_arithmetic3A_870 = vector.broadcast %shift_right_arithmetic3A_869 : i32 to vector<16xi32>
        %shift_right_arithmetic3A_871 = arith.shrsi %and3A_867, %shift_right_arithmetic3A_870 : vector<16xi32>
        %and3A_872 = arith.constant 7 : i32
        %and3A_873 = vector.broadcast %and3A_872 : i32 to vector<16xi32>
        %and3A_874 = arith.andi %and3A_867, %and3A_873 : vector<16xi32>
        tpu.vector_store_idx %arg16[%shift_right_arithmetic3A_871, %and3A_874, %add3A_32], %gather3A_868 : memref<4x8x128xf32, #tpu.memory_space<vmem>>[vector<16xi32>, vector<16xi32>, vector<16xi32>], vector<16xf32>,
        %add3A_875 = arith.addi %add3A_36, %broadcast_in_dim3A : vector<16xi32>
        %and3A_876 = arith.constant 31 : i32
        %and3A_877 = vector.broadcast %and3A_876 : i32 to vector<16xi32>
        %and3A_878 = arith.andi %add3A_875, %and3A_877 : vector<16xi32>
        %gather3A_879 = tpu.vector_load_idx %arg8[%add3A_36, %and3A_878] : memref<128x32xf32, #tpu.memory_space<vmem>>[vector<16xi32>, vector<16xi32>], vector<16xf32>,
        %shift_right_arithmetic3A_880 = arith.constant 3 : i32
        %shift_right_arithmetic3A_881 = vector.broadcast %shift_right_arithmetic3A_880 : i32 to vector<16xi32>
        %shift_right_arithmetic3A_882 = arith.shrsi %and3A_878, %shift_right_arithmetic3A_881 : vector<16xi32>
        %and3A_883 = arith.constant 7 : i32
        %and3A_884 = vector.broadcast %and3A_883 : i32 to vector<16xi32>
        %and3A_885 = arith.andi %and3A_878, %and3A_884 : vector<16xi32>
        tpu.vector_store_idx %arg16[%shift_right_arithmetic3A_882, %and3A_885, %add3A_36], %gather3A_879 : memref<4x8x128xf32, #tpu.memory_space<vmem>>[vector<16xi32>, vector<16xi32>, vector<16xi32>], vector<16xf32>,
      }
      %scan3A_241 = arith.constant 32 : i32
      %add3A_242 = arith.addi %mul3A_2, %add3A_228 : i32
      %jit3A_243 = arith.constant 32 : i32
      %div3A_244 = arith.divsi %add3A_242, %jit3A_243 : i32
      %sign3A_245 = arith.constant 0 : i32
      %sign3A_246 = arith.cmpi sgt, %add3A_242, %sign3A_245 : i32
      %sign3A_247 = arith.extui %sign3A_246 : i1 to i32
      %sign3A_248 = arith.constant 0 : i32
      %sign3A_249 = arith.cmpi slt, %add3A_242, %sign3A_248 : i32
      %sign3A_250 = arith.extui %sign3A_249 : i1 to i32
      %sign3A_251 = arith.subi %sign3A_247, %sign3A_250 : i32
      %sign3A_252 = arith.constant 0 : i32
      %sign3A_253 = arith.cmpi sgt, %jit3A_243, %sign3A_252 : i32
      %sign3A_254 = arith.extui %sign3A_253 : i1 to i32
      %sign3A_255 = arith.constant 0 : i32
      %sign3A_256 = arith.cmpi slt, %jit3A_243, %sign3A_255 : i32
      %sign3A_257 = arith.extui %sign3A_256 : i1 to i32
      %sign3A_258 = arith.subi %sign3A_254, %sign3A_257 : i32
      %ne3A_259 = arith.cmpi ne, %sign3A_251, %sign3A_258 : i32
      %rem3A_260 = arith.remsi %add3A_242, %jit3A_243 : i32
      %ne3A_261 = arith.constant 0 : i32
      %ne3A_262 = arith.cmpi ne, %rem3A_260, %ne3A_261 : i32
      %and3A_263 = arith.andi %ne3A_259, %ne3A_262 : i1
      %sub3A_264 = arith.constant 1 : i32
      %sub3A_265 = arith.subi %div3A_244, %sub3A_264 : i32
      %select_n3A_266 = arith.select %and3A_263, %sub3A_265, %div3A_244 : i32
      %jit3A_267 = arith.constant 32 : i32
      %eq3A_268 = arith.constant 0 : i32
      %eq3A_269 = arith.cmpi eq, %jit3A_267, %eq3A_268 : i32
      %jit3A_270 = arith.constant 1 : i32
      %select_n3A_271 = arith.select %eq3A_269, %jit3A_270, %jit3A_267 : i32
      %rem3A_272 = arith.remsi %add3A_242, %select_n3A_271 : i32
      %ne3A_273 = arith.constant 0 : i32
      %ne3A_274 = arith.cmpi ne, %rem3A_272, %ne3A_273 : i32
      %lt3A_275 = arith.constant 0 : i32
      %lt3A_276 = arith.cmpi slt, %rem3A_272, %lt3A_275 : i32
      %lt3A_277 = arith.constant 0 : i32
      %lt3A_278 = arith.cmpi slt, %select_n3A_271, %lt3A_277 : i32
      %ne3A_279 = arith.xori %lt3A_276, %lt3A_278 : i1
      %and3A_280 = arith.andi %ne3A_279, %ne3A_274 : i1
      %add3A_281 = arith.addi %rem3A_272, %select_n3A_271 : i32
      %select_n3A_282 = arith.select %and3A_280, %add3A_281, %rem3A_272 : i32
      %dma_start3A_283 = arith.constant 0 : i32
      %dma_start3A_284 = arith.constant 0 : i32
      %dma_start3A_285 = arith.constant 0 : i32
      %dma_start3A_286 = tpu.memref_slice %arg4[%select_n3A_266, %dma_start3A_283, %select_n3A_282, %dma_start3A_284, %dma_start3A_285] : memref<200x4x32x8x128xf32, #tpu.memory_space<hbm>> -> memref<1x4x1x8x128xf32, #tpu.memory_space<hbm>>
      %dma_start3A_287 = tpu.memref_squeeze %dma_start3A_286 : memref<1x4x1x8x128xf32, #tpu.memory_space<hbm>> -> memref<4x8x128xf32, #tpu.memory_space<hbm>>
      %dma_start3A_288 = arith.constant 0 : i32
      %dma_start3A_289 = arith.constant 0 : i32
      %dma_start3A_290 = arith.constant 0 : i32
      %dma_start3A_291 = tpu.memref_slice %arg4[%select_n3A_266, %dma_start3A_288, %select_n3A_282, %dma_start3A_289, %dma_start3A_290] : memref<200x4x32x8x128xf32, #tpu.memory_space<hbm>> -> memref<1x4x1x8x128xf32, #tpu.memory_space<hbm>>
      %dma_start3A_292 = tpu.memref_squeeze %dma_start3A_291 : memref<1x4x1x8x128xf32, #tpu.memory_space<hbm>> -> memref<4x8x128xf32, #tpu.memory_space<hbm>>
      tpu.enqueue_dma source(%arg16 : memref<4x8x128xf32, #tpu.memory_space<vmem>>) target(%dma_start3A_292 : memref<4x8x128xf32, #tpu.memory_space<hbm>>) target_semaphore(%arg32 : memref<!tpu.dma_semaphore, #tpu.memory_space<semaphore_mem>>)
      %mul3A_293 = arith.constant 8 : i32
      %mul3A_294 = arith.muli %scan3A_98, %mul3A_293 : i32
      %add3A_295 = arith.constant 3 : i32
      %add3A_296 = arith.addi %mul3A_294, %add3A_295 : i32
      %dma_wait3A_297 = arith.constant 0 : i32
      %dma_wait3A_298 = arith.constant 0 : i32
      %dma_wait3A_299 = tpu.memref_slice %arg5[%dma_wait3A_297, %dma_wait3A_298] : memref<200x128xi32, #tpu.memory_space<vmem>> -> memref<1x128xi32, #tpu.memory_space<vmem>>
      %dma_wait3A_300 = tpu.memref_squeeze %dma_wait3A_299 : memref<1x128xi32, #tpu.memory_space<vmem>> -> memref<128xi32, #tpu.memory_space<vmem>>
      %dma_wait3A_301 = arith.constant 0 : i32
      %dma_wait3A_302 = arith.constant 0 : i32
      %dma_wait3A_303 = tpu.memref_slice %arg3[%dma_wait3A_301, %dma_wait3A_302] : memref<1000000x32xf32, #tpu.memory_space<hbm>> -> memref<1000000x32xf32, #tpu.memory_space<hbm>>
      tpu.wait_indirect_dma semaphore(%arg25 : memref<!tpu.dma_semaphore, #tpu.memory_space<semaphore_mem>>) src(%dma_wait3A_303 : memref<1000000x32xf32, #tpu.memory_space<hbm>>) dst(%arg9 : memref<128x32xf32, #tpu.memory_space<vmem>>)
      %scan3A_304 = arith.constant 0 : i32
      %scan3A_305 = arith.constant 0 : i32
      %scan3A_306 = arith.constant 32 : i32
      %scan3A_307 = arith.addi %scan3A_305, %scan3A_306 : i32
      %scan3A_308 = arith.constant 1 : i32
      scf.for %scan3A_799 = %scan3A_305 to %scan3A_307 step %scan3A_308  : i32 {
        %broadcast_in_dim3A = vector.broadcast %scan3A_799 : i32 to vector<16xi32>
        %add3A_800 = arith.addi %iota3A, %broadcast_in_dim3A : vector<16xi32>
        %and3A_801 = arith.constant 31 : i32
        %and3A_802 = vector.broadcast %and3A_801 : i32 to vector<16xi32>
        %and3A_803 = arith.andi %add3A_800, %and3A_802 : vector<16xi32>
        %gather3A = tpu.vector_load_idx %arg9[%iota3A, %and3A_803] : memref<128x32xf32, #tpu.memory_space<vmem>>[vector<16xi32>, vector<16xi32>], vector<16xf32>,
        %shift_right_arithmetic3A = arith.constant 3 : i32
        %shift_right_arithmetic3A_804 = vector.broadcast %shift_right_arithmetic3A : i32 to vector<16xi32>
        %shift_right_arithmetic3A_805 = arith.shrsi %and3A_803, %shift_right_arithmetic3A_804 : vector<16xi32>
        %and3A_806 = arith.constant 7 : i32
        %and3A_807 = vector.broadcast %and3A_806 : i32 to vector<16xi32>
        %and3A_808 = arith.andi %and3A_803, %and3A_807 : vector<16xi32>
        tpu.vector_store_idx %arg17[%shift_right_arithmetic3A_805, %and3A_808, %iota3A], %gather3A : memref<4x8x128xf32, #tpu.memory_space<vmem>>[vector<16xi32>, vector<16xi32>, vector<16xi32>], vector<16xf32>,
        %add3A_809 = arith.addi %add3A_12, %broadcast_in_dim3A : vector<16xi32>
        %and3A_810 = arith.constant 31 : i32
        %and3A_811 = vector.broadcast %and3A_810 : i32 to vector<16xi32>
        %and3A_812 = arith.andi %add3A_809, %and3A_811 : vector<16xi32>
        %gather3A_813 = tpu.vector_load_idx %arg9[%add3A_12, %and3A_812] : memref<128x32xf32, #tpu.memory_space<vmem>>[vector<16xi32>, vector<16xi32>], vector<16xf32>,
        %shift_right_arithmetic3A_814 = arith.constant 3 : i32
        %shift_right_arithmetic3A_815 = vector.broadcast %shift_right_arithmetic3A_814 : i32 to vector<16xi32>
        %shift_right_arithmetic3A_816 = arith.shrsi %and3A_812, %shift_right_arithmetic3A_815 : vector<16xi32>
        %and3A_817 = arith.constant 7 : i32
        %and3A_818 = vector.broadcast %and3A_817 : i32 to vector<16xi32>
        %and3A_819 = arith.andi %and3A_812, %and3A_818 : vector<16xi32>
        tpu.vector_store_idx %arg17[%shift_right_arithmetic3A_816, %and3A_819, %add3A_12], %gather3A_813 : memref<4x8x128xf32, #tpu.memory_space<vmem>>[vector<16xi32>, vector<16xi32>, vector<16xi32>], vector<16xf32>,
        %add3A_820 = arith.addi %add3A_16, %broadcast_in_dim3A : vector<16xi32>
        %and3A_821 = arith.constant 31 : i32
        %and3A_822 = vector.broadcast %and3A_821 : i32 to vector<16xi32>
        %and3A_823 = arith.andi %add3A_820, %and3A_822 : vector<16xi32>
        %gather3A_824 = tpu.vector_load_idx %arg9[%add3A_16, %and3A_823] : memref<128x32xf32, #tpu.memory_space<vmem>>[vector<16xi32>, vector<16xi32>], vector<16xf32>,
        %shift_right_arithmetic3A_825 = arith.constant 3 : i32
        %shift_right_arithmetic3A_826 = vector.broadcast %shift_right_arithmetic3A_825 : i32 to vector<16xi32>
        %shift_right_arithmetic3A_827 = arith.shrsi %and3A_823, %shift_right_arithmetic3A_826 : vector<16xi32>
        %and3A_828 = arith.constant 7 : i32
        %and3A_829 = vector.broadcast %and3A_828 : i32 to vector<16xi32>
        %and3A_830 = arith.andi %and3A_823, %and3A_829 : vector<16xi32>
        tpu.vector_store_idx %arg17[%shift_right_arithmetic3A_827, %and3A_830, %add3A_16], %gather3A_824 : memref<4x8x128xf32, #tpu.memory_space<vmem>>[vector<16xi32>, vector<16xi32>, vector<16xi32>], vector<16xf32>,
        %add3A_831 = arith.addi %add3A_20, %broadcast_in_dim3A : vector<16xi32>
        %and3A_832 = arith.constant 31 : i32
        %and3A_833 = vector.broadcast %and3A_832 : i32 to vector<16xi32>
        %and3A_834 = arith.andi %add3A_831, %and3A_833 : vector<16xi32>
        %gather3A_835 = tpu.vector_load_idx %arg9[%add3A_20, %and3A_834] : memref<128x32xf32, #tpu.memory_space<vmem>>[vector<16xi32>, vector<16xi32>], vector<16xf32>,
        %shift_right_arithmetic3A_836 = arith.constant 3 : i32
        %shift_right_arithmetic3A_837 = vector.broadcast %shift_right_arithmetic3A_836 : i32 to vector<16xi32>
        %shift_right_arithmetic3A_838 = arith.shrsi %and3A_834, %shift_right_arithmetic3A_837 : vector<16xi32>
        %and3A_839 = arith.constant 7 : i32
        %and3A_840 = vector.broadcast %and3A_839 : i32 to vector<16xi32>
        %and3A_841 = arith.andi %and3A_834, %and3A_840 : vector<16xi32>
        tpu.vector_store_idx %arg17[%shift_right_arithmetic3A_838, %and3A_841, %add3A_20], %gather3A_835 : memref<4x8x128xf32, #tpu.memory_space<vmem>>[vector<16xi32>, vector<16xi32>, vector<16xi32>], vector<16xf32>,
        %add3A_842 = arith.addi %add3A_24, %broadcast_in_dim3A : vector<16xi32>
        %and3A_843 = arith.constant 31 : i32
        %and3A_844 = vector.broadcast %and3A_843 : i32 to vector<16xi32>
        %and3A_845 = arith.andi %add3A_842, %and3A_844 : vector<16xi32>
        %gather3A_846 = tpu.vector_load_idx %arg9[%add3A_24, %and3A_845] : memref<128x32xf32, #tpu.memory_space<vmem>>[vector<16xi32>, vector<16xi32>], vector<16xf32>,
        %shift_right_arithmetic3A_847 = arith.constant 3 : i32
        %shift_right_arithmetic3A_848 = vector.broadcast %shift_right_arithmetic3A_847 : i32 to vector<16xi32>
        %shift_right_arithmetic3A_849 = arith.shrsi %and3A_845, %shift_right_arithmetic3A_848 : vector<16xi32>
        %and3A_850 = arith.constant 7 : i32
        %and3A_851 = vector.broadcast %and3A_850 : i32 to vector<16xi32>
        %and3A_852 = arith.andi %and3A_845, %and3A_851 : vector<16xi32>
        tpu.vector_store_idx %arg17[%shift_right_arithmetic3A_849, %and3A_852, %add3A_24], %gather3A_846 : memref<4x8x128xf32, #tpu.memory_space<vmem>>[vector<16xi32>, vector<16xi32>, vector<16xi32>], vector<16xf32>,
        %add3A_853 = arith.addi %add3A_28, %broadcast_in_dim3A : vector<16xi32>
        %and3A_854 = arith.constant 31 : i32
        %and3A_855 = vector.broadcast %and3A_854 : i32 to vector<16xi32>
        %and3A_856 = arith.andi %add3A_853, %and3A_855 : vector<16xi32>
        %gather3A_857 = tpu.vector_load_idx %arg9[%add3A_28, %and3A_856] : memref<128x32xf32, #tpu.memory_space<vmem>>[vector<16xi32>, vector<16xi32>], vector<16xf32>,
        %shift_right_arithmetic3A_858 = arith.constant 3 : i32
        %shift_right_arithmetic3A_859 = vector.broadcast %shift_right_arithmetic3A_858 : i32 to vector<16xi32>
        %shift_right_arithmetic3A_860 = arith.shrsi %and3A_856, %shift_right_arithmetic3A_859 : vector<16xi32>
        %and3A_861 = arith.constant 7 : i32
        %and3A_862 = vector.broadcast %and3A_861 : i32 to vector<16xi32>
        %and3A_863 = arith.andi %and3A_856, %and3A_862 : vector<16xi32>
        tpu.vector_store_idx %arg17[%shift_right_arithmetic3A_860, %and3A_863, %add3A_28], %gather3A_857 : memref<4x8x128xf32, #tpu.memory_space<vmem>>[vector<16xi32>, vector<16xi32>, vector<16xi32>], vector<16xf32>,
        %add3A_864 = arith.addi %add3A_32, %broadcast_in_dim3A : vector<16xi32>
        %and3A_865 = arith.constant 31 : i32
        %and3A_866 = vector.broadcast %and3A_865 : i32 to vector<16xi32>
        %and3A_867 = arith.andi %add3A_864, %and3A_866 : vector<16xi32>
        %gather3A_868 = tpu.vector_load_idx %arg9[%add3A_32, %and3A_867] : memref<128x32xf32, #tpu.memory_space<vmem>>[vector<16xi32>, vector<16xi32>], vector<16xf32>,
        %shift_right_arithmetic3A_869 = arith.constant 3 : i32
        %shift_right_arithmetic3A_870 = vector.broadcast %shift_right_arithmetic3A_869 : i32 to vector<16xi32>
        %shift_right_arithmetic3A_871 = arith.shrsi %and3A_867, %shift_right_arithmetic3A_870 : vector<16xi32>
        %and3A_872 = arith.constant 7 : i32
        %and3A_873 = vector.broadcast %and3A_872 : i32 to vector<16xi32>
        %and3A_874 = arith.andi %and3A_867, %and3A_873 : vector<16xi32>
        tpu.vector_store_idx %arg17[%shift_right_arithmetic3A_871, %and3A_874, %add3A_32], %gather3A_868 : memref<4x8x128xf32, #tpu.memory_space<vmem>>[vector<16xi32>, vector<16xi32>, vector<16xi32>], vector<16xf32>,
        %add3A_875 = arith.addi %add3A_36, %broadcast_in_dim3A : vector<16xi32>
        %and3A_876 = arith.constant 31 : i32
        %and3A_877 = vector.broadcast %and3A_876 : i32 to vector<16xi32>
        %and3A_878 = arith.andi %add3A_875, %and3A_877 : vector<16xi32>
        %gather3A_879 = tpu.vector_load_idx %arg9[%add3A_36, %and3A_878] : memref<128x32xf32, #tpu.memory_space<vmem>>[vector<16xi32>, vector<16xi32>], vector<16xf32>,
        %shift_right_arithmetic3A_880 = arith.constant 3 : i32
        %shift_right_arithmetic3A_881 = vector.broadcast %shift_right_arithmetic3A_880 : i32 to vector<16xi32>
        %shift_right_arithmetic3A_882 = arith.shrsi %and3A_878, %shift_right_arithmetic3A_881 : vector<16xi32>
        %and3A_883 = arith.constant 7 : i32
        %and3A_884 = vector.broadcast %and3A_883 : i32 to vector<16xi32>
        %and3A_885 = arith.andi %and3A_878, %and3A_884 : vector<16xi32>
        tpu.vector_store_idx %arg17[%shift_right_arithmetic3A_882, %and3A_885, %add3A_36], %gather3A_879 : memref<4x8x128xf32, #tpu.memory_space<vmem>>[vector<16xi32>, vector<16xi32>, vector<16xi32>], vector<16xf32>,
      }
      %scan3A_309 = arith.constant 32 : i32
      %add3A_310 = arith.addi %mul3A_2, %add3A_296 : i32
      %jit3A_311 = arith.constant 32 : i32
      %div3A_312 = arith.divsi %add3A_310, %jit3A_311 : i32
      %sign3A_313 = arith.constant 0 : i32
      %sign3A_314 = arith.cmpi sgt, %add3A_310, %sign3A_313 : i32
      %sign3A_315 = arith.extui %sign3A_314 : i1 to i32
      %sign3A_316 = arith.constant 0 : i32
      %sign3A_317 = arith.cmpi slt, %add3A_310, %sign3A_316 : i32
      %sign3A_318 = arith.extui %sign3A_317 : i1 to i32
      %sign3A_319 = arith.subi %sign3A_315, %sign3A_318 : i32
      %sign3A_320 = arith.constant 0 : i32
      %sign3A_321 = arith.cmpi sgt, %jit3A_311, %sign3A_320 : i32
      %sign3A_322 = arith.extui %sign3A_321 : i1 to i32
      %sign3A_323 = arith.constant 0 : i32
      %sign3A_324 = arith.cmpi slt, %jit3A_311, %sign3A_323 : i32
      %sign3A_325 = arith.extui %sign3A_324 : i1 to i32
      %sign3A_326 = arith.subi %sign3A_322, %sign3A_325 : i32
      %ne3A_327 = arith.cmpi ne, %sign3A_319, %sign3A_326 : i32
      %rem3A_328 = arith.remsi %add3A_310, %jit3A_311 : i32
      %ne3A_329 = arith.constant 0 : i32
      %ne3A_330 = arith.cmpi ne, %rem3A_328, %ne3A_329 : i32
      %and3A_331 = arith.andi %ne3A_327, %ne3A_330 : i1
      %sub3A_332 = arith.constant 1 : i32
      %sub3A_333 = arith.subi %div3A_312, %sub3A_332 : i32
      %select_n3A_334 = arith.select %and3A_331, %sub3A_333, %div3A_312 : i32
      %jit3A_335 = arith.constant 32 : i32
      %eq3A_336 = arith.constant 0 : i32
      %eq3A_337 = arith.cmpi eq, %jit3A_335, %eq3A_336 : i32
      %jit3A_338 = arith.constant 1 : i32
      %select_n3A_339 = arith.select %eq3A_337, %jit3A_338, %jit3A_335 : i32
      %rem3A_340 = arith.remsi %add3A_310, %select_n3A_339 : i32
      %ne3A_341 = arith.constant 0 : i32
      %ne3A_342 = arith.cmpi ne, %rem3A_340, %ne3A_341 : i32
      %lt3A_343 = arith.constant 0 : i32
      %lt3A_344 = arith.cmpi slt, %rem3A_340, %lt3A_343 : i32
      %lt3A_345 = arith.constant 0 : i32
      %lt3A_346 = arith.cmpi slt, %select_n3A_339, %lt3A_345 : i32
      %ne3A_347 = arith.xori %lt3A_344, %lt3A_346 : i1
      %and3A_348 = arith.andi %ne3A_347, %ne3A_342 : i1
      %add3A_349 = arith.addi %rem3A_340, %select_n3A_339 : i32
      %select_n3A_350 = arith.select %and3A_348, %add3A_349, %rem3A_340 : i32
      %dma_start3A_351 = arith.constant 0 : i32
      %dma_start3A_352 = arith.constant 0 : i32
      %dma_start3A_353 = arith.constant 0 : i32
      %dma_start3A_354 = tpu.memref_slice %arg4[%select_n3A_334, %dma_start3A_351, %select_n3A_350, %dma_start3A_352, %dma_start3A_353] : memref<200x4x32x8x128xf32, #tpu.memory_space<hbm>> -> memref<1x4x1x8x128xf32, #tpu.memory_space<hbm>>
      %dma_start3A_355 = tpu.memref_squeeze %dma_start3A_354 : memref<1x4x1x8x128xf32, #tpu.memory_space<hbm>> -> memref<4x8x128xf32, #tpu.memory_space<hbm>>
      %dma_start3A_356 = arith.constant 0 : i32
      %dma_start3A_357 = arith.constant 0 : i32
      %dma_start3A_358 = arith.constant 0 : i32
      %dma_start3A_359 = tpu.memref_slice %arg4[%select_n3A_334, %dma_start3A_356, %select_n3A_350, %dma_start3A_357, %dma_start3A_358] : memref<200x4x32x8x128xf32, #tpu.memory_space<hbm>> -> memref<1x4x1x8x128xf32, #tpu.memory_space<hbm>>
      %dma_start3A_360 = tpu.memref_squeeze %dma_start3A_359 : memref<1x4x1x8x128xf32, #tpu.memory_space<hbm>> -> memref<4x8x128xf32, #tpu.memory_space<hbm>>
      tpu.enqueue_dma source(%arg17 : memref<4x8x128xf32, #tpu.memory_space<vmem>>) target(%dma_start3A_360 : memref<4x8x128xf32, #tpu.memory_space<hbm>>) target_semaphore(%arg33 : memref<!tpu.dma_semaphore, #tpu.memory_space<semaphore_mem>>)
      %mul3A_361 = arith.constant 8 : i32
      %mul3A_362 = arith.muli %scan3A_98, %mul3A_361 : i32
      %add3A_363 = arith.constant 4 : i32
      %add3A_364 = arith.addi %mul3A_362, %add3A_363 : i32
      %dma_wait3A_365 = arith.constant 0 : i32
      %dma_wait3A_366 = arith.constant 0 : i32
      %dma_wait3A_367 = tpu.memref_slice %arg5[%dma_wait3A_365, %dma_wait3A_366] : memref<200x128xi32, #tpu.memory_space<vmem>> -> memref<1x128xi32, #tpu.memory_space<vmem>>
      %dma_wait3A_368 = tpu.memref_squeeze %dma_wait3A_367 : memref<1x128xi32, #tpu.memory_space<vmem>> -> memref<128xi32, #tpu.memory_space<vmem>>
      %dma_wait3A_369 = arith.constant 0 : i32
      %dma_wait3A_370 = arith.constant 0 : i32
      %dma_wait3A_371 = tpu.memref_slice %arg3[%dma_wait3A_369, %dma_wait3A_370] : memref<1000000x32xf32, #tpu.memory_space<hbm>> -> memref<1000000x32xf32, #tpu.memory_space<hbm>>
      tpu.wait_indirect_dma semaphore(%arg26 : memref<!tpu.dma_semaphore, #tpu.memory_space<semaphore_mem>>) src(%dma_wait3A_371 : memref<1000000x32xf32, #tpu.memory_space<hbm>>) dst(%arg10 : memref<128x32xf32, #tpu.memory_space<vmem>>)
      %scan3A_372 = arith.constant 0 : i32
      %scan3A_373 = arith.constant 0 : i32
      %scan3A_374 = arith.constant 32 : i32
      %scan3A_375 = arith.addi %scan3A_373, %scan3A_374 : i32
      %scan3A_376 = arith.constant 1 : i32
      scf.for %scan3A_799 = %scan3A_373 to %scan3A_375 step %scan3A_376  : i32 {
        %broadcast_in_dim3A = vector.broadcast %scan3A_799 : i32 to vector<16xi32>
        %add3A_800 = arith.addi %iota3A, %broadcast_in_dim3A : vector<16xi32>
        %and3A_801 = arith.constant 31 : i32
        %and3A_802 = vector.broadcast %and3A_801 : i32 to vector<16xi32>
        %and3A_803 = arith.andi %add3A_800, %and3A_802 : vector<16xi32>
        %gather3A = tpu.vector_load_idx %arg10[%iota3A, %and3A_803] : memref<128x32xf32, #tpu.memory_space<vmem>>[vector<16xi32>, vector<16xi32>], vector<16xf32>,
        %shift_right_arithmetic3A = arith.constant 3 : i32
        %shift_right_arithmetic3A_804 = vector.broadcast %shift_right_arithmetic3A : i32 to vector<16xi32>
        %shift_right_arithmetic3A_805 = arith.shrsi %and3A_803, %shift_right_arithmetic3A_804 : vector<16xi32>
        %and3A_806 = arith.constant 7 : i32
        %and3A_807 = vector.broadcast %and3A_806 : i32 to vector<16xi32>
        %and3A_808 = arith.andi %and3A_803, %and3A_807 : vector<16xi32>
        tpu.vector_store_idx %arg18[%shift_right_arithmetic3A_805, %and3A_808, %iota3A], %gather3A : memref<4x8x128xf32, #tpu.memory_space<vmem>>[vector<16xi32>, vector<16xi32>, vector<16xi32>], vector<16xf32>,
        %add3A_809 = arith.addi %add3A_12, %broadcast_in_dim3A : vector<16xi32>
        %and3A_810 = arith.constant 31 : i32
        %and3A_811 = vector.broadcast %and3A_810 : i32 to vector<16xi32>
        %and3A_812 = arith.andi %add3A_809, %and3A_811 : vector<16xi32>
        %gather3A_813 = tpu.vector_load_idx %arg10[%add3A_12, %and3A_812] : memref<128x32xf32, #tpu.memory_space<vmem>>[vector<16xi32>, vector<16xi32>], vector<16xf32>,
        %shift_right_arithmetic3A_814 = arith.constant 3 : i32
        %shift_right_arithmetic3A_815 = vector.broadcast %shift_right_arithmetic3A_814 : i32 to vector<16xi32>
        %shift_right_arithmetic3A_816 = arith.shrsi %and3A_812, %shift_right_arithmetic3A_815 : vector<16xi32>
        %and3A_817 = arith.constant 7 : i32
        %and3A_818 = vector.broadcast %and3A_817 : i32 to vector<16xi32>
        %and3A_819 = arith.andi %and3A_812, %and3A_818 : vector<16xi32>
        tpu.vector_store_idx %arg18[%shift_right_arithmetic3A_816, %and3A_819, %add3A_12], %gather3A_813 : memref<4x8x128xf32, #tpu.memory_space<vmem>>[vector<16xi32>, vector<16xi32>, vector<16xi32>], vector<16xf32>,
        %add3A_820 = arith.addi %add3A_16, %broadcast_in_dim3A : vector<16xi32>
        %and3A_821 = arith.constant 31 : i32
        %and3A_822 = vector.broadcast %and3A_821 : i32 to vector<16xi32>
        %and3A_823 = arith.andi %add3A_820, %and3A_822 : vector<16xi32>
        %gather3A_824 = tpu.vector_load_idx %arg10[%add3A_16, %and3A_823] : memref<128x32xf32, #tpu.memory_space<vmem>>[vector<16xi32>, vector<16xi32>], vector<16xf32>,
        %shift_right_arithmetic3A_825 = arith.constant 3 : i32
        %shift_right_arithmetic3A_826 = vector.broadcast %shift_right_arithmetic3A_825 : i32 to vector<16xi32>
        %shift_right_arithmetic3A_827 = arith.shrsi %and3A_823, %shift_right_arithmetic3A_826 : vector<16xi32>
        %and3A_828 = arith.constant 7 : i32
        %and3A_829 = vector.broadcast %and3A_828 : i32 to vector<16xi32>
        %and3A_830 = arith.andi %and3A_823, %and3A_829 : vector<16xi32>
        tpu.vector_store_idx %arg18[%shift_right_arithmetic3A_827, %and3A_830, %add3A_16], %gather3A_824 : memref<4x8x128xf32, #tpu.memory_space<vmem>>[vector<16xi32>, vector<16xi32>, vector<16xi32>], vector<16xf32>,
        %add3A_831 = arith.addi %add3A_20, %broadcast_in_dim3A : vector<16xi32>
        %and3A_832 = arith.constant 31 : i32
        %and3A_833 = vector.broadcast %and3A_832 : i32 to vector<16xi32>
        %and3A_834 = arith.andi %add3A_831, %and3A_833 : vector<16xi32>
        %gather3A_835 = tpu.vector_load_idx %arg10[%add3A_20, %and3A_834] : memref<128x32xf32, #tpu.memory_space<vmem>>[vector<16xi32>, vector<16xi32>], vector<16xf32>,
        %shift_right_arithmetic3A_836 = arith.constant 3 : i32
        %shift_right_arithmetic3A_837 = vector.broadcast %shift_right_arithmetic3A_836 : i32 to vector<16xi32>
        %shift_right_arithmetic3A_838 = arith.shrsi %and3A_834, %shift_right_arithmetic3A_837 : vector<16xi32>
        %and3A_839 = arith.constant 7 : i32
        %and3A_840 = vector.broadcast %and3A_839 : i32 to vector<16xi32>
        %and3A_841 = arith.andi %and3A_834, %and3A_840 : vector<16xi32>
        tpu.vector_store_idx %arg18[%shift_right_arithmetic3A_838, %and3A_841, %add3A_20], %gather3A_835 : memref<4x8x128xf32, #tpu.memory_space<vmem>>[vector<16xi32>, vector<16xi32>, vector<16xi32>], vector<16xf32>,
        %add3A_842 = arith.addi %add3A_24, %broadcast_in_dim3A : vector<16xi32>
        %and3A_843 = arith.constant 31 : i32
        %and3A_844 = vector.broadcast %and3A_843 : i32 to vector<16xi32>
        %and3A_845 = arith.andi %add3A_842, %and3A_844 : vector<16xi32>
        %gather3A_846 = tpu.vector_load_idx %arg10[%add3A_24, %and3A_845] : memref<128x32xf32, #tpu.memory_space<vmem>>[vector<16xi32>, vector<16xi32>], vector<16xf32>,
        %shift_right_arithmetic3A_847 = arith.constant 3 : i32
        %shift_right_arithmetic3A_848 = vector.broadcast %shift_right_arithmetic3A_847 : i32 to vector<16xi32>
        %shift_right_arithmetic3A_849 = arith.shrsi %and3A_845, %shift_right_arithmetic3A_848 : vector<16xi32>
        %and3A_850 = arith.constant 7 : i32
        %and3A_851 = vector.broadcast %and3A_850 : i32 to vector<16xi32>
        %and3A_852 = arith.andi %and3A_845, %and3A_851 : vector<16xi32>
        tpu.vector_store_idx %arg18[%shift_right_arithmetic3A_849, %and3A_852, %add3A_24], %gather3A_846 : memref<4x8x128xf32, #tpu.memory_space<vmem>>[vector<16xi32>, vector<16xi32>, vector<16xi32>], vector<16xf32>,
        %add3A_853 = arith.addi %add3A_28, %broadcast_in_dim3A : vector<16xi32>
        %and3A_854 = arith.constant 31 : i32
        %and3A_855 = vector.broadcast %and3A_854 : i32 to vector<16xi32>
        %and3A_856 = arith.andi %add3A_853, %and3A_855 : vector<16xi32>
        %gather3A_857 = tpu.vector_load_idx %arg10[%add3A_28, %and3A_856] : memref<128x32xf32, #tpu.memory_space<vmem>>[vector<16xi32>, vector<16xi32>], vector<16xf32>,
        %shift_right_arithmetic3A_858 = arith.constant 3 : i32
        %shift_right_arithmetic3A_859 = vector.broadcast %shift_right_arithmetic3A_858 : i32 to vector<16xi32>
        %shift_right_arithmetic3A_860 = arith.shrsi %and3A_856, %shift_right_arithmetic3A_859 : vector<16xi32>
        %and3A_861 = arith.constant 7 : i32
        %and3A_862 = vector.broadcast %and3A_861 : i32 to vector<16xi32>
        %and3A_863 = arith.andi %and3A_856, %and3A_862 : vector<16xi32>
        tpu.vector_store_idx %arg18[%shift_right_arithmetic3A_860, %and3A_863, %add3A_28], %gather3A_857 : memref<4x8x128xf32, #tpu.memory_space<vmem>>[vector<16xi32>, vector<16xi32>, vector<16xi32>], vector<16xf32>,
        %add3A_864 = arith.addi %add3A_32, %broadcast_in_dim3A : vector<16xi32>
        %and3A_865 = arith.constant 31 : i32
        %and3A_866 = vector.broadcast %and3A_865 : i32 to vector<16xi32>
        %and3A_867 = arith.andi %add3A_864, %and3A_866 : vector<16xi32>
        %gather3A_868 = tpu.vector_load_idx %arg10[%add3A_32, %and3A_867] : memref<128x32xf32, #tpu.memory_space<vmem>>[vector<16xi32>, vector<16xi32>], vector<16xf32>,
        %shift_right_arithmetic3A_869 = arith.constant 3 : i32
        %shift_right_arithmetic3A_870 = vector.broadcast %shift_right_arithmetic3A_869 : i32 to vector<16xi32>
        %shift_right_arithmetic3A_871 = arith.shrsi %and3A_867, %shift_right_arithmetic3A_870 : vector<16xi32>
        %and3A_872 = arith.constant 7 : i32
        %and3A_873 = vector.broadcast %and3A_872 : i32 to vector<16xi32>
        %and3A_874 = arith.andi %and3A_867, %and3A_873 : vector<16xi32>
        tpu.vector_store_idx %arg18[%shift_right_arithmetic3A_871, %and3A_874, %add3A_32], %gather3A_868 : memref<4x8x128xf32, #tpu.memory_space<vmem>>[vector<16xi32>, vector<16xi32>, vector<16xi32>], vector<16xf32>,
        %add3A_875 = arith.addi %add3A_36, %broadcast_in_dim3A : vector<16xi32>
        %and3A_876 = arith.constant 31 : i32
        %and3A_877 = vector.broadcast %and3A_876 : i32 to vector<16xi32>
        %and3A_878 = arith.andi %add3A_875, %and3A_877 : vector<16xi32>
        %gather3A_879 = tpu.vector_load_idx %arg10[%add3A_36, %and3A_878] : memref<128x32xf32, #tpu.memory_space<vmem>>[vector<16xi32>, vector<16xi32>], vector<16xf32>,
        %shift_right_arithmetic3A_880 = arith.constant 3 : i32
        %shift_right_arithmetic3A_881 = vector.broadcast %shift_right_arithmetic3A_880 : i32 to vector<16xi32>
        %shift_right_arithmetic3A_882 = arith.shrsi %and3A_878, %shift_right_arithmetic3A_881 : vector<16xi32>
        %and3A_883 = arith.constant 7 : i32
        %and3A_884 = vector.broadcast %and3A_883 : i32 to vector<16xi32>
        %and3A_885 = arith.andi %and3A_878, %and3A_884 : vector<16xi32>
        tpu.vector_store_idx %arg18[%shift_right_arithmetic3A_882, %and3A_885, %add3A_36], %gather3A_879 : memref<4x8x128xf32, #tpu.memory_space<vmem>>[vector<16xi32>, vector<16xi32>, vector<16xi32>], vector<16xf32>,
      }
      %scan3A_377 = arith.constant 32 : i32
      %add3A_378 = arith.addi %mul3A_2, %add3A_364 : i32
      %jit3A_379 = arith.constant 32 : i32
      %div3A_380 = arith.divsi %add3A_378, %jit3A_379 : i32
      %sign3A_381 = arith.constant 0 : i32
      %sign3A_382 = arith.cmpi sgt, %add3A_378, %sign3A_381 : i32
      %sign3A_383 = arith.extui %sign3A_382 : i1 to i32
      %sign3A_384 = arith.constant 0 : i32
      %sign3A_385 = arith.cmpi slt, %add3A_378, %sign3A_384 : i32
      %sign3A_386 = arith.extui %sign3A_385 : i1 to i32
      %sign3A_387 = arith.subi %sign3A_383, %sign3A_386 : i32
      %sign3A_388 = arith.constant 0 : i32
      %sign3A_389 = arith.cmpi sgt, %jit3A_379, %sign3A_388 : i32
      %sign3A_390 = arith.extui %sign3A_389 : i1 to i32
      %sign3A_391 = arith.constant 0 : i32
      %sign3A_392 = arith.cmpi slt, %jit3A_379, %sign3A_391 : i32
      %sign3A_393 = arith.extui %sign3A_392 : i1 to i32
      %sign3A_394 = arith.subi %sign3A_390, %sign3A_393 : i32
      %ne3A_395 = arith.cmpi ne, %sign3A_387, %sign3A_394 : i32
      %rem3A_396 = arith.remsi %add3A_378, %jit3A_379 : i32
      %ne3A_397 = arith.constant 0 : i32
      %ne3A_398 = arith.cmpi ne, %rem3A_396, %ne3A_397 : i32
      %and3A_399 = arith.andi %ne3A_395, %ne3A_398 : i1
      %sub3A_400 = arith.constant 1 : i32
      %sub3A_401 = arith.subi %div3A_380, %sub3A_400 : i32
      %select_n3A_402 = arith.select %and3A_399, %sub3A_401, %div3A_380 : i32
      %jit3A_403 = arith.constant 32 : i32
      %eq3A_404 = arith.constant 0 : i32
      %eq3A_405 = arith.cmpi eq, %jit3A_403, %eq3A_404 : i32
      %jit3A_406 = arith.constant 1 : i32
      %select_n3A_407 = arith.select %eq3A_405, %jit3A_406, %jit3A_403 : i32
      %rem3A_408 = arith.remsi %add3A_378, %select_n3A_407 : i32
      %ne3A_409 = arith.constant 0 : i32
      %ne3A_410 = arith.cmpi ne, %rem3A_408, %ne3A_409 : i32
      %lt3A_411 = arith.constant 0 : i32
      %lt3A_412 = arith.cmpi slt, %rem3A_408, %lt3A_411 : i32
      %lt3A_413 = arith.constant 0 : i32
      %lt3A_414 = arith.cmpi slt, %select_n3A_407, %lt3A_413 : i32
      %ne3A_415 = arith.xori %lt3A_412, %lt3A_414 : i1
      %and3A_416 = arith.andi %ne3A_415, %ne3A_410 : i1
      %add3A_417 = arith.addi %rem3A_408, %select_n3A_407 : i32
      %select_n3A_418 = arith.select %and3A_416, %add3A_417, %rem3A_408 : i32
      %dma_start3A_419 = arith.constant 0 : i32
      %dma_start3A_420 = arith.constant 0 : i32
      %dma_start3A_421 = arith.constant 0 : i32
      %dma_start3A_422 = tpu.memref_slice %arg4[%select_n3A_402, %dma_start3A_419, %select_n3A_418, %dma_start3A_420, %dma_start3A_421] : memref<200x4x32x8x128xf32, #tpu.memory_space<hbm>> -> memref<1x4x1x8x128xf32, #tpu.memory_space<hbm>>
      %dma_start3A_423 = tpu.memref_squeeze %dma_start3A_422 : memref<1x4x1x8x128xf32, #tpu.memory_space<hbm>> -> memref<4x8x128xf32, #tpu.memory_space<hbm>>
      %dma_start3A_424 = arith.constant 0 : i32
      %dma_start3A_425 = arith.constant 0 : i32
      %dma_start3A_426 = arith.constant 0 : i32
      %dma_start3A_427 = tpu.memref_slice %arg4[%select_n3A_402, %dma_start3A_424, %select_n3A_418, %dma_start3A_425, %dma_start3A_426] : memref<200x4x32x8x128xf32, #tpu.memory_space<hbm>> -> memref<1x4x1x8x128xf32, #tpu.memory_space<hbm>>
      %dma_start3A_428 = tpu.memref_squeeze %dma_start3A_427 : memref<1x4x1x8x128xf32, #tpu.memory_space<hbm>> -> memref<4x8x128xf32, #tpu.memory_space<hbm>>
      tpu.enqueue_dma source(%arg18 : memref<4x8x128xf32, #tpu.memory_space<vmem>>) target(%dma_start3A_428 : memref<4x8x128xf32, #tpu.memory_space<hbm>>) target_semaphore(%arg34 : memref<!tpu.dma_semaphore, #tpu.memory_space<semaphore_mem>>)
      %mul3A_429 = arith.constant 8 : i32
      %mul3A_430 = arith.muli %scan3A_98, %mul3A_429 : i32
      %add3A_431 = arith.constant 5 : i32
      %add3A_432 = arith.addi %mul3A_430, %add3A_431 : i32
      %dma_wait3A_433 = arith.constant 0 : i32
      %dma_wait3A_434 = arith.constant 0 : i32
      %dma_wait3A_435 = tpu.memref_slice %arg5[%dma_wait3A_433, %dma_wait3A_434] : memref<200x128xi32, #tpu.memory_space<vmem>> -> memref<1x128xi32, #tpu.memory_space<vmem>>
      %dma_wait3A_436 = tpu.memref_squeeze %dma_wait3A_435 : memref<1x128xi32, #tpu.memory_space<vmem>> -> memref<128xi32, #tpu.memory_space<vmem>>
      %dma_wait3A_437 = arith.constant 0 : i32
      %dma_wait3A_438 = arith.constant 0 : i32
      %dma_wait3A_439 = tpu.memref_slice %arg3[%dma_wait3A_437, %dma_wait3A_438] : memref<1000000x32xf32, #tpu.memory_space<hbm>> -> memref<1000000x32xf32, #tpu.memory_space<hbm>>
      tpu.wait_indirect_dma semaphore(%arg27 : memref<!tpu.dma_semaphore, #tpu.memory_space<semaphore_mem>>) src(%dma_wait3A_439 : memref<1000000x32xf32, #tpu.memory_space<hbm>>) dst(%arg11 : memref<128x32xf32, #tpu.memory_space<vmem>>)
      %scan3A_440 = arith.constant 0 : i32
      %scan3A_441 = arith.constant 0 : i32
      %scan3A_442 = arith.constant 32 : i32
      %scan3A_443 = arith.addi %scan3A_441, %scan3A_442 : i32
      %scan3A_444 = arith.constant 1 : i32
      scf.for %scan3A_799 = %scan3A_441 to %scan3A_443 step %scan3A_444  : i32 {
        %broadcast_in_dim3A = vector.broadcast %scan3A_799 : i32 to vector<16xi32>
        %add3A_800 = arith.addi %iota3A, %broadcast_in_dim3A : vector<16xi32>
        %and3A_801 = arith.constant 31 : i32
        %and3A_802 = vector.broadcast %and3A_801 : i32 to vector<16xi32>
        %and3A_803 = arith.andi %add3A_800, %and3A_802 : vector<16xi32>
        %gather3A = tpu.vector_load_idx %arg11[%iota3A, %and3A_803] : memref<128x32xf32, #tpu.memory_space<vmem>>[vector<16xi32>, vector<16xi32>], vector<16xf32>,
        %shift_right_arithmetic3A = arith.constant 3 : i32
        %shift_right_arithmetic3A_804 = vector.broadcast %shift_right_arithmetic3A : i32 to vector<16xi32>
        %shift_right_arithmetic3A_805 = arith.shrsi %and3A_803, %shift_right_arithmetic3A_804 : vector<16xi32>
        %and3A_806 = arith.constant 7 : i32
        %and3A_807 = vector.broadcast %and3A_806 : i32 to vector<16xi32>
        %and3A_808 = arith.andi %and3A_803, %and3A_807 : vector<16xi32>
        tpu.vector_store_idx %arg19[%shift_right_arithmetic3A_805, %and3A_808, %iota3A], %gather3A : memref<4x8x128xf32, #tpu.memory_space<vmem>>[vector<16xi32>, vector<16xi32>, vector<16xi32>], vector<16xf32>,
        %add3A_809 = arith.addi %add3A_12, %broadcast_in_dim3A : vector<16xi32>
        %and3A_810 = arith.constant 31 : i32
        %and3A_811 = vector.broadcast %and3A_810 : i32 to vector<16xi32>
        %and3A_812 = arith.andi %add3A_809, %and3A_811 : vector<16xi32>
        %gather3A_813 = tpu.vector_load_idx %arg11[%add3A_12, %and3A_812] : memref<128x32xf32, #tpu.memory_space<vmem>>[vector<16xi32>, vector<16xi32>], vector<16xf32>,
        %shift_right_arithmetic3A_814 = arith.constant 3 : i32
        %shift_right_arithmetic3A_815 = vector.broadcast %shift_right_arithmetic3A_814 : i32 to vector<16xi32>
        %shift_right_arithmetic3A_816 = arith.shrsi %and3A_812, %shift_right_arithmetic3A_815 : vector<16xi32>
        %and3A_817 = arith.constant 7 : i32
        %and3A_818 = vector.broadcast %and3A_817 : i32 to vector<16xi32>
        %and3A_819 = arith.andi %and3A_812, %and3A_818 : vector<16xi32>
        tpu.vector_store_idx %arg19[%shift_right_arithmetic3A_816, %and3A_819, %add3A_12], %gather3A_813 : memref<4x8x128xf32, #tpu.memory_space<vmem>>[vector<16xi32>, vector<16xi32>, vector<16xi32>], vector<16xf32>,
        %add3A_820 = arith.addi %add3A_16, %broadcast_in_dim3A : vector<16xi32>
        %and3A_821 = arith.constant 31 : i32
        %and3A_822 = vector.broadcast %and3A_821 : i32 to vector<16xi32>
        %and3A_823 = arith.andi %add3A_820, %and3A_822 : vector<16xi32>
        %gather3A_824 = tpu.vector_load_idx %arg11[%add3A_16, %and3A_823] : memref<128x32xf32, #tpu.memory_space<vmem>>[vector<16xi32>, vector<16xi32>], vector<16xf32>,
        %shift_right_arithmetic3A_825 = arith.constant 3 : i32
        %shift_right_arithmetic3A_826 = vector.broadcast %shift_right_arithmetic3A_825 : i32 to vector<16xi32>
        %shift_right_arithmetic3A_827 = arith.shrsi %and3A_823, %shift_right_arithmetic3A_826 : vector<16xi32>
        %and3A_828 = arith.constant 7 : i32
        %and3A_829 = vector.broadcast %and3A_828 : i32 to vector<16xi32>
        %and3A_830 = arith.andi %and3A_823, %and3A_829 : vector<16xi32>
        tpu.vector_store_idx %arg19[%shift_right_arithmetic3A_827, %and3A_830, %add3A_16], %gather3A_824 : memref<4x8x128xf32, #tpu.memory_space<vmem>>[vector<16xi32>, vector<16xi32>, vector<16xi32>], vector<16xf32>,
        %add3A_831 = arith.addi %add3A_20, %broadcast_in_dim3A : vector<16xi32>
        %and3A_832 = arith.constant 31 : i32
        %and3A_833 = vector.broadcast %and3A_832 : i32 to vector<16xi32>
        %and3A_834 = arith.andi %add3A_831, %and3A_833 : vector<16xi32>
        %gather3A_835 = tpu.vector_load_idx %arg11[%add3A_20, %and3A_834] : memref<128x32xf32, #tpu.memory_space<vmem>>[vector<16xi32>, vector<16xi32>], vector<16xf32>,
        %shift_right_arithmetic3A_836 = arith.constant 3 : i32
        %shift_right_arithmetic3A_837 = vector.broadcast %shift_right_arithmetic3A_836 : i32 to vector<16xi32>
        %shift_right_arithmetic3A_838 = arith.shrsi %and3A_834, %shift_right_arithmetic3A_837 : vector<16xi32>
        %and3A_839 = arith.constant 7 : i32
        %and3A_840 = vector.broadcast %and3A_839 : i32 to vector<16xi32>
        %and3A_841 = arith.andi %and3A_834, %and3A_840 : vector<16xi32>
        tpu.vector_store_idx %arg19[%shift_right_arithmetic3A_838, %and3A_841, %add3A_20], %gather3A_835 : memref<4x8x128xf32, #tpu.memory_space<vmem>>[vector<16xi32>, vector<16xi32>, vector<16xi32>], vector<16xf32>,
        %add3A_842 = arith.addi %add3A_24, %broadcast_in_dim3A : vector<16xi32>
        %and3A_843 = arith.constant 31 : i32
        %and3A_844 = vector.broadcast %and3A_843 : i32 to vector<16xi32>
        %and3A_845 = arith.andi %add3A_842, %and3A_844 : vector<16xi32>
        %gather3A_846 = tpu.vector_load_idx %arg11[%add3A_24, %and3A_845] : memref<128x32xf32, #tpu.memory_space<vmem>>[vector<16xi32>, vector<16xi32>], vector<16xf32>,
        %shift_right_arithmetic3A_847 = arith.constant 3 : i32
        %shift_right_arithmetic3A_848 = vector.broadcast %shift_right_arithmetic3A_847 : i32 to vector<16xi32>
        %shift_right_arithmetic3A_849 = arith.shrsi %and3A_845, %shift_right_arithmetic3A_848 : vector<16xi32>
        %and3A_850 = arith.constant 7 : i32
        %and3A_851 = vector.broadcast %and3A_850 : i32 to vector<16xi32>
        %and3A_852 = arith.andi %and3A_845, %and3A_851 : vector<16xi32>
        tpu.vector_store_idx %arg19[%shift_right_arithmetic3A_849, %and3A_852, %add3A_24], %gather3A_846 : memref<4x8x128xf32, #tpu.memory_space<vmem>>[vector<16xi32>, vector<16xi32>, vector<16xi32>], vector<16xf32>,
        %add3A_853 = arith.addi %add3A_28, %broadcast_in_dim3A : vector<16xi32>
        %and3A_854 = arith.constant 31 : i32
        %and3A_855 = vector.broadcast %and3A_854 : i32 to vector<16xi32>
        %and3A_856 = arith.andi %add3A_853, %and3A_855 : vector<16xi32>
        %gather3A_857 = tpu.vector_load_idx %arg11[%add3A_28, %and3A_856] : memref<128x32xf32, #tpu.memory_space<vmem>>[vector<16xi32>, vector<16xi32>], vector<16xf32>,
        %shift_right_arithmetic3A_858 = arith.constant 3 : i32
        %shift_right_arithmetic3A_859 = vector.broadcast %shift_right_arithmetic3A_858 : i32 to vector<16xi32>
        %shift_right_arithmetic3A_860 = arith.shrsi %and3A_856, %shift_right_arithmetic3A_859 : vector<16xi32>
        %and3A_861 = arith.constant 7 : i32
        %and3A_862 = vector.broadcast %and3A_861 : i32 to vector<16xi32>
        %and3A_863 = arith.andi %and3A_856, %and3A_862 : vector<16xi32>
        tpu.vector_store_idx %arg19[%shift_right_arithmetic3A_860, %and3A_863, %add3A_28], %gather3A_857 : memref<4x8x128xf32, #tpu.memory_space<vmem>>[vector<16xi32>, vector<16xi32>, vector<16xi32>], vector<16xf32>,
        %add3A_864 = arith.addi %add3A_32, %broadcast_in_dim3A : vector<16xi32>
        %and3A_865 = arith.constant 31 : i32
        %and3A_866 = vector.broadcast %and3A_865 : i32 to vector<16xi32>
        %and3A_867 = arith.andi %add3A_864, %and3A_866 : vector<16xi32>
        %gather3A_868 = tpu.vector_load_idx %arg11[%add3A_32, %and3A_867] : memref<128x32xf32, #tpu.memory_space<vmem>>[vector<16xi32>, vector<16xi32>], vector<16xf32>,
        %shift_right_arithmetic3A_869 = arith.constant 3 : i32
        %shift_right_arithmetic3A_870 = vector.broadcast %shift_right_arithmetic3A_869 : i32 to vector<16xi32>
        %shift_right_arithmetic3A_871 = arith.shrsi %and3A_867, %shift_right_arithmetic3A_870 : vector<16xi32>
        %and3A_872 = arith.constant 7 : i32
        %and3A_873 = vector.broadcast %and3A_872 : i32 to vector<16xi32>
        %and3A_874 = arith.andi %and3A_867, %and3A_873 : vector<16xi32>
        tpu.vector_store_idx %arg19[%shift_right_arithmetic3A_871, %and3A_874, %add3A_32], %gather3A_868 : memref<4x8x128xf32, #tpu.memory_space<vmem>>[vector<16xi32>, vector<16xi32>, vector<16xi32>], vector<16xf32>,
        %add3A_875 = arith.addi %add3A_36, %broadcast_in_dim3A : vector<16xi32>
        %and3A_876 = arith.constant 31 : i32
        %and3A_877 = vector.broadcast %and3A_876 : i32 to vector<16xi32>
        %and3A_878 = arith.andi %add3A_875, %and3A_877 : vector<16xi32>
        %gather3A_879 = tpu.vector_load_idx %arg11[%add3A_36, %and3A_878] : memref<128x32xf32, #tpu.memory_space<vmem>>[vector<16xi32>, vector<16xi32>], vector<16xf32>,
        %shift_right_arithmetic3A_880 = arith.constant 3 : i32
        %shift_right_arithmetic3A_881 = vector.broadcast %shift_right_arithmetic3A_880 : i32 to vector<16xi32>
        %shift_right_arithmetic3A_882 = arith.shrsi %and3A_878, %shift_right_arithmetic3A_881 : vector<16xi32>
        %and3A_883 = arith.constant 7 : i32
        %and3A_884 = vector.broadcast %and3A_883 : i32 to vector<16xi32>
        %and3A_885 = arith.andi %and3A_878, %and3A_884 : vector<16xi32>
        tpu.vector_store_idx %arg19[%shift_right_arithmetic3A_882, %and3A_885, %add3A_36], %gather3A_879 : memref<4x8x128xf32, #tpu.memory_space<vmem>>[vector<16xi32>, vector<16xi32>, vector<16xi32>], vector<16xf32>,
      }
      %scan3A_445 = arith.constant 32 : i32
      %add3A_446 = arith.addi %mul3A_2, %add3A_432 : i32
      %jit3A_447 = arith.constant 32 : i32
      %div3A_448 = arith.divsi %add3A_446, %jit3A_447 : i32
      %sign3A_449 = arith.constant 0 : i32
      %sign3A_450 = arith.cmpi sgt, %add3A_446, %sign3A_449 : i32
      %sign3A_451 = arith.extui %sign3A_450 : i1 to i32
      %sign3A_452 = arith.constant 0 : i32
      %sign3A_453 = arith.cmpi slt, %add3A_446, %sign3A_452 : i32
      %sign3A_454 = arith.extui %sign3A_453 : i1 to i32
      %sign3A_455 = arith.subi %sign3A_451, %sign3A_454 : i32
      %sign3A_456 = arith.constant 0 : i32
      %sign3A_457 = arith.cmpi sgt, %jit3A_447, %sign3A_456 : i32
      %sign3A_458 = arith.extui %sign3A_457 : i1 to i32
      %sign3A_459 = arith.constant 0 : i32
      %sign3A_460 = arith.cmpi slt, %jit3A_447, %sign3A_459 : i32
      %sign3A_461 = arith.extui %sign3A_460 : i1 to i32
      %sign3A_462 = arith.subi %sign3A_458, %sign3A_461 : i32
      %ne3A_463 = arith.cmpi ne, %sign3A_455, %sign3A_462 : i32
      %rem3A_464 = arith.remsi %add3A_446, %jit3A_447 : i32
      %ne3A_465 = arith.constant 0 : i32
      %ne3A_466 = arith.cmpi ne, %rem3A_464, %ne3A_465 : i32
      %and3A_467 = arith.andi %ne3A_463, %ne3A_466 : i1
      %sub3A_468 = arith.constant 1 : i32
      %sub3A_469 = arith.subi %div3A_448, %sub3A_468 : i32
      %select_n3A_470 = arith.select %and3A_467, %sub3A_469, %div3A_448 : i32
      %jit3A_471 = arith.constant 32 : i32
      %eq3A_472 = arith.constant 0 : i32
      %eq3A_473 = arith.cmpi eq, %jit3A_471, %eq3A_472 : i32
      %jit3A_474 = arith.constant 1 : i32
      %select_n3A_475 = arith.select %eq3A_473, %jit3A_474, %jit3A_471 : i32
      %rem3A_476 = arith.remsi %add3A_446, %select_n3A_475 : i32
      %ne3A_477 = arith.constant 0 : i32
      %ne3A_478 = arith.cmpi ne, %rem3A_476, %ne3A_477 : i32
      %lt3A_479 = arith.constant 0 : i32
      %lt3A_480 = arith.cmpi slt, %rem3A_476, %lt3A_479 : i32
      %lt3A_481 = arith.constant 0 : i32
      %lt3A_482 = arith.cmpi slt, %select_n3A_475, %lt3A_481 : i32
      %ne3A_483 = arith.xori %lt3A_480, %lt3A_482 : i1
      %and3A_484 = arith.andi %ne3A_483, %ne3A_478 : i1
      %add3A_485 = arith.addi %rem3A_476, %select_n3A_475 : i32
      %select_n3A_486 = arith.select %and3A_484, %add3A_485, %rem3A_476 : i32
      %dma_start3A_487 = arith.constant 0 : i32
      %dma_start3A_488 = arith.constant 0 : i32
      %dma_start3A_489 = arith.constant 0 : i32
      %dma_start3A_490 = tpu.memref_slice %arg4[%select_n3A_470, %dma_start3A_487, %select_n3A_486, %dma_start3A_488, %dma_start3A_489] : memref<200x4x32x8x128xf32, #tpu.memory_space<hbm>> -> memref<1x4x1x8x128xf32, #tpu.memory_space<hbm>>
      %dma_start3A_491 = tpu.memref_squeeze %dma_start3A_490 : memref<1x4x1x8x128xf32, #tpu.memory_space<hbm>> -> memref<4x8x128xf32, #tpu.memory_space<hbm>>
      %dma_start3A_492 = arith.constant 0 : i32
      %dma_start3A_493 = arith.constant 0 : i32
      %dma_start3A_494 = arith.constant 0 : i32
      %dma_start3A_495 = tpu.memref_slice %arg4[%select_n3A_470, %dma_start3A_492, %select_n3A_486, %dma_start3A_493, %dma_start3A_494] : memref<200x4x32x8x128xf32, #tpu.memory_space<hbm>> -> memref<1x4x1x8x128xf32, #tpu.memory_space<hbm>>
      %dma_start3A_496 = tpu.memref_squeeze %dma_start3A_495 : memref<1x4x1x8x128xf32, #tpu.memory_space<hbm>> -> memref<4x8x128xf32, #tpu.memory_space<hbm>>
      tpu.enqueue_dma source(%arg19 : memref<4x8x128xf32, #tpu.memory_space<vmem>>) target(%dma_start3A_496 : memref<4x8x128xf32, #tpu.memory_space<hbm>>) target_semaphore(%arg35 : memref<!tpu.dma_semaphore, #tpu.memory_space<semaphore_mem>>)
      %mul3A_497 = arith.constant 8 : i32
      %mul3A_498 = arith.muli %scan3A_98, %mul3A_497 : i32
      %add3A_499 = arith.constant 6 : i32
      %add3A_500 = arith.addi %mul3A_498, %add3A_499 : i32
      %dma_wait3A_501 = arith.constant 0 : i32
      %dma_wait3A_502 = arith.constant 0 : i32
      %dma_wait3A_503 = tpu.memref_slice %arg5[%dma_wait3A_501, %dma_wait3A_502] : memref<200x128xi32, #tpu.memory_space<vmem>> -> memref<1x128xi32, #tpu.memory_space<vmem>>
      %dma_wait3A_504 = tpu.memref_squeeze %dma_wait3A_503 : memref<1x128xi32, #tpu.memory_space<vmem>> -> memref<128xi32, #tpu.memory_space<vmem>>
      %dma_wait3A_505 = arith.constant 0 : i32
      %dma_wait3A_506 = arith.constant 0 : i32
      %dma_wait3A_507 = tpu.memref_slice %arg3[%dma_wait3A_505, %dma_wait3A_506] : memref<1000000x32xf32, #tpu.memory_space<hbm>> -> memref<1000000x32xf32, #tpu.memory_space<hbm>>
      tpu.wait_indirect_dma semaphore(%arg28 : memref<!tpu.dma_semaphore, #tpu.memory_space<semaphore_mem>>) src(%dma_wait3A_507 : memref<1000000x32xf32, #tpu.memory_space<hbm>>) dst(%arg12 : memref<128x32xf32, #tpu.memory_space<vmem>>)
      %scan3A_508 = arith.constant 0 : i32
      %scan3A_509 = arith.constant 0 : i32
      %scan3A_510 = arith.constant 32 : i32
      %scan3A_511 = arith.addi %scan3A_509, %scan3A_510 : i32
      %scan3A_512 = arith.constant 1 : i32
      scf.for %scan3A_799 = %scan3A_509 to %scan3A_511 step %scan3A_512  : i32 {
        %broadcast_in_dim3A = vector.broadcast %scan3A_799 : i32 to vector<16xi32>
        %add3A_800 = arith.addi %iota3A, %broadcast_in_dim3A : vector<16xi32>
        %and3A_801 = arith.constant 31 : i32
        %and3A_802 = vector.broadcast %and3A_801 : i32 to vector<16xi32>
        %and3A_803 = arith.andi %add3A_800, %and3A_802 : vector<16xi32>
        %gather3A = tpu.vector_load_idx %arg12[%iota3A, %and3A_803] : memref<128x32xf32, #tpu.memory_space<vmem>>[vector<16xi32>, vector<16xi32>], vector<16xf32>,
        %shift_right_arithmetic3A = arith.constant 3 : i32
        %shift_right_arithmetic3A_804 = vector.broadcast %shift_right_arithmetic3A : i32 to vector<16xi32>
        %shift_right_arithmetic3A_805 = arith.shrsi %and3A_803, %shift_right_arithmetic3A_804 : vector<16xi32>
        %and3A_806 = arith.constant 7 : i32
        %and3A_807 = vector.broadcast %and3A_806 : i32 to vector<16xi32>
        %and3A_808 = arith.andi %and3A_803, %and3A_807 : vector<16xi32>
        tpu.vector_store_idx %arg20[%shift_right_arithmetic3A_805, %and3A_808, %iota3A], %gather3A : memref<4x8x128xf32, #tpu.memory_space<vmem>>[vector<16xi32>, vector<16xi32>, vector<16xi32>], vector<16xf32>,
        %add3A_809 = arith.addi %add3A_12, %broadcast_in_dim3A : vector<16xi32>
        %and3A_810 = arith.constant 31 : i32
        %and3A_811 = vector.broadcast %and3A_810 : i32 to vector<16xi32>
        %and3A_812 = arith.andi %add3A_809, %and3A_811 : vector<16xi32>
        %gather3A_813 = tpu.vector_load_idx %arg12[%add3A_12, %and3A_812] : memref<128x32xf32, #tpu.memory_space<vmem>>[vector<16xi32>, vector<16xi32>], vector<16xf32>,
        %shift_right_arithmetic3A_814 = arith.constant 3 : i32
        %shift_right_arithmetic3A_815 = vector.broadcast %shift_right_arithmetic3A_814 : i32 to vector<16xi32>
        %shift_right_arithmetic3A_816 = arith.shrsi %and3A_812, %shift_right_arithmetic3A_815 : vector<16xi32>
        %and3A_817 = arith.constant 7 : i32
        %and3A_818 = vector.broadcast %and3A_817 : i32 to vector<16xi32>
        %and3A_819 = arith.andi %and3A_812, %and3A_818 : vector<16xi32>
        tpu.vector_store_idx %arg20[%shift_right_arithmetic3A_816, %and3A_819, %add3A_12], %gather3A_813 : memref<4x8x128xf32, #tpu.memory_space<vmem>>[vector<16xi32>, vector<16xi32>, vector<16xi32>], vector<16xf32>,
        %add3A_820 = arith.addi %add3A_16, %broadcast_in_dim3A : vector<16xi32>
        %and3A_821 = arith.constant 31 : i32
        %and3A_822 = vector.broadcast %and3A_821 : i32 to vector<16xi32>
        %and3A_823 = arith.andi %add3A_820, %and3A_822 : vector<16xi32>
        %gather3A_824 = tpu.vector_load_idx %arg12[%add3A_16, %and3A_823] : memref<128x32xf32, #tpu.memory_space<vmem>>[vector<16xi32>, vector<16xi32>], vector<16xf32>,
        %shift_right_arithmetic3A_825 = arith.constant 3 : i32
        %shift_right_arithmetic3A_826 = vector.broadcast %shift_right_arithmetic3A_825 : i32 to vector<16xi32>
        %shift_right_arithmetic3A_827 = arith.shrsi %and3A_823, %shift_right_arithmetic3A_826 : vector<16xi32>
        %and3A_828 = arith.constant 7 : i32
        %and3A_829 = vector.broadcast %and3A_828 : i32 to vector<16xi32>
        %and3A_830 = arith.andi %and3A_823, %and3A_829 : vector<16xi32>
        tpu.vector_store_idx %arg20[%shift_right_arithmetic3A_827, %and3A_830, %add3A_16], %gather3A_824 : memref<4x8x128xf32, #tpu.memory_space<vmem>>[vector<16xi32>, vector<16xi32>, vector<16xi32>], vector<16xf32>,
        %add3A_831 = arith.addi %add3A_20, %broadcast_in_dim3A : vector<16xi32>
        %and3A_832 = arith.constant 31 : i32
        %and3A_833 = vector.broadcast %and3A_832 : i32 to vector<16xi32>
        %and3A_834 = arith.andi %add3A_831, %and3A_833 : vector<16xi32>
        %gather3A_835 = tpu.vector_load_idx %arg12[%add3A_20, %and3A_834] : memref<128x32xf32, #tpu.memory_space<vmem>>[vector<16xi32>, vector<16xi32>], vector<16xf32>,
        %shift_right_arithmetic3A_836 = arith.constant 3 : i32
        %shift_right_arithmetic3A_837 = vector.broadcast %shift_right_arithmetic3A_836 : i32 to vector<16xi32>
        %shift_right_arithmetic3A_838 = arith.shrsi %and3A_834, %shift_right_arithmetic3A_837 : vector<16xi32>
        %and3A_839 = arith.constant 7 : i32
        %and3A_840 = vector.broadcast %and3A_839 : i32 to vector<16xi32>
        %and3A_841 = arith.andi %and3A_834, %and3A_840 : vector<16xi32>
        tpu.vector_store_idx %arg20[%shift_right_arithmetic3A_838, %and3A_841, %add3A_20], %gather3A_835 : memref<4x8x128xf32, #tpu.memory_space<vmem>>[vector<16xi32>, vector<16xi32>, vector<16xi32>], vector<16xf32>,
        %add3A_842 = arith.addi %add3A_24, %broadcast_in_dim3A : vector<16xi32>
        %and3A_843 = arith.constant 31 : i32
        %and3A_844 = vector.broadcast %and3A_843 : i32 to vector<16xi32>
        %and3A_845 = arith.andi %add3A_842, %and3A_844 : vector<16xi32>
        %gather3A_846 = tpu.vector_load_idx %arg12[%add3A_24, %and3A_845] : memref<128x32xf32, #tpu.memory_space<vmem>>[vector<16xi32>, vector<16xi32>], vector<16xf32>,
        %shift_right_arithmetic3A_847 = arith.constant 3 : i32
        %shift_right_arithmetic3A_848 = vector.broadcast %shift_right_arithmetic3A_847 : i32 to vector<16xi32>
        %shift_right_arithmetic3A_849 = arith.shrsi %and3A_845, %shift_right_arithmetic3A_848 : vector<16xi32>
        %and3A_850 = arith.constant 7 : i32
        %and3A_851 = vector.broadcast %and3A_850 : i32 to vector<16xi32>
        %and3A_852 = arith.andi %and3A_845, %and3A_851 : vector<16xi32>
        tpu.vector_store_idx %arg20[%shift_right_arithmetic3A_849, %and3A_852, %add3A_24], %gather3A_846 : memref<4x8x128xf32, #tpu.memory_space<vmem>>[vector<16xi32>, vector<16xi32>, vector<16xi32>], vector<16xf32>,
        %add3A_853 = arith.addi %add3A_28, %broadcast_in_dim3A : vector<16xi32>
        %and3A_854 = arith.constant 31 : i32
        %and3A_855 = vector.broadcast %and3A_854 : i32 to vector<16xi32>
        %and3A_856 = arith.andi %add3A_853, %and3A_855 : vector<16xi32>
        %gather3A_857 = tpu.vector_load_idx %arg12[%add3A_28, %and3A_856] : memref<128x32xf32, #tpu.memory_space<vmem>>[vector<16xi32>, vector<16xi32>], vector<16xf32>,
        %shift_right_arithmetic3A_858 = arith.constant 3 : i32
        %shift_right_arithmetic3A_859 = vector.broadcast %shift_right_arithmetic3A_858 : i32 to vector<16xi32>
        %shift_right_arithmetic3A_860 = arith.shrsi %and3A_856, %shift_right_arithmetic3A_859 : vector<16xi32>
        %and3A_861 = arith.constant 7 : i32
        %and3A_862 = vector.broadcast %and3A_861 : i32 to vector<16xi32>
        %and3A_863 = arith.andi %and3A_856, %and3A_862 : vector<16xi32>
        tpu.vector_store_idx %arg20[%shift_right_arithmetic3A_860, %and3A_863, %add3A_28], %gather3A_857 : memref<4x8x128xf32, #tpu.memory_space<vmem>>[vector<16xi32>, vector<16xi32>, vector<16xi32>], vector<16xf32>,
        %add3A_864 = arith.addi %add3A_32, %broadcast_in_dim3A : vector<16xi32>
        %and3A_865 = arith.constant 31 : i32
        %and3A_866 = vector.broadcast %and3A_865 : i32 to vector<16xi32>
        %and3A_867 = arith.andi %add3A_864, %and3A_866 : vector<16xi32>
        %gather3A_868 = tpu.vector_load_idx %arg12[%add3A_32, %and3A_867] : memref<128x32xf32, #tpu.memory_space<vmem>>[vector<16xi32>, vector<16xi32>], vector<16xf32>,
        %shift_right_arithmetic3A_869 = arith.constant 3 : i32
        %shift_right_arithmetic3A_870 = vector.broadcast %shift_right_arithmetic3A_869 : i32 to vector<16xi32>
        %shift_right_arithmetic3A_871 = arith.shrsi %and3A_867, %shift_right_arithmetic3A_870 : vector<16xi32>
        %and3A_872 = arith.constant 7 : i32
        %and3A_873 = vector.broadcast %and3A_872 : i32 to vector<16xi32>
        %and3A_874 = arith.andi %and3A_867, %and3A_873 : vector<16xi32>
        tpu.vector_store_idx %arg20[%shift_right_arithmetic3A_871, %and3A_874, %add3A_32], %gather3A_868 : memref<4x8x128xf32, #tpu.memory_space<vmem>>[vector<16xi32>, vector<16xi32>, vector<16xi32>], vector<16xf32>,
        %add3A_875 = arith.addi %add3A_36, %broadcast_in_dim3A : vector<16xi32>
        %and3A_876 = arith.constant 31 : i32
        %and3A_877 = vector.broadcast %and3A_876 : i32 to vector<16xi32>
        %and3A_878 = arith.andi %add3A_875, %and3A_877 : vector<16xi32>
        %gather3A_879 = tpu.vector_load_idx %arg12[%add3A_36, %and3A_878] : memref<128x32xf32, #tpu.memory_space<vmem>>[vector<16xi32>, vector<16xi32>], vector<16xf32>,
        %shift_right_arithmetic3A_880 = arith.constant 3 : i32
        %shift_right_arithmetic3A_881 = vector.broadcast %shift_right_arithmetic3A_880 : i32 to vector<16xi32>
        %shift_right_arithmetic3A_882 = arith.shrsi %and3A_878, %shift_right_arithmetic3A_881 : vector<16xi32>
        %and3A_883 = arith.constant 7 : i32
        %and3A_884 = vector.broadcast %and3A_883 : i32 to vector<16xi32>
        %and3A_885 = arith.andi %and3A_878, %and3A_884 : vector<16xi32>
        tpu.vector_store_idx %arg20[%shift_right_arithmetic3A_882, %and3A_885, %add3A_36], %gather3A_879 : memref<4x8x128xf32, #tpu.memory_space<vmem>>[vector<16xi32>, vector<16xi32>, vector<16xi32>], vector<16xf32>,
      }
      %scan3A_513 = arith.constant 32 : i32
      %add3A_514 = arith.addi %mul3A_2, %add3A_500 : i32
      %jit3A_515 = arith.constant 32 : i32
      %div3A_516 = arith.divsi %add3A_514, %jit3A_515 : i32
      %sign3A_517 = arith.constant 0 : i32
      %sign3A_518 = arith.cmpi sgt, %add3A_514, %sign3A_517 : i32
      %sign3A_519 = arith.extui %sign3A_518 : i1 to i32
      %sign3A_520 = arith.constant 0 : i32
      %sign3A_521 = arith.cmpi slt, %add3A_514, %sign3A_520 : i32
      %sign3A_522 = arith.extui %sign3A_521 : i1 to i32
      %sign3A_523 = arith.subi %sign3A_519, %sign3A_522 : i32
      %sign3A_524 = arith.constant 0 : i32
      %sign3A_525 = arith.cmpi sgt, %jit3A_515, %sign3A_524 : i32
      %sign3A_526 = arith.extui %sign3A_525 : i1 to i32
      %sign3A_527 = arith.constant 0 : i32
      %sign3A_528 = arith.cmpi slt, %jit3A_515, %sign3A_527 : i32
      %sign3A_529 = arith.extui %sign3A_528 : i1 to i32
      %sign3A_530 = arith.subi %sign3A_526, %sign3A_529 : i32
      %ne3A_531 = arith.cmpi ne, %sign3A_523, %sign3A_530 : i32
      %rem3A_532 = arith.remsi %add3A_514, %jit3A_515 : i32
      %ne3A_533 = arith.constant 0 : i32
      %ne3A_534 = arith.cmpi ne, %rem3A_532, %ne3A_533 : i32
      %and3A_535 = arith.andi %ne3A_531, %ne3A_534 : i1
      %sub3A_536 = arith.constant 1 : i32
      %sub3A_537 = arith.subi %div3A_516, %sub3A_536 : i32
      %select_n3A_538 = arith.select %and3A_535, %sub3A_537, %div3A_516 : i32
      %jit3A_539 = arith.constant 32 : i32
      %eq3A_540 = arith.constant 0 : i32
      %eq3A_541 = arith.cmpi eq, %jit3A_539, %eq3A_540 : i32
      %jit3A_542 = arith.constant 1 : i32
      %select_n3A_543 = arith.select %eq3A_541, %jit3A_542, %jit3A_539 : i32
      %rem3A_544 = arith.remsi %add3A_514, %select_n3A_543 : i32
      %ne3A_545 = arith.constant 0 : i32
      %ne3A_546 = arith.cmpi ne, %rem3A_544, %ne3A_545 : i32
      %lt3A_547 = arith.constant 0 : i32
      %lt3A_548 = arith.cmpi slt, %rem3A_544, %lt3A_547 : i32
      %lt3A_549 = arith.constant 0 : i32
      %lt3A_550 = arith.cmpi slt, %select_n3A_543, %lt3A_549 : i32
      %ne3A_551 = arith.xori %lt3A_548, %lt3A_550 : i1
      %and3A_552 = arith.andi %ne3A_551, %ne3A_546 : i1
      %add3A_553 = arith.addi %rem3A_544, %select_n3A_543 : i32
      %select_n3A_554 = arith.select %and3A_552, %add3A_553, %rem3A_544 : i32
      %dma_start3A_555 = arith.constant 0 : i32
      %dma_start3A_556 = arith.constant 0 : i32
      %dma_start3A_557 = arith.constant 0 : i32
      %dma_start3A_558 = tpu.memref_slice %arg4[%select_n3A_538, %dma_start3A_555, %select_n3A_554, %dma_start3A_556, %dma_start3A_557] : memref<200x4x32x8x128xf32, #tpu.memory_space<hbm>> -> memref<1x4x1x8x128xf32, #tpu.memory_space<hbm>>
      %dma_start3A_559 = tpu.memref_squeeze %dma_start3A_558 : memref<1x4x1x8x128xf32, #tpu.memory_space<hbm>> -> memref<4x8x128xf32, #tpu.memory_space<hbm>>
      %dma_start3A_560 = arith.constant 0 : i32
      %dma_start3A_561 = arith.constant 0 : i32
      %dma_start3A_562 = arith.constant 0 : i32
      %dma_start3A_563 = tpu.memref_slice %arg4[%select_n3A_538, %dma_start3A_560, %select_n3A_554, %dma_start3A_561, %dma_start3A_562] : memref<200x4x32x8x128xf32, #tpu.memory_space<hbm>> -> memref<1x4x1x8x128xf32, #tpu.memory_space<hbm>>
      %dma_start3A_564 = tpu.memref_squeeze %dma_start3A_563 : memref<1x4x1x8x128xf32, #tpu.memory_space<hbm>> -> memref<4x8x128xf32, #tpu.memory_space<hbm>>
      tpu.enqueue_dma source(%arg20 : memref<4x8x128xf32, #tpu.memory_space<vmem>>) target(%dma_start3A_564 : memref<4x8x128xf32, #tpu.memory_space<hbm>>) target_semaphore(%arg36 : memref<!tpu.dma_semaphore, #tpu.memory_space<semaphore_mem>>)
      %mul3A_565 = arith.constant 8 : i32
      %mul3A_566 = arith.muli %scan3A_98, %mul3A_565 : i32
      %add3A_567 = arith.constant 7 : i32
      %add3A_568 = arith.addi %mul3A_566, %add3A_567 : i32
      %dma_wait3A_569 = arith.constant 0 : i32
      %dma_wait3A_570 = arith.constant 0 : i32
      %dma_wait3A_571 = tpu.memref_slice %arg5[%dma_wait3A_569, %dma_wait3A_570] : memref<200x128xi32, #tpu.memory_space<vmem>> -> memref<1x128xi32, #tpu.memory_space<vmem>>
      %dma_wait3A_572 = tpu.memref_squeeze %dma_wait3A_571 : memref<1x128xi32, #tpu.memory_space<vmem>> -> memref<128xi32, #tpu.memory_space<vmem>>
      %dma_wait3A_573 = arith.constant 0 : i32
      %dma_wait3A_574 = arith.constant 0 : i32
      %dma_wait3A_575 = tpu.memref_slice %arg3[%dma_wait3A_573, %dma_wait3A_574] : memref<1000000x32xf32, #tpu.memory_space<hbm>> -> memref<1000000x32xf32, #tpu.memory_space<hbm>>
      tpu.wait_indirect_dma semaphore(%arg29 : memref<!tpu.dma_semaphore, #tpu.memory_space<semaphore_mem>>) src(%dma_wait3A_575 : memref<1000000x32xf32, #tpu.memory_space<hbm>>) dst(%arg13 : memref<128x32xf32, #tpu.memory_space<vmem>>)
      %scan3A_576 = arith.constant 0 : i32
      %scan3A_577 = arith.constant 0 : i32
      %scan3A_578 = arith.constant 32 : i32
      %scan3A_579 = arith.addi %scan3A_577, %scan3A_578 : i32
      %scan3A_580 = arith.constant 1 : i32
      scf.for %scan3A_799 = %scan3A_577 to %scan3A_579 step %scan3A_580  : i32 {
        %broadcast_in_dim3A = vector.broadcast %scan3A_799 : i32 to vector<16xi32>
        %add3A_800 = arith.addi %iota3A, %broadcast_in_dim3A : vector<16xi32>
        %and3A_801 = arith.constant 31 : i32
        %and3A_802 = vector.broadcast %and3A_801 : i32 to vector<16xi32>
        %and3A_803 = arith.andi %add3A_800, %and3A_802 : vector<16xi32>
        %gather3A = tpu.vector_load_idx %arg13[%iota3A, %and3A_803] : memref<128x32xf32, #tpu.memory_space<vmem>>[vector<16xi32>, vector<16xi32>], vector<16xf32>,
        %shift_right_arithmetic3A = arith.constant 3 : i32
        %shift_right_arithmetic3A_804 = vector.broadcast %shift_right_arithmetic3A : i32 to vector<16xi32>
        %shift_right_arithmetic3A_805 = arith.shrsi %and3A_803, %shift_right_arithmetic3A_804 : vector<16xi32>
        %and3A_806 = arith.constant 7 : i32
        %and3A_807 = vector.broadcast %and3A_806 : i32 to vector<16xi32>
        %and3A_808 = arith.andi %and3A_803, %and3A_807 : vector<16xi32>
        tpu.vector_store_idx %arg21[%shift_right_arithmetic3A_805, %and3A_808, %iota3A], %gather3A : memref<4x8x128xf32, #tpu.memory_space<vmem>>[vector<16xi32>, vector<16xi32>, vector<16xi32>], vector<16xf32>,
        %add3A_809 = arith.addi %add3A_12, %broadcast_in_dim3A : vector<16xi32>
        %and3A_810 = arith.constant 31 : i32
        %and3A_811 = vector.broadcast %and3A_810 : i32 to vector<16xi32>
        %and3A_812 = arith.andi %add3A_809, %and3A_811 : vector<16xi32>
        %gather3A_813 = tpu.vector_load_idx %arg13[%add3A_12, %and3A_812] : memref<128x32xf32, #tpu.memory_space<vmem>>[vector<16xi32>, vector<16xi32>], vector<16xf32>,
        %shift_right_arithmetic3A_814 = arith.constant 3 : i32
        %shift_right_arithmetic3A_815 = vector.broadcast %shift_right_arithmetic3A_814 : i32 to vector<16xi32>
        %shift_right_arithmetic3A_816 = arith.shrsi %and3A_812, %shift_right_arithmetic3A_815 : vector<16xi32>
        %and3A_817 = arith.constant 7 : i32
        %and3A_818 = vector.broadcast %and3A_817 : i32 to vector<16xi32>
        %and3A_819 = arith.andi %and3A_812, %and3A_818 : vector<16xi32>
        tpu.vector_store_idx %arg21[%shift_right_arithmetic3A_816, %and3A_819, %add3A_12], %gather3A_813 : memref<4x8x128xf32, #tpu.memory_space<vmem>>[vector<16xi32>, vector<16xi32>, vector<16xi32>], vector<16xf32>,
        %add3A_820 = arith.addi %add3A_16, %broadcast_in_dim3A : vector<16xi32>
        %and3A_821 = arith.constant 31 : i32
        %and3A_822 = vector.broadcast %and3A_821 : i32 to vector<16xi32>
        %and3A_823 = arith.andi %add3A_820, %and3A_822 : vector<16xi32>
        %gather3A_824 = tpu.vector_load_idx %arg13[%add3A_16, %and3A_823] : memref<128x32xf32, #tpu.memory_space<vmem>>[vector<16xi32>, vector<16xi32>], vector<16xf32>,
        %shift_right_arithmetic3A_825 = arith.constant 3 : i32
        %shift_right_arithmetic3A_826 = vector.broadcast %shift_right_arithmetic3A_825 : i32 to vector<16xi32>
        %shift_right_arithmetic3A_827 = arith.shrsi %and3A_823, %shift_right_arithmetic3A_826 : vector<16xi32>
        %and3A_828 = arith.constant 7 : i32
        %and3A_829 = vector.broadcast %and3A_828 : i32 to vector<16xi32>
        %and3A_830 = arith.andi %and3A_823, %and3A_829 : vector<16xi32>
        tpu.vector_store_idx %arg21[%shift_right_arithmetic3A_827, %and3A_830, %add3A_16], %gather3A_824 : memref<4x8x128xf32, #tpu.memory_space<vmem>>[vector<16xi32>, vector<16xi32>, vector<16xi32>], vector<16xf32>,
        %add3A_831 = arith.addi %add3A_20, %broadcast_in_dim3A : vector<16xi32>
        %and3A_832 = arith.constant 31 : i32
        %and3A_833 = vector.broadcast %and3A_832 : i32 to vector<16xi32>
        %and3A_834 = arith.andi %add3A_831, %and3A_833 : vector<16xi32>
        %gather3A_835 = tpu.vector_load_idx %arg13[%add3A_20, %and3A_834] : memref<128x32xf32, #tpu.memory_space<vmem>>[vector<16xi32>, vector<16xi32>], vector<16xf32>,
        %shift_right_arithmetic3A_836 = arith.constant 3 : i32
        %shift_right_arithmetic3A_837 = vector.broadcast %shift_right_arithmetic3A_836 : i32 to vector<16xi32>
        %shift_right_arithmetic3A_838 = arith.shrsi %and3A_834, %shift_right_arithmetic3A_837 : vector<16xi32>
        %and3A_839 = arith.constant 7 : i32
        %and3A_840 = vector.broadcast %and3A_839 : i32 to vector<16xi32>
        %and3A_841 = arith.andi %and3A_834, %and3A_840 : vector<16xi32>
        tpu.vector_store_idx %arg21[%shift_right_arithmetic3A_838, %and3A_841, %add3A_20], %gather3A_835 : memref<4x8x128xf32, #tpu.memory_space<vmem>>[vector<16xi32>, vector<16xi32>, vector<16xi32>], vector<16xf32>,
        %add3A_842 = arith.addi %add3A_24, %broadcast_in_dim3A : vector<16xi32>
        %and3A_843 = arith.constant 31 : i32
        %and3A_844 = vector.broadcast %and3A_843 : i32 to vector<16xi32>
        %and3A_845 = arith.andi %add3A_842, %and3A_844 : vector<16xi32>
        %gather3A_846 = tpu.vector_load_idx %arg13[%add3A_24, %and3A_845] : memref<128x32xf32, #tpu.memory_space<vmem>>[vector<16xi32>, vector<16xi32>], vector<16xf32>,
        %shift_right_arithmetic3A_847 = arith.constant 3 : i32
        %shift_right_arithmetic3A_848 = vector.broadcast %shift_right_arithmetic3A_847 : i32 to vector<16xi32>
        %shift_right_arithmetic3A_849 = arith.shrsi %and3A_845, %shift_right_arithmetic3A_848 : vector<16xi32>
        %and3A_850 = arith.constant 7 : i32
        %and3A_851 = vector.broadcast %and3A_850 : i32 to vector<16xi32>
        %and3A_852 = arith.andi %and3A_845, %and3A_851 : vector<16xi32>
        tpu.vector_store_idx %arg21[%shift_right_arithmetic3A_849, %and3A_852, %add3A_24], %gather3A_846 : memref<4x8x128xf32, #tpu.memory_space<vmem>>[vector<16xi32>, vector<16xi32>, vector<16xi32>], vector<16xf32>,
        %add3A_853 = arith.addi %add3A_28, %broadcast_in_dim3A : vector<16xi32>
        %and3A_854 = arith.constant 31 : i32
        %and3A_855 = vector.broadcast %and3A_854 : i32 to vector<16xi32>
        %and3A_856 = arith.andi %add3A_853, %and3A_855 : vector<16xi32>
        %gather3A_857 = tpu.vector_load_idx %arg13[%add3A_28, %and3A_856] : memref<128x32xf32, #tpu.memory_space<vmem>>[vector<16xi32>, vector<16xi32>], vector<16xf32>,
        %shift_right_arithmetic3A_858 = arith.constant 3 : i32
        %shift_right_arithmetic3A_859 = vector.broadcast %shift_right_arithmetic3A_858 : i32 to vector<16xi32>
        %shift_right_arithmetic3A_860 = arith.shrsi %and3A_856, %shift_right_arithmetic3A_859 : vector<16xi32>
        %and3A_861 = arith.constant 7 : i32
        %and3A_862 = vector.broadcast %and3A_861 : i32 to vector<16xi32>
        %and3A_863 = arith.andi %and3A_856, %and3A_862 : vector<16xi32>
        tpu.vector_store_idx %arg21[%shift_right_arithmetic3A_860, %and3A_863, %add3A_28], %gather3A_857 : memref<4x8x128xf32, #tpu.memory_space<vmem>>[vector<16xi32>, vector<16xi32>, vector<16xi32>], vector<16xf32>,
        %add3A_864 = arith.addi %add3A_32, %broadcast_in_dim3A : vector<16xi32>
        %and3A_865 = arith.constant 31 : i32
        %and3A_866 = vector.broadcast %and3A_865 : i32 to vector<16xi32>
        %and3A_867 = arith.andi %add3A_864, %and3A_866 : vector<16xi32>
        %gather3A_868 = tpu.vector_load_idx %arg13[%add3A_32, %and3A_867] : memref<128x32xf32, #tpu.memory_space<vmem>>[vector<16xi32>, vector<16xi32>], vector<16xf32>,
        %shift_right_arithmetic3A_869 = arith.constant 3 : i32
        %shift_right_arithmetic3A_870 = vector.broadcast %shift_right_arithmetic3A_869 : i32 to vector<16xi32>
        %shift_right_arithmetic3A_871 = arith.shrsi %and3A_867, %shift_right_arithmetic3A_870 : vector<16xi32>
        %and3A_872 = arith.constant 7 : i32
        %and3A_873 = vector.broadcast %and3A_872 : i32 to vector<16xi32>
        %and3A_874 = arith.andi %and3A_867, %and3A_873 : vector<16xi32>
        tpu.vector_store_idx %arg21[%shift_right_arithmetic3A_871, %and3A_874, %add3A_32], %gather3A_868 : memref<4x8x128xf32, #tpu.memory_space<vmem>>[vector<16xi32>, vector<16xi32>, vector<16xi32>], vector<16xf32>,
        %add3A_875 = arith.addi %add3A_36, %broadcast_in_dim3A : vector<16xi32>
        %and3A_876 = arith.constant 31 : i32
        %and3A_877 = vector.broadcast %and3A_876 : i32 to vector<16xi32>
        %and3A_878 = arith.andi %add3A_875, %and3A_877 : vector<16xi32>
        %gather3A_879 = tpu.vector_load_idx %arg13[%add3A_36, %and3A_878] : memref<128x32xf32, #tpu.memory_space<vmem>>[vector<16xi32>, vector<16xi32>], vector<16xf32>,
        %shift_right_arithmetic3A_880 = arith.constant 3 : i32
        %shift_right_arithmetic3A_881 = vector.broadcast %shift_right_arithmetic3A_880 : i32 to vector<16xi32>
        %shift_right_arithmetic3A_882 = arith.shrsi %and3A_878, %shift_right_arithmetic3A_881 : vector<16xi32>
        %and3A_883 = arith.constant 7 : i32
        %and3A_884 = vector.broadcast %and3A_883 : i32 to vector<16xi32>
        %and3A_885 = arith.andi %and3A_878, %and3A_884 : vector<16xi32>
        tpu.vector_store_idx %arg21[%shift_right_arithmetic3A_882, %and3A_885, %add3A_36], %gather3A_879 : memref<4x8x128xf32, #tpu.memory_space<vmem>>[vector<16xi32>, vector<16xi32>, vector<16xi32>], vector<16xf32>,
      }
      %scan3A_581 = arith.constant 32 : i32
      %add3A_582 = arith.addi %mul3A_2, %add3A_568 : i32
      %jit3A_583 = arith.constant 32 : i32
      %div3A_584 = arith.divsi %add3A_582, %jit3A_583 : i32
      %sign3A_585 = arith.constant 0 : i32
      %sign3A_586 = arith.cmpi sgt, %add3A_582, %sign3A_585 : i32
      %sign3A_587 = arith.extui %sign3A_586 : i1 to i32
      %sign3A_588 = arith.constant 0 : i32
      %sign3A_589 = arith.cmpi slt, %add3A_582, %sign3A_588 : i32
      %sign3A_590 = arith.extui %sign3A_589 : i1 to i32
      %sign3A_591 = arith.subi %sign3A_587, %sign3A_590 : i32
      %sign3A_592 = arith.constant 0 : i32
      %sign3A_593 = arith.cmpi sgt, %jit3A_583, %sign3A_592 : i32
      %sign3A_594 = arith.extui %sign3A_593 : i1 to i32
      %sign3A_595 = arith.constant 0 : i32
      %sign3A_596 = arith.cmpi slt, %jit3A_583, %sign3A_595 : i32
      %sign3A_597 = arith.extui %sign3A_596 : i1 to i32
      %sign3A_598 = arith.subi %sign3A_594, %sign3A_597 : i32
      %ne3A_599 = arith.cmpi ne, %sign3A_591, %sign3A_598 : i32
      %rem3A_600 = arith.remsi %add3A_582, %jit3A_583 : i32
      %ne3A_601 = arith.constant 0 : i32
      %ne3A_602 = arith.cmpi ne, %rem3A_600, %ne3A_601 : i32
      %and3A_603 = arith.andi %ne3A_599, %ne3A_602 : i1
      %sub3A_604 = arith.constant 1 : i32
      %sub3A_605 = arith.subi %div3A_584, %sub3A_604 : i32
      %select_n3A_606 = arith.select %and3A_603, %sub3A_605, %div3A_584 : i32
      %jit3A_607 = arith.constant 32 : i32
      %eq3A_608 = arith.constant 0 : i32
      %eq3A_609 = arith.cmpi eq, %jit3A_607, %eq3A_608 : i32
      %jit3A_610 = arith.constant 1 : i32
      %select_n3A_611 = arith.select %eq3A_609, %jit3A_610, %jit3A_607 : i32
      %rem3A_612 = arith.remsi %add3A_582, %select_n3A_611 : i32
      %ne3A_613 = arith.constant 0 : i32
      %ne3A_614 = arith.cmpi ne, %rem3A_612, %ne3A_613 : i32
      %lt3A_615 = arith.constant 0 : i32
      %lt3A_616 = arith.cmpi slt, %rem3A_612, %lt3A_615 : i32
      %lt3A_617 = arith.constant 0 : i32
      %lt3A_618 = arith.cmpi slt, %select_n3A_611, %lt3A_617 : i32
      %ne3A_619 = arith.xori %lt3A_616, %lt3A_618 : i1
      %and3A_620 = arith.andi %ne3A_619, %ne3A_614 : i1
      %add3A_621 = arith.addi %rem3A_612, %select_n3A_611 : i32
      %select_n3A_622 = arith.select %and3A_620, %add3A_621, %rem3A_612 : i32
      %dma_start3A_623 = arith.constant 0 : i32
      %dma_start3A_624 = arith.constant 0 : i32
      %dma_start3A_625 = arith.constant 0 : i32
      %dma_start3A_626 = tpu.memref_slice %arg4[%select_n3A_606, %dma_start3A_623, %select_n3A_622, %dma_start3A_624, %dma_start3A_625] : memref<200x4x32x8x128xf32, #tpu.memory_space<hbm>> -> memref<1x4x1x8x128xf32, #tpu.memory_space<hbm>>
      %dma_start3A_627 = tpu.memref_squeeze %dma_start3A_626 : memref<1x4x1x8x128xf32, #tpu.memory_space<hbm>> -> memref<4x8x128xf32, #tpu.memory_space<hbm>>
      %dma_start3A_628 = arith.constant 0 : i32
      %dma_start3A_629 = arith.constant 0 : i32
      %dma_start3A_630 = arith.constant 0 : i32
      %dma_start3A_631 = tpu.memref_slice %arg4[%select_n3A_606, %dma_start3A_628, %select_n3A_622, %dma_start3A_629, %dma_start3A_630] : memref<200x4x32x8x128xf32, #tpu.memory_space<hbm>> -> memref<1x4x1x8x128xf32, #tpu.memory_space<hbm>>
      %dma_start3A_632 = tpu.memref_squeeze %dma_start3A_631 : memref<1x4x1x8x128xf32, #tpu.memory_space<hbm>> -> memref<4x8x128xf32, #tpu.memory_space<hbm>>
      tpu.enqueue_dma source(%arg21 : memref<4x8x128xf32, #tpu.memory_space<vmem>>) target(%dma_start3A_632 : memref<4x8x128xf32, #tpu.memory_space<hbm>>) target_semaphore(%arg37 : memref<!tpu.dma_semaphore, #tpu.memory_space<semaphore_mem>>)
      %mul3A_633 = arith.constant 8 : i32
      %mul3A_634 = arith.muli %scan3A_98, %mul3A_633 : i32
      %add3A_635 = arith.constant 0 : i32
      %add3A_636 = arith.addi %mul3A_634, %add3A_635 : i32
      %dma_wait3A_637 = arith.constant 0 : i32
      %dma_wait3A_638 = arith.constant 0 : i32
      %dma_wait3A_639 = arith.constant 0 : i32
      %dma_wait3A_640 = arith.constant 0 : i32
      %dma_wait3A_641 = arith.constant 0 : i32
      %dma_wait3A_642 = tpu.memref_slice %arg4[%dma_wait3A_637, %dma_wait3A_639, %dma_wait3A_638, %dma_wait3A_640, %dma_wait3A_641] : memref<200x4x32x8x128xf32, #tpu.memory_space<hbm>> -> memref<1x4x1x8x128xf32, #tpu.memory_space<hbm>>
      %dma_wait3A_643 = tpu.memref_squeeze %dma_wait3A_642 : memref<1x4x1x8x128xf32, #tpu.memory_space<hbm>> -> memref<4x8x128xf32, #tpu.memory_space<hbm>>
      %dma_wait3A_644 = arith.constant 0 : i32
      %dma_wait3A_645 = arith.constant 0 : i32
      %dma_wait3A_646 = arith.constant 0 : i32
      %dma_wait3A_647 = tpu.memref_slice %arg4[%dma_wait3A_637, %dma_wait3A_644, %dma_wait3A_638, %dma_wait3A_645, %dma_wait3A_646] : memref<200x4x32x8x128xf32, #tpu.memory_space<hbm>> -> memref<1x4x1x8x128xf32, #tpu.memory_space<hbm>>
      %dma_wait3A_648 = tpu.memref_squeeze %dma_wait3A_647 : memref<1x4x1x8x128xf32, #tpu.memory_space<hbm>> -> memref<4x8x128xf32, #tpu.memory_space<hbm>>
      tpu.wait_dma2 semaphore(%arg30 : memref<!tpu.dma_semaphore, #tpu.memory_space<semaphore_mem>>) src(%arg14 : memref<4x8x128xf32, #tpu.memory_space<vmem>>) dst(%dma_wait3A_648 : memref<4x8x128xf32, #tpu.memory_space<hbm>>)
      %lt3A_649 = arith.constant 24 : i32
      %lt3A_650 = arith.cmpi slt, %scan3A_98, %lt3A_649 : i32
      %convert_element_type3A = arith.extui %lt3A_650 : i1 to i32
      %cond3A = arith.constant 0 : i32
      %cond3A_651 = arith.cmpi ne, %convert_element_type3A, %cond3A : i32
      scf.if %cond3A_651 {
        %add3A_799 = arith.constant 8 : i32
        %add3A_800 = arith.addi %add3A_636, %add3A_799 : i32
        %dma_start3A_801 = arith.constant 0 : i32
        %dma_start3A_802 = tpu.memref_slice %arg5[%add3A_800, %dma_start3A_801] : memref<200x128xi32, #tpu.memory_space<vmem>> -> memref<1x128xi32, #tpu.memory_space<vmem>>
        %dma_start3A_803 = tpu.memref_squeeze %dma_start3A_802 : memref<1x128xi32, #tpu.memory_space<vmem>> -> memref<128xi32, #tpu.memory_space<vmem>>
        %dma_start3A_804 = arith.constant 0 : i32
        %dma_start3A_805 = arith.constant 0 : i32
        %dma_start3A_806 = tpu.memref_slice %arg3[%dma_start3A_804, %dma_start3A_805] : memref<1000000x32xf32, #tpu.memory_space<hbm>> -> memref<1000000x32xf32, #tpu.memory_space<hbm>>
        tpu.enqueue_indirect_dma source(%dma_start3A_806 : memref<1000000x32xf32, #tpu.memory_space<hbm>>) target(%arg6 : memref<128x32xf32, #tpu.memory_space<vmem>>) offsets(%dma_start3A_803 : memref<128xi32, #tpu.memory_space<vmem>>) semaphore(%arg22 : memref<!tpu.dma_semaphore, #tpu.memory_space<semaphore_mem>>)
      } else {
      }
      %mul3A_652 = arith.constant 8 : i32
      %mul3A_653 = arith.muli %scan3A_98, %mul3A_652 : i32
      %add3A_654 = arith.constant 1 : i32
      %add3A_655 = arith.addi %mul3A_653, %add3A_654 : i32
      %dma_wait3A_656 = arith.constant 0 : i32
      %dma_wait3A_657 = arith.constant 0 : i32
      %dma_wait3A_658 = arith.constant 0 : i32
      %dma_wait3A_659 = arith.constant 0 : i32
      %dma_wait3A_660 = arith.constant 0 : i32
      %dma_wait3A_661 = tpu.memref_slice %arg4[%dma_wait3A_656, %dma_wait3A_658, %dma_wait3A_657, %dma_wait3A_659, %dma_wait3A_660] : memref<200x4x32x8x128xf32, #tpu.memory_space<hbm>> -> memref<1x4x1x8x128xf32, #tpu.memory_space<hbm>>
      %dma_wait3A_662 = tpu.memref_squeeze %dma_wait3A_661 : memref<1x4x1x8x128xf32, #tpu.memory_space<hbm>> -> memref<4x8x128xf32, #tpu.memory_space<hbm>>
      %dma_wait3A_663 = arith.constant 0 : i32
      %dma_wait3A_664 = arith.constant 0 : i32
      %dma_wait3A_665 = arith.constant 0 : i32
      %dma_wait3A_666 = tpu.memref_slice %arg4[%dma_wait3A_656, %dma_wait3A_663, %dma_wait3A_657, %dma_wait3A_664, %dma_wait3A_665] : memref<200x4x32x8x128xf32, #tpu.memory_space<hbm>> -> memref<1x4x1x8x128xf32, #tpu.memory_space<hbm>>
      %dma_wait3A_667 = tpu.memref_squeeze %dma_wait3A_666 : memref<1x4x1x8x128xf32, #tpu.memory_space<hbm>> -> memref<4x8x128xf32, #tpu.memory_space<hbm>>
      tpu.wait_dma2 semaphore(%arg31 : memref<!tpu.dma_semaphore, #tpu.memory_space<semaphore_mem>>) src(%arg15 : memref<4x8x128xf32, #tpu.memory_space<vmem>>) dst(%dma_wait3A_667 : memref<4x8x128xf32, #tpu.memory_space<hbm>>)
      %lt3A_668 = arith.constant 24 : i32
      %lt3A_669 = arith.cmpi slt, %scan3A_98, %lt3A_668 : i32
      %convert_element_type3A_670 = arith.extui %lt3A_669 : i1 to i32
      %cond3A_671 = arith.constant 0 : i32
      %cond3A_672 = arith.cmpi ne, %convert_element_type3A_670, %cond3A_671 : i32
      scf.if %cond3A_672 {
        %add3A_799 = arith.constant 8 : i32
        %add3A_800 = arith.addi %add3A_655, %add3A_799 : i32
        %dma_start3A_801 = arith.constant 0 : i32
        %dma_start3A_802 = tpu.memref_slice %arg5[%add3A_800, %dma_start3A_801] : memref<200x128xi32, #tpu.memory_space<vmem>> -> memref<1x128xi32, #tpu.memory_space<vmem>>
        %dma_start3A_803 = tpu.memref_squeeze %dma_start3A_802 : memref<1x128xi32, #tpu.memory_space<vmem>> -> memref<128xi32, #tpu.memory_space<vmem>>
        %dma_start3A_804 = arith.constant 0 : i32
        %dma_start3A_805 = arith.constant 0 : i32
        %dma_start3A_806 = tpu.memref_slice %arg3[%dma_start3A_804, %dma_start3A_805] : memref<1000000x32xf32, #tpu.memory_space<hbm>> -> memref<1000000x32xf32, #tpu.memory_space<hbm>>
        tpu.enqueue_indirect_dma source(%dma_start3A_806 : memref<1000000x32xf32, #tpu.memory_space<hbm>>) target(%arg7 : memref<128x32xf32, #tpu.memory_space<vmem>>) offsets(%dma_start3A_803 : memref<128xi32, #tpu.memory_space<vmem>>) semaphore(%arg23 : memref<!tpu.dma_semaphore, #tpu.memory_space<semaphore_mem>>)
      } else {
      }
      %mul3A_673 = arith.constant 8 : i32
      %mul3A_674 = arith.muli %scan3A_98, %mul3A_673 : i32
      %add3A_675 = arith.constant 2 : i32
      %add3A_676 = arith.addi %mul3A_674, %add3A_675 : i32
      %dma_wait3A_677 = arith.constant 0 : i32
      %dma_wait3A_678 = arith.constant 0 : i32
      %dma_wait3A_679 = arith.constant 0 : i32
      %dma_wait3A_680 = arith.constant 0 : i32
      %dma_wait3A_681 = arith.constant 0 : i32
      %dma_wait3A_682 = tpu.memref_slice %arg4[%dma_wait3A_677, %dma_wait3A_679, %dma_wait3A_678, %dma_wait3A_680, %dma_wait3A_681] : memref<200x4x32x8x128xf32, #tpu.memory_space<hbm>> -> memref<1x4x1x8x128xf32, #tpu.memory_space<hbm>>
      %dma_wait3A_683 = tpu.memref_squeeze %dma_wait3A_682 : memref<1x4x1x8x128xf32, #tpu.memory_space<hbm>> -> memref<4x8x128xf32, #tpu.memory_space<hbm>>
      %dma_wait3A_684 = arith.constant 0 : i32
      %dma_wait3A_685 = arith.constant 0 : i32
      %dma_wait3A_686 = arith.constant 0 : i32
      %dma_wait3A_687 = tpu.memref_slice %arg4[%dma_wait3A_677, %dma_wait3A_684, %dma_wait3A_678, %dma_wait3A_685, %dma_wait3A_686] : memref<200x4x32x8x128xf32, #tpu.memory_space<hbm>> -> memref<1x4x1x8x128xf32, #tpu.memory_space<hbm>>
      %dma_wait3A_688 = tpu.memref_squeeze %dma_wait3A_687 : memref<1x4x1x8x128xf32, #tpu.memory_space<hbm>> -> memref<4x8x128xf32, #tpu.memory_space<hbm>>
      tpu.wait_dma2 semaphore(%arg32 : memref<!tpu.dma_semaphore, #tpu.memory_space<semaphore_mem>>) src(%arg16 : memref<4x8x128xf32, #tpu.memory_space<vmem>>) dst(%dma_wait3A_688 : memref<4x8x128xf32, #tpu.memory_space<hbm>>)
      %lt3A_689 = arith.constant 24 : i32
      %lt3A_690 = arith.cmpi slt, %scan3A_98, %lt3A_689 : i32
      %convert_element_type3A_691 = arith.extui %lt3A_690 : i1 to i32
      %cond3A_692 = arith.constant 0 : i32
      %cond3A_693 = arith.cmpi ne, %convert_element_type3A_691, %cond3A_692 : i32
      scf.if %cond3A_693 {
        %add3A_799 = arith.constant 8 : i32
        %add3A_800 = arith.addi %add3A_676, %add3A_799 : i32
        %dma_start3A_801 = arith.constant 0 : i32
        %dma_start3A_802 = tpu.memref_slice %arg5[%add3A_800, %dma_start3A_801] : memref<200x128xi32, #tpu.memory_space<vmem>> -> memref<1x128xi32, #tpu.memory_space<vmem>>
        %dma_start3A_803 = tpu.memref_squeeze %dma_start3A_802 : memref<1x128xi32, #tpu.memory_space<vmem>> -> memref<128xi32, #tpu.memory_space<vmem>>
        %dma_start3A_804 = arith.constant 0 : i32
        %dma_start3A_805 = arith.constant 0 : i32
        %dma_start3A_806 = tpu.memref_slice %arg3[%dma_start3A_804, %dma_start3A_805] : memref<1000000x32xf32, #tpu.memory_space<hbm>> -> memref<1000000x32xf32, #tpu.memory_space<hbm>>
        tpu.enqueue_indirect_dma source(%dma_start3A_806 : memref<1000000x32xf32, #tpu.memory_space<hbm>>) target(%arg8 : memref<128x32xf32, #tpu.memory_space<vmem>>) offsets(%dma_start3A_803 : memref<128xi32, #tpu.memory_space<vmem>>) semaphore(%arg24 : memref<!tpu.dma_semaphore, #tpu.memory_space<semaphore_mem>>)
      } else {
      }
      %mul3A_694 = arith.constant 8 : i32
      %mul3A_695 = arith.muli %scan3A_98, %mul3A_694 : i32
      %add3A_696 = arith.constant 3 : i32
      %add3A_697 = arith.addi %mul3A_695, %add3A_696 : i32
      %dma_wait3A_698 = arith.constant 0 : i32
      %dma_wait3A_699 = arith.constant 0 : i32
      %dma_wait3A_700 = arith.constant 0 : i32
      %dma_wait3A_701 = arith.constant 0 : i32
      %dma_wait3A_702 = arith.constant 0 : i32
      %dma_wait3A_703 = tpu.memref_slice %arg4[%dma_wait3A_698, %dma_wait3A_700, %dma_wait3A_699, %dma_wait3A_701, %dma_wait3A_702] : memref<200x4x32x8x128xf32, #tpu.memory_space<hbm>> -> memref<1x4x1x8x128xf32, #tpu.memory_space<hbm>>
      %dma_wait3A_704 = tpu.memref_squeeze %dma_wait3A_703 : memref<1x4x1x8x128xf32, #tpu.memory_space<hbm>> -> memref<4x8x128xf32, #tpu.memory_space<hbm>>
      %dma_wait3A_705 = arith.constant 0 : i32
      %dma_wait3A_706 = arith.constant 0 : i32
      %dma_wait3A_707 = arith.constant 0 : i32
      %dma_wait3A_708 = tpu.memref_slice %arg4[%dma_wait3A_698, %dma_wait3A_705, %dma_wait3A_699, %dma_wait3A_706, %dma_wait3A_707] : memref<200x4x32x8x128xf32, #tpu.memory_space<hbm>> -> memref<1x4x1x8x128xf32, #tpu.memory_space<hbm>>
      %dma_wait3A_709 = tpu.memref_squeeze %dma_wait3A_708 : memref<1x4x1x8x128xf32, #tpu.memory_space<hbm>> -> memref<4x8x128xf32, #tpu.memory_space<hbm>>
      tpu.wait_dma2 semaphore(%arg33 : memref<!tpu.dma_semaphore, #tpu.memory_space<semaphore_mem>>) src(%arg17 : memref<4x8x128xf32, #tpu.memory_space<vmem>>) dst(%dma_wait3A_709 : memref<4x8x128xf32, #tpu.memory_space<hbm>>)
      %lt3A_710 = arith.constant 24 : i32
      %lt3A_711 = arith.cmpi slt, %scan3A_98, %lt3A_710 : i32
      %convert_element_type3A_712 = arith.extui %lt3A_711 : i1 to i32
      %cond3A_713 = arith.constant 0 : i32
      %cond3A_714 = arith.cmpi ne, %convert_element_type3A_712, %cond3A_713 : i32
      scf.if %cond3A_714 {
        %add3A_799 = arith.constant 8 : i32
        %add3A_800 = arith.addi %add3A_697, %add3A_799 : i32
        %dma_start3A_801 = arith.constant 0 : i32
        %dma_start3A_802 = tpu.memref_slice %arg5[%add3A_800, %dma_start3A_801] : memref<200x128xi32, #tpu.memory_space<vmem>> -> memref<1x128xi32, #tpu.memory_space<vmem>>
        %dma_start3A_803 = tpu.memref_squeeze %dma_start3A_802 : memref<1x128xi32, #tpu.memory_space<vmem>> -> memref<128xi32, #tpu.memory_space<vmem>>
        %dma_start3A_804 = arith.constant 0 : i32
        %dma_start3A_805 = arith.constant 0 : i32
        %dma_start3A_806 = tpu.memref_slice %arg3[%dma_start3A_804, %dma_start3A_805] : memref<1000000x32xf32, #tpu.memory_space<hbm>> -> memref<1000000x32xf32, #tpu.memory_space<hbm>>
        tpu.enqueue_indirect_dma source(%dma_start3A_806 : memref<1000000x32xf32, #tpu.memory_space<hbm>>) target(%arg9 : memref<128x32xf32, #tpu.memory_space<vmem>>) offsets(%dma_start3A_803 : memref<128xi32, #tpu.memory_space<vmem>>) semaphore(%arg25 : memref<!tpu.dma_semaphore, #tpu.memory_space<semaphore_mem>>)
      } else {
      }
      %mul3A_715 = arith.constant 8 : i32
      %mul3A_716 = arith.muli %scan3A_98, %mul3A_715 : i32
      %add3A_717 = arith.constant 4 : i32
      %add3A_718 = arith.addi %mul3A_716, %add3A_717 : i32
      %dma_wait3A_719 = arith.constant 0 : i32
      %dma_wait3A_720 = arith.constant 0 : i32
      %dma_wait3A_721 = arith.constant 0 : i32
      %dma_wait3A_722 = arith.constant 0 : i32
      %dma_wait3A_723 = arith.constant 0 : i32
      %dma_wait3A_724 = tpu.memref_slice %arg4[%dma_wait3A_719, %dma_wait3A_721, %dma_wait3A_720, %dma_wait3A_722, %dma_wait3A_723] : memref<200x4x32x8x128xf32, #tpu.memory_space<hbm>> -> memref<1x4x1x8x128xf32, #tpu.memory_space<hbm>>
      %dma_wait3A_725 = tpu.memref_squeeze %dma_wait3A_724 : memref<1x4x1x8x128xf32, #tpu.memory_space<hbm>> -> memref<4x8x128xf32, #tpu.memory_space<hbm>>
      %dma_wait3A_726 = arith.constant 0 : i32
      %dma_wait3A_727 = arith.constant 0 : i32
      %dma_wait3A_728 = arith.constant 0 : i32
      %dma_wait3A_729 = tpu.memref_slice %arg4[%dma_wait3A_719, %dma_wait3A_726, %dma_wait3A_720, %dma_wait3A_727, %dma_wait3A_728] : memref<200x4x32x8x128xf32, #tpu.memory_space<hbm>> -> memref<1x4x1x8x128xf32, #tpu.memory_space<hbm>>
      %dma_wait3A_730 = tpu.memref_squeeze %dma_wait3A_729 : memref<1x4x1x8x128xf32, #tpu.memory_space<hbm>> -> memref<4x8x128xf32, #tpu.memory_space<hbm>>
      tpu.wait_dma2 semaphore(%arg34 : memref<!tpu.dma_semaphore, #tpu.memory_space<semaphore_mem>>) src(%arg18 : memref<4x8x128xf32, #tpu.memory_space<vmem>>) dst(%dma_wait3A_730 : memref<4x8x128xf32, #tpu.memory_space<hbm>>)
      %lt3A_731 = arith.constant 24 : i32
      %lt3A_732 = arith.cmpi slt, %scan3A_98, %lt3A_731 : i32
      %convert_element_type3A_733 = arith.extui %lt3A_732 : i1 to i32
      %cond3A_734 = arith.constant 0 : i32
      %cond3A_735 = arith.cmpi ne, %convert_element_type3A_733, %cond3A_734 : i32
      scf.if %cond3A_735 {
        %add3A_799 = arith.constant 8 : i32
        %add3A_800 = arith.addi %add3A_718, %add3A_799 : i32
        %dma_start3A_801 = arith.constant 0 : i32
        %dma_start3A_802 = tpu.memref_slice %arg5[%add3A_800, %dma_start3A_801] : memref<200x128xi32, #tpu.memory_space<vmem>> -> memref<1x128xi32, #tpu.memory_space<vmem>>
        %dma_start3A_803 = tpu.memref_squeeze %dma_start3A_802 : memref<1x128xi32, #tpu.memory_space<vmem>> -> memref<128xi32, #tpu.memory_space<vmem>>
        %dma_start3A_804 = arith.constant 0 : i32
        %dma_start3A_805 = arith.constant 0 : i32
        %dma_start3A_806 = tpu.memref_slice %arg3[%dma_start3A_804, %dma_start3A_805] : memref<1000000x32xf32, #tpu.memory_space<hbm>> -> memref<1000000x32xf32, #tpu.memory_space<hbm>>
        tpu.enqueue_indirect_dma source(%dma_start3A_806 : memref<1000000x32xf32, #tpu.memory_space<hbm>>) target(%arg10 : memref<128x32xf32, #tpu.memory_space<vmem>>) offsets(%dma_start3A_803 : memref<128xi32, #tpu.memory_space<vmem>>) semaphore(%arg26 : memref<!tpu.dma_semaphore, #tpu.memory_space<semaphore_mem>>)
      } else {
      }
      %mul3A_736 = arith.constant 8 : i32
      %mul3A_737 = arith.muli %scan3A_98, %mul3A_736 : i32
      %add3A_738 = arith.constant 5 : i32
      %add3A_739 = arith.addi %mul3A_737, %add3A_738 : i32
      %dma_wait3A_740 = arith.constant 0 : i32
      %dma_wait3A_741 = arith.constant 0 : i32
      %dma_wait3A_742 = arith.constant 0 : i32
      %dma_wait3A_743 = arith.constant 0 : i32
      %dma_wait3A_744 = arith.constant 0 : i32
      %dma_wait3A_745 = tpu.memref_slice %arg4[%dma_wait3A_740, %dma_wait3A_742, %dma_wait3A_741, %dma_wait3A_743, %dma_wait3A_744] : memref<200x4x32x8x128xf32, #tpu.memory_space<hbm>> -> memref<1x4x1x8x128xf32, #tpu.memory_space<hbm>>
      %dma_wait3A_746 = tpu.memref_squeeze %dma_wait3A_745 : memref<1x4x1x8x128xf32, #tpu.memory_space<hbm>> -> memref<4x8x128xf32, #tpu.memory_space<hbm>>
      %dma_wait3A_747 = arith.constant 0 : i32
      %dma_wait3A_748 = arith.constant 0 : i32
      %dma_wait3A_749 = arith.constant 0 : i32
      %dma_wait3A_750 = tpu.memref_slice %arg4[%dma_wait3A_740, %dma_wait3A_747, %dma_wait3A_741, %dma_wait3A_748, %dma_wait3A_749] : memref<200x4x32x8x128xf32, #tpu.memory_space<hbm>> -> memref<1x4x1x8x128xf32, #tpu.memory_space<hbm>>
      %dma_wait3A_751 = tpu.memref_squeeze %dma_wait3A_750 : memref<1x4x1x8x128xf32, #tpu.memory_space<hbm>> -> memref<4x8x128xf32, #tpu.memory_space<hbm>>
      tpu.wait_dma2 semaphore(%arg35 : memref<!tpu.dma_semaphore, #tpu.memory_space<semaphore_mem>>) src(%arg19 : memref<4x8x128xf32, #tpu.memory_space<vmem>>) dst(%dma_wait3A_751 : memref<4x8x128xf32, #tpu.memory_space<hbm>>)
      %lt3A_752 = arith.constant 24 : i32
      %lt3A_753 = arith.cmpi slt, %scan3A_98, %lt3A_752 : i32
      %convert_element_type3A_754 = arith.extui %lt3A_753 : i1 to i32
      %cond3A_755 = arith.constant 0 : i32
      %cond3A_756 = arith.cmpi ne, %convert_element_type3A_754, %cond3A_755 : i32
      scf.if %cond3A_756 {
        %add3A_799 = arith.constant 8 : i32
        %add3A_800 = arith.addi %add3A_739, %add3A_799 : i32
        %dma_start3A_801 = arith.constant 0 : i32
        %dma_start3A_802 = tpu.memref_slice %arg5[%add3A_800, %dma_start3A_801] : memref<200x128xi32, #tpu.memory_space<vmem>> -> memref<1x128xi32, #tpu.memory_space<vmem>>
        %dma_start3A_803 = tpu.memref_squeeze %dma_start3A_802 : memref<1x128xi32, #tpu.memory_space<vmem>> -> memref<128xi32, #tpu.memory_space<vmem>>
        %dma_start3A_804 = arith.constant 0 : i32
        %dma_start3A_805 = arith.constant 0 : i32
        %dma_start3A_806 = tpu.memref_slice %arg3[%dma_start3A_804, %dma_start3A_805] : memref<1000000x32xf32, #tpu.memory_space<hbm>> -> memref<1000000x32xf32, #tpu.memory_space<hbm>>
        tpu.enqueue_indirect_dma source(%dma_start3A_806 : memref<1000000x32xf32, #tpu.memory_space<hbm>>) target(%arg11 : memref<128x32xf32, #tpu.memory_space<vmem>>) offsets(%dma_start3A_803 : memref<128xi32, #tpu.memory_space<vmem>>) semaphore(%arg27 : memref<!tpu.dma_semaphore, #tpu.memory_space<semaphore_mem>>)
      } else {
      }
      %mul3A_757 = arith.constant 8 : i32
      %mul3A_758 = arith.muli %scan3A_98, %mul3A_757 : i32
      %add3A_759 = arith.constant 6 : i32
      %add3A_760 = arith.addi %mul3A_758, %add3A_759 : i32
      %dma_wait3A_761 = arith.constant 0 : i32
      %dma_wait3A_762 = arith.constant 0 : i32
      %dma_wait3A_763 = arith.constant 0 : i32
      %dma_wait3A_764 = arith.constant 0 : i32
      %dma_wait3A_765 = arith.constant 0 : i32
      %dma_wait3A_766 = tpu.memref_slice %arg4[%dma_wait3A_761, %dma_wait3A_763, %dma_wait3A_762, %dma_wait3A_764, %dma_wait3A_765] : memref<200x4x32x8x128xf32, #tpu.memory_space<hbm>> -> memref<1x4x1x8x128xf32, #tpu.memory_space<hbm>>
      %dma_wait3A_767 = tpu.memref_squeeze %dma_wait3A_766 : memref<1x4x1x8x128xf32, #tpu.memory_space<hbm>> -> memref<4x8x128xf32, #tpu.memory_space<hbm>>
      %dma_wait3A_768 = arith.constant 0 : i32
      %dma_wait3A_769 = arith.constant 0 : i32
      %dma_wait3A_770 = arith.constant 0 : i32
      %dma_wait3A_771 = tpu.memref_slice %arg4[%dma_wait3A_761, %dma_wait3A_768, %dma_wait3A_762, %dma_wait3A_769, %dma_wait3A_770] : memref<200x4x32x8x128xf32, #tpu.memory_space<hbm>> -> memref<1x4x1x8x128xf32, #tpu.memory_space<hbm>>
      %dma_wait3A_772 = tpu.memref_squeeze %dma_wait3A_771 : memref<1x4x1x8x128xf32, #tpu.memory_space<hbm>> -> memref<4x8x128xf32, #tpu.memory_space<hbm>>
      tpu.wait_dma2 semaphore(%arg36 : memref<!tpu.dma_semaphore, #tpu.memory_space<semaphore_mem>>) src(%arg20 : memref<4x8x128xf32, #tpu.memory_space<vmem>>) dst(%dma_wait3A_772 : memref<4x8x128xf32, #tpu.memory_space<hbm>>)
      %lt3A_773 = arith.constant 24 : i32
      %lt3A_774 = arith.cmpi slt, %scan3A_98, %lt3A_773 : i32
      %convert_element_type3A_775 = arith.extui %lt3A_774 : i1 to i32
      %cond3A_776 = arith.constant 0 : i32
      %cond3A_777 = arith.cmpi ne, %convert_element_type3A_775, %cond3A_776 : i32
      scf.if %cond3A_777 {
        %add3A_799 = arith.constant 8 : i32
        %add3A_800 = arith.addi %add3A_760, %add3A_799 : i32
        %dma_start3A_801 = arith.constant 0 : i32
        %dma_start3A_802 = tpu.memref_slice %arg5[%add3A_800, %dma_start3A_801] : memref<200x128xi32, #tpu.memory_space<vmem>> -> memref<1x128xi32, #tpu.memory_space<vmem>>
        %dma_start3A_803 = tpu.memref_squeeze %dma_start3A_802 : memref<1x128xi32, #tpu.memory_space<vmem>> -> memref<128xi32, #tpu.memory_space<vmem>>
        %dma_start3A_804 = arith.constant 0 : i32
        %dma_start3A_805 = arith.constant 0 : i32
        %dma_start3A_806 = tpu.memref_slice %arg3[%dma_start3A_804, %dma_start3A_805] : memref<1000000x32xf32, #tpu.memory_space<hbm>> -> memref<1000000x32xf32, #tpu.memory_space<hbm>>
        tpu.enqueue_indirect_dma source(%dma_start3A_806 : memref<1000000x32xf32, #tpu.memory_space<hbm>>) target(%arg12 : memref<128x32xf32, #tpu.memory_space<vmem>>) offsets(%dma_start3A_803 : memref<128xi32, #tpu.memory_space<vmem>>) semaphore(%arg28 : memref<!tpu.dma_semaphore, #tpu.memory_space<semaphore_mem>>)
      } else {
      }
      %mul3A_778 = arith.constant 8 : i32
      %mul3A_779 = arith.muli %scan3A_98, %mul3A_778 : i32
      %add3A_780 = arith.constant 7 : i32
      %add3A_781 = arith.addi %mul3A_779, %add3A_780 : i32
      %dma_wait3A_782 = arith.constant 0 : i32
      %dma_wait3A_783 = arith.constant 0 : i32
      %dma_wait3A_784 = arith.constant 0 : i32
      %dma_wait3A_785 = arith.constant 0 : i32
      %dma_wait3A_786 = arith.constant 0 : i32
      %dma_wait3A_787 = tpu.memref_slice %arg4[%dma_wait3A_782, %dma_wait3A_784, %dma_wait3A_783, %dma_wait3A_785, %dma_wait3A_786] : memref<200x4x32x8x128xf32, #tpu.memory_space<hbm>> -> memref<1x4x1x8x128xf32, #tpu.memory_space<hbm>>
      %dma_wait3A_788 = tpu.memref_squeeze %dma_wait3A_787 : memref<1x4x1x8x128xf32, #tpu.memory_space<hbm>> -> memref<4x8x128xf32, #tpu.memory_space<hbm>>
      %dma_wait3A_789 = arith.constant 0 : i32
      %dma_wait3A_790 = arith.constant 0 : i32
      %dma_wait3A_791 = arith.constant 0 : i32
      %dma_wait3A_792 = tpu.memref_slice %arg4[%dma_wait3A_782, %dma_wait3A_789, %dma_wait3A_783, %dma_wait3A_790, %dma_wait3A_791] : memref<200x4x32x8x128xf32, #tpu.memory_space<hbm>> -> memref<1x4x1x8x128xf32, #tpu.memory_space<hbm>>
      %dma_wait3A_793 = tpu.memref_squeeze %dma_wait3A_792 : memref<1x4x1x8x128xf32, #tpu.memory_space<hbm>> -> memref<4x8x128xf32, #tpu.memory_space<hbm>>
      tpu.wait_dma2 semaphore(%arg37 : memref<!tpu.dma_semaphore, #tpu.memory_space<semaphore_mem>>) src(%arg21 : memref<4x8x128xf32, #tpu.memory_space<vmem>>) dst(%dma_wait3A_793 : memref<4x8x128xf32, #tpu.memory_space<hbm>>)
      %lt3A_794 = arith.constant 24 : i32
      %lt3A_795 = arith.cmpi slt, %scan3A_98, %lt3A_794 : i32
      %convert_element_type3A_796 = arith.extui %lt3A_795 : i1 to i32
      %cond3A_797 = arith.constant 0 : i32
      %cond3A_798 = arith.cmpi ne, %convert_element_type3A_796, %cond3A_797 : i32
      scf.if %cond3A_798 {
        %add3A_799 = arith.constant 8 : i32
        %add3A_800 = arith.addi %add3A_781, %add3A_799 : i32
        %dma_start3A_801 = arith.constant 0 : i32
        %dma_start3A_802 = tpu.memref_slice %arg5[%add3A_800, %dma_start3A_801] : memref<200x128xi32, #tpu.memory_space<vmem>> -> memref<1x128xi32, #tpu.memory_space<vmem>>
        %dma_start3A_803 = tpu.memref_squeeze %dma_start3A_802 : memref<1x128xi32, #tpu.memory_space<vmem>> -> memref<128xi32, #tpu.memory_space<vmem>>
        %dma_start3A_804 = arith.constant 0 : i32
        %dma_start3A_805 = arith.constant 0 : i32
        %dma_start3A_806 = tpu.memref_slice %arg3[%dma_start3A_804, %dma_start3A_805] : memref<1000000x32xf32, #tpu.memory_space<hbm>> -> memref<1000000x32xf32, #tpu.memory_space<hbm>>
        tpu.enqueue_indirect_dma source(%dma_start3A_806 : memref<1000000x32xf32, #tpu.memory_space<hbm>>) target(%arg13 : memref<128x32xf32, #tpu.memory_space<vmem>>) offsets(%dma_start3A_803 : memref<128xi32, #tpu.memory_space<vmem>>) semaphore(%arg29 : memref<!tpu.dma_semaphore, #tpu.memory_space<semaphore_mem>>)
      } else {
      }
    }
    %scan3A_97 = arith.constant 25 : i32
    return
  }
}

</mosaic_0001>

<sc_bundles>
// kernel: kernel.3.cloned.1.call-start
scs
__scs_entry_jumppad:
0x0: {  	(pc) =	sbr.rel $0x88, $3  }
0x1: {  	(tag) =	ssettag $0x0;
	lr =	simm.s32 $0x1  }
0x2: {  	[smem:$0x3F9F] =	sst lr;
	_ =	strace $0xD0000000  }
0x3: {  	_ = 	snop  }
0x4: {  	_ = 	snop  }
0x5: {  	_ = 	snop  }
0x6: {  	_ = 	snop  }
0x7: {  	_ = 	snop  }
__scs_overlays_trampoline_lowered:
0x8: {  	[smem:$0x3FAE] =	sst s0  }
0x9: {  	[smem:$0x3FAF] =	sst s1  }
0xa: {  	[smem:$0x3FB0] =	sst s2  }
0xb: {  	[smem:$0x3FB1] =	sst s3  }
0xc: {  	[smem:$0x3FB2] =	sst s4  }
0xd: {  	[smem:$0x3FB3] =	sst s5  }
0xe: {  	[smem:$0x3FB4] =	sst s6  }
0xf: {  	[smem:$0x3FB5] =	sst s7  }
0x10: {  	[smem:$0x3FB6] =	sst s8  }
0x11: {  	[smem:$0x3FB7] =	sst s9;
	s0 =	simm.s32 @!p0 $0x0  }
0x12: {  	s1 =	sld [smem:$0x3F9D];
	s0 =	simm.s32 @p0 $0x1  }
0x13: {  	[smem:$0x3FB8] =	sst s0;
	s0 =	simm.s32 @!p1 $0x0  }
0x14: {  	s2 =	sld [smem:$0x3F9C];
	s0 =	simm.s32 @p1 $0x1  }
0x15: {  	[smem:$0x3FB9] =	sst s0;
	s0 =	simm.s32 @!p2 $0x0  }
0x16: {  	s3 =	sld [smem:$0x3FDB];
	s0 =	simm.s32 @p2 $0x1  }
0x17: {  	s4 =	simm.s32 $0x1BF5;
	[smem:$0x3FBB] =	sst s0  }
0x18: {  	s0 =	sld [smem:$0x3F9E];
	_ =	swait.ge [sflag:s4], $0x0  }
0x19: {  	s7 =	sld [smem:$0x3F9F]  }
0x1a: {  	s8 =	sadd.s32 $0xFFFFE003, lr  }
0x1b: {  	s9 =	sadd.s32 $0xFFFFFEF7, lr;
	s5 =	simm.s32 $0xFFFFFFFF;
	p2 =	slt.u32 s8, $0xFFFFF086  }
0x1c: {  	p1 =	slt.u32 s9, $0xF7A;
	s5 =	simm.s32 @!p2 $0x0  }
0x1d: {  	s5 =	simm.s32 @p1 $0x1;
	p0 =	seq.s32 s7, s2  }
0x1e: {  	s7 =	smul.u32 @!p0 $0xF7A, s2;
	p2 =	seq.s32 @!p0 s5, $0x0  }
0x1f: {  	s9 =	smul.u32 $0xF7A, s1;
	s8 =	simm.s32 @!p0 $0x1BF5;
	p2 =	por !p2, p0  }
0x20: {  	[sflag:s8] =	ssyncset.s32 @!p0 $0xFFFFF086;
	s6 =	sadd.s32 @!p0 s3, s7;
	s7 =	simm.s32 @!p0 $0x108  }
0x21: {  	s3 =	sadd.s32 s3, s9;
	s6 =	sadd.s32 @!p0 $0x88, s6;
	s7 =	simm.s32 @p2 $0x1082  }
0x22: {  	[simem:s7], [sflag:s8] =	dma.local @!p0 [hbm:s6], $0xF7A  }
0x23: {  	s9 =	sor.u32 $0xD0000000, s2;
	s6 =	simm.s32 $0x108;
	_ =	swait.ge @!p0 [sflag:s8], $0x0  }
0x24: {  	s3 =	sadd.s32 $0x88, s3;
	s6 =	simm.s32 @!p1 $0x1082;
	[sflag:s4] =	ssyncset.s32 $0xFFFFF086  }
0x25: {  	[simem:s6], [sflag:s4] =	dma.local [hbm:s3], $0xF7A  }
0x26: {  	[smem:$0x3F9F] =	sst s1;
	(tag) =	ssettag s2;
	_ =	strace s9  }
0x27: {  	s1 =	sld [smem:$0x3FAF]  }
0x28: {  	s2 =	sld [smem:$0x3FB0]  }
0x29: {  	s4 =	sld [smem:$0x3FB2]  }
0x2a: {  	p0 =	seq.s32 s5, $0x0;
	s5 =	sld [smem:$0x3FB3]  }
0x2b: {  	s6 =	sld [smem:$0x3FB4]  }
0x2c: {  	s7 =	sld [smem:$0x3FB5]  }
0x2d: {  	s3 =	simm.s32 $0x108;
	s8 =	sld [smem:$0x3FB6]  }
0x2e: {  	s3 =	simm.s32 @!p0 $0x1082;
	s9 =	sld [smem:$0x3FB7]  }
0x2f: {  	lr =	sadd.s32 s0, s3;
	s0 =	sld [smem:$0x3FAE]  }
0x30: {  	s3 =	sld [smem:$0x3FB1]  }
0x31: {  	[smem:$0x3FBA] =	sst s10  }
0x32: {  	s10 =	sld [smem:$0x3FB8];
	_ =	sdelay $0x3  }
0x33: {  	p0 =	seq.s32 s10, $0x1;
	s10 =	sld [smem:$0x3FBA];
	_ =	sdelay $0x3  }
0x34: {  	[smem:$0x3FBA] =	sst s10  }
0x35: {  	s10 =	sld [smem:$0x3FB9];
	_ =	sdelay $0x3  }
0x36: {  	p1 =	seq.s32 s10, $0x1;
	s10 =	sld [smem:$0x3FBA];
	_ =	sdelay $0x3  }
0x37: {  	[smem:$0x3FBA] =	sst s10  }
0x38: {  	s10 =	sld [smem:$0x3FBB]  }
0x39: {  	_ = 	snop;
	(pc) =	sbr.ind lr, $3  }
0x3a: {  	_ = 	snop  }
0x3b: {  	_ = 	snop  }
0x3c: {  	p2 =	seq.s32 s10, $0x1;
	s10 =	sld [smem:$0x3FBA]  }
0x3d: {  	_ =	shalt  }
0x3e: {  	_ =	shalt  }
0x3f: {  	_ =	shalt  }
0x40: {  	_ =	shalt  }
0x41: {  	_ =	shalt  }
0x42: {  	_ =	shalt  }
0x43: {  	_ =	shalt  }
0x44: {  	_ =	shalt  }
0x45: {  	_ =	shalt  }
0x46: {  	_ =	shalt  }
0x47: {  	_ =	shalt  }
0x48: {  	_ =	shalt  }
0x49: {  	_ =	shalt  }
0x4a: {  	_ =	shalt  }
0x4b: {  	_ =	shalt  }
0x4c: {  	_ =	shalt  }
0x4d: {  	_ =	shalt  }
0x4e: {  	_ =	shalt  }
0x4f: {  	_ =	shalt  }
0x50: {  	_ =	shalt  }
0x51: {  	_ =	shalt  }
0x52: {  	_ =	shalt  }
0x53: {  	_ =	shalt  }
0x54: {  	_ =	shalt  }
0x55: {  	_ =	shalt  }
0x56: {  	_ =	shalt  }
0x57: {  	_ =	shalt  }
0x58: {  	_ =	shalt  }
0x59: {  	_ =	shalt  }
0x5a: {  	_ =	shalt  }
0x5b: {  	_ =	shalt  }
0x5c: {  	_ =	shalt  }
0x5d: {  	_ =	shalt  }
0x5e: {  	_ =	shalt  }
0x5f: {  	_ =	shalt  }
0x60: {  	_ =	shalt  }
0x61: {  	_ =	shalt  }
0x62: {  	_ =	shalt  }
0x63: {  	_ =	shalt  }
0x64: {  	_ =	shalt  }
0x65: {  	_ =	shalt  }
0x66: {  	_ =	shalt  }
0x67: {  	_ =	shalt  }
0x68: {  	_ =	shalt  }
0x69: {  	_ =	shalt  }
0x6a: {  	_ =	shalt  }
0x6b: {  	_ =	shalt  }
0x6c: {  	_ =	shalt  }
0x6d: {  	_ =	shalt  }
0x6e: {  	_ =	shalt  }
0x6f: {  	_ =	shalt  }
0x70: {  	_ =	shalt  }
0x71: {  	_ =	shalt  }
0x72: {  	_ =	shalt  }
0x73: {  	_ =	shalt  }
0x74: {  	_ =	shalt  }
0x75: {  	_ =	shalt  }
0x76: {  	_ =	shalt  }
0x77: {  	_ =	shalt  }
0x78: {  	_ =	shalt  }
0x79: {  	_ =	shalt  }
0x7a: {  	_ =	shalt  }
0x7b: {  	_ =	shalt  }
0x7c: {  	_ =	shalt  }
0x7d: {  	_ =	shalt  }
0x7e: {  	_ =	shalt  }
0x7f: {  	_ =	shalt  }
0x80: {  	_ =	shalt  }
0x81: {  	_ =	shalt  }
0x82: {  	_ =	shalt  }
0x83: {  	_ =	shalt  }
0x84: {  	_ =	shalt  }
0x85: {  	_ =	shalt  }
0x86: {  	_ =	shalt  }
0x87: {  	_ =	shalt  }
.Lfunc_end0:
.L_simem_size_0:
called_computation_lowered:
.L_overlay_start_0:
0x88: {  	s2 =	sld [smem:$0x3FD9]  }
0x89: {  	s3 =	sld [smem:$0x3FFE];
	_ =	sdelay $0x1  }
0x8a: {  	s1 =	srdreg.scid  }
0x8b: {  	s0 =	sand.u32 $0x1, s1  }
0x8c: {  	s17 =	sshll.u32 s0, $0xA;
	s2 =	sadd.s32 s3, s2  }
0x8d: {  	s2 =	sadd.s32 s2, s17  }
0x8e: {  	[smem:$0x3FC6] =	sst s2  }
0x8f: {  	_ = 	snop  }
0x90: {  	s2 =	sld [smem:$0x3FD0];
	(tm) =	ssettm $0x1  }
0x91: {  	s18 =	sld [smem:$0x3FFB];
	_ =	sdelay $0x3  }
0x92: {  	_ =	strace s18  }
0x93: {  	s3 =	sld [smem:$0x3FFC];
	_ =	sdelay $0x3  }
0x94: {  	_ =	strace s3  }
0x95: {  	s3 =	sld [smem:$0x3FFD];
	_ =	sdelay $0x3  }
0x96: {  	_ =	strace s3  }
0x97: {  	_ =	strace $0x8FFFFFFF  }
0x98: {  	s19 =	sld [smem:$0x3FDB];
	_ =	sdelay $0x1  }
0x99: {  	s4 =	simm.s32 $_scs_section_size  }
0x9a: {  	s5 =	simm.s32 $_size__tile_overlayer_lowered;
	s6 =	simm.s32 $_tile_overlayer_lowered  }
0x9b: {  	s22 =	simm.s32 $0x1BFF;
	s21 =	sshll.u32 s6, $0x1;
	s3 =	sadd.s32 s4, s19  }
0x9c: {  	s7 =	simm.s32 $0x0;
	s20 =	sshll.u32 s5, $0x1;
	s5 =	sadd.s32 s21, s3  }
0x9d: {  	[timem:s7], [sflag:s22] =	dma.local [hbm:s5], s20  }
0x9e: {  	_ =	swait.ge [sflag:s22], s20  }
0x9f: {  	s4 =	ssub.s32 $0x0, s20;
	[sflag:s22] =	ssyncset.done $0x0  }
0xa0: {  	[sflag:s22] =	ssyncadd.s32 s4;
	_ =	sdelay $0x1  }
0xa1: {  	s23 =	simm.s32 $0x1B8B  }
0xa2: {  	_ =	swait.ge [sflag:s23], $0x1  }
0xa3: {  	[sflag:s23] =	ssyncset.done $0x0  }
0xa4: {  	s25 =	simm.s32 $0x1B8E;
	s24 =	sld [smem:$0x3FFE];
	[sflag:s23] =	ssyncadd.s32 $0xFFFFFFFF  }
0xa5: {  	s26 =	simm.s32 $execute0_lowered;
	[smem:$0x3FD2] =	sst s25  }
0xa6: {  	s5 =	sshll.u32 s26, $0x1;
	_ =	strace $0x80000046;
	[dreg:$0x1] =	wrdreg $0xFFFFFFFF  }
0xa7: {  	s28 =	simm.s32 $_size_execute0_lowered;
	s3 =	sadd.s32 s3, s5;
	[dreg:$0x0] =	wrdreg $0x0  }
0xa8: {  	s5 =	sshll.u32 s28, $0x1;
	[dreg:$0x2] =	wrdreg s3  }
0xa9: {  	[dreg:$0x3] =	wrdreg s5  }
0xaa: {  	[dreg:$0x4] =	wrdreg $0xC0  }
0xab: {  	_ =	task [dreg:s7], $0x5FFFF  }
0xac: {  	[dreg:$0x1] =	wrdreg $0xFFFFFFFF  }
0xad: {  	[dreg:$0x0] =	wrdreg $0x60  }
0xae: {  	[dreg:$0x2] =	wrdreg s24  }
0xaf: {  	[dreg:$0x3] =	wrdreg s2  }
0xb0: {  	[dreg:$0x4] =	wrdreg $0x9  }
0xb1: {  	_ =	task.clear_ibuf [dreg:s7], $0x5FFFF;
	_ =	strace $0x90000046  }
0xb2: {  	s29 =	simm.s32 $0x9;
	_ =	strace $0x80000048  }
0xb3: {  	_ =	swait.ge [sflag:s29], $0x1  }
0xb4: {  	[sflag:s29] =	ssyncadd.s32 $0xFFFFFFFF  }
0xb5: {  	_ =	strace $0x90000048  }
0xb6: {  	_ =	sfence  }
0xb7: {  	s30 =	sld [smem:$0x0];
	_ =	sdelay $0x2  }
0xb8: {  	s31 =	sshll.u32 s1, $0xD;
	s1 =	sshrl.u32 s1, $0x2  }
0xb9: {  	s3 =	sand.u32 $0x4000, s31;
	s1 =	sadd.s32 s1, s30  }
0xba: {  	s0 =	sor.u32 s3, s0;
	s1 =	sshll.u32 s1, $0x11  }
0xbb: {  	s0 =	sor.u32 s1, s0  }
0xbc: {  	s0 =	sadd.s32 $0x8F2B, s0  }
0xbd: {  	[sflag:s0] =	ssyncadd.remote.s32 $0x1  }
0xbe: {  	_ =	sfence.sel $0xFFFF  }
0xbf: {  	[dreg:$0x0] =	wrdreg $0xFFFFFFFF;
	(pc) =	sbr.abs _section_cstart, $3  }
0xc0: {  	[dreg:$0x1] =	wrdreg $0xFFFFFFFF  }
0xc1: {  	_ =	task.clear_ibuf [dreg:s7], $0x2FFFF;
	_ =	strace $0x9FFFFFFF  }
0xc2: {  	(tm) =	ssettm $0x7FFFFFFF  }
0xc3: {  	_ =	shalt  }
tec
execute0_lowered:
.L_overlay_start_1:
0x0: {  	(tag) =	ssettag $0x1  }
0x1: {  	s0 =	srdreg.scid  }
0x2: {  	s2 =	stileid.u32;
	s1 =	rddreg [dreg:$0x0];
	s5 =	simm.s32 $0x0  }
0x3: {  	s9 =	simm.s32 $0x80;
	s10 =	simm.s32 $0x6400;
	s11 =	simm.s32 $0x7400  }
0x4: {  	s13 =	simm.s32 $0x8400;
	s15 =	simm.s32 $0x9400;
	s17 =	simm.s32 $0xA400  }
0x5: {  	s19 =	simm.s32 $0xB400;
	s21 =	simm.s32 $0xC400;
	s23 =	simm.s32 $0xD400  }
0x6: {  	s25 =	simm.s32 $0xE400;
	s26 =	simm.s32 $0x400;
	s28 =	simm.s32 $0x8000  }
0x7: {  	s30 =	simm.s32 $0xF400;
	s12 =	simm.s32 $0x11400;
	s16 =	simm.s32 $0x12400  }
0x8: {  	s20 =	simm.s32 $0x13400;
	s7 =	simm.s32 $0x15400;
	s14 =	simm.s32 $0xE  }
0x9: {  	s18 =	simm.s32 $0xF;
	s0 =	sand.u32 $0x1, s0;
	s3 =	sshll.u32 s2, $0x1  }
0xa: {  	s22 =	simm.s32 $0x10;
	s8 =	simm.s32 $0x0;
	s3 =	sor.u32 s0, s3  }
0xb: {  	v0 =	vlaneseq.u32;
	s2 =	rddreg [dreg:$0x1];
	s0 =	ssub.s32 $0x2, s0;
	s4 =	smul.u32 $0xC80, s3  }
.Ltmp0:
0xc: {  	[smem:$0x7FF] =	sst s5;
	v1 =	vmul.u32 $0x20, v0;
	v2 =	vor.u32 $0x10, v0;
	v4 =	vor.u32 $0x20, v0;
	s29 =	sshrl.u32 s0, $0x1;
	(pc) =	sbr.rel .LBB2_1-.Ltmp0, $4  }
0xd: {  	v6 =	vor.u32 $0x30, v0;
	v8 =	vor.u32 $0x40, v0;
	v10 =	vor.u32 $0x50, v0;
	_ =	strace $0x80000047;
	s5 =	smul.u32 $0xC8, s3;
	s0 =	ssub.s32 s0, s29  }
0xe: {  	v12 =	vor.u32 $0x60, v0;
	v14 =	vor.u32 $0x70, v0;
	v3 =	vor.u32 $0x200, v1;
	s3 =	simm.s32 $0x14400;
	s6 =	sadd.s32 s4, s1;
	s0 =	smax.u32 s0, $0x1  }
0xf: {  	v5 =	vor.u32 $0x400, v1;
	v7 =	vor.u32 $0x600, v1;
	v9 =	vor.u32 $0x800, v1;
	s4 =	sadd.s32 $0xF42A00, s1;
	s31 =	sadd.s32 $0x600, s6;
	[dreg:$0x4] =	wrdreg s0  }
0x10: {  	v11 =	vor.u32 $0xA00, v1;
	v13 =	vor.u32 $0xC00, v1;
	v15 =	vor.u32 $0xE00, v1;
	s1 =	simm.s32 $0x10400;
	s0 =	simm.s32 $0xD;
	[dreg:$0x3] =	wrdreg s31  }
.LBB2_20:
0x11: {  	s6 =	simm.s32 $0xA  }
0x12: {  	_ =	swait.ge [sflag:s6], $0x1000  }
0x13: {  	[sflag:s6] =	ssyncset.done $0x0  }
0x14: {  	s24 =	simm.s32 $0xB;
	[sflag:s6] =	ssyncadd.s32 $0xFFFFF000  }
0x15: {  	_ =	swait.ge [sflag:s24], $0x1000  }
0x16: {  	[sflag:s24] =	ssyncset.done $0x0  }
0x17: {  	s29 =	simm.s32 $0xC;
	[sflag:s24] =	ssyncadd.s32 $0xFFFFF000  }
0x18: {  	_ =	swait.ge [sflag:s29], $0x1000  }
0x19: {  	[sflag:s29] =	ssyncset.done $0x0  }
0x1a: {  	[sflag:s29] =	ssyncadd.s32 $0xFFFFF000  }
0x1b: {  	_ =	swait.ge [sflag:s0], $0x1000  }
0x1c: {  	[sflag:s0] =	ssyncset.done $0x0  }
0x1d: {  	[sflag:s0] =	ssyncadd.s32 $0xFFFFF000  }
0x1e: {  	_ =	swait.ge [sflag:s14], $0x1000  }
0x1f: {  	[sflag:s14] =	ssyncset.done $0x0  }
0x20: {  	[sflag:s14] =	ssyncadd.s32 $0xFFFFF000  }
0x21: {  	_ =	swait.ge [sflag:s18], $0x1000  }
0x22: {  	[sflag:s18] =	ssyncset.done $0x0  }
0x23: {  	[sflag:s18] =	ssyncadd.s32 $0xFFFFF000  }
0x24: {  	_ =	swait.ge [sflag:s22], $0x1000  }
0x25: {  	s8 =	rddreg [dreg:$0x5]  }
0x26: {  	s31 =	rddreg [dreg:$0x4];
	s8 =	sadd.s32 $0x1, s8  }
0x27: {  	p0 =	sne.s32 s8, s31  }
.Ltmp1:
0x28: {  	_ = 	snop;
	(pc) =	sbr.rel @!p0 .LBB2_21-.Ltmp1, $3  }
0x29: {  	_ =	sdelay $0x1  }
0x2a: {  	[sflag:s22] =	ssyncset.done $0x0  }
0x2b: {  	[sflag:s22] =	ssyncadd.s32 $0xFFFFF000  }
.LBB2_1:
0x2c: {  	[dreg:$0x5] =	wrdreg s8  }
0x2d: {  	s6 =	simm.s32 $0x0;
	s31 =	rddreg [dreg:$0x3];
	s24 =	simm.s32 $0x11  }
0x2e: {  	[tilespmem:s6], [sflag:$0x11] =	stream.linear.gather [hbm4b:s31+s6], $0x6400, $0x38;
	[tilespmem:$0x16400] =	vst v63  }
0x2f: {  	_ =	swait.ge [sflag:s24], $0x6400  }
0x30: {  	[sflag:s24] =	ssyncset.done $0x0  }
0x31: {  	[sflag:s24] =	ssyncadd.s32 $0xFFFF9C00  }
0x32: {  	[tilespmem:s10], [sflag:$0x1] =	stream.indirect.gather [hbm4b:s4+s9], $0x20, s6, s9, $0xb8;
	[tilespmem:$0x16400] =	vst v63  }
0x33: {  	_ = 	snop  }
0x34: {  	[tilespmem:s11], [sflag:$0x2] =	stream.indirect.gather [hbm4b:s4+s9], $0x20, s9, s9, $0xb8;
	[tilespmem:$0x16400] =	vst v63  }
0x35: {  	s29 =	simm.s32 $0x100  }
0x36: {  	[tilespmem:s13], [sflag:$0x3] =	stream.indirect.gather [hbm4b:s4+s9], $0x20, s29, s9, $0xb8;
	[tilespmem:$0x16400] =	vst v63  }
0x37: {  	s31 =	simm.s32 $0x180  }
0x38: {  	[tilespmem:s15], [sflag:$0x4] =	stream.indirect.gather [hbm4b:s4+s9], $0x20, s31, s9, $0xb8;
	[tilespmem:$0x16400] =	vst v63  }
0x39: {  	s8 =	simm.s32 $0x200  }
0x3a: {  	[tilespmem:s17], [sflag:$0x5] =	stream.indirect.gather [hbm4b:s4+s9], $0x20, s8, s9, $0xb8;
	[tilespmem:$0x16400] =	vst v63  }
0x3b: {  	s24 =	simm.s32 $0x280  }
0x3c: {  	[tilespmem:s19], [sflag:$0x6] =	stream.indirect.gather [hbm4b:s4+s9], $0x20, s24, s9, $0xb8;
	[tilespmem:$0x16400] =	vst v63  }
0x3d: {  	s29 =	simm.s32 $0x300  }
0x3e: {  	[tilespmem:s21], [sflag:$0x7] =	stream.indirect.gather [hbm4b:s4+s9], $0x20, s29, s9, $0xb8;
	[tilespmem:$0x16400] =	vst v63  }
0x3f: {  	s6 =	simm.s32 $0x0;
	s31 =	simm.s32 $0x380  }
0x40: {  	[tilespmem:s23], [sflag:$0x8] =	stream.indirect.gather [hbm4b:s4+s9], $0x20, s31, s9, $0xb8;
	[tilespmem:$0x16400] =	vst v63  }
.LBB2_2:
0x41: {  	s8 =	simm.s32 $0x0  }
0x42: {  	v16 =	vadd.s32 s8, v0  }
0x43: {  	v17 =	vand.u32 $0x1F, v16  }
0x44: {  	v17 =	vor.u32 v1, v17  }
0x45: {  	s24 =	simm.s32 $0x1  }
0x46: {  	_ =	swait.ge [sflag:s24], $0x1000  }
0x47: {  	[sflag:s24] =	ssyncset.done $0x0;
	v16 =	vshll.u32 v16, $0x7  }
0x48: {  	v18 =	vadd.s32 s8, v2;
	[sflag:s24] =	ssyncadd.s32 $0xFFFFF000;
	v16 =	vand.u32 $0xF80, v16  }
0x49: {  	v19 =	vand.u32 $0x1F, v18;
	v16 =	vor.u32 v0, v16;
	v17 =	vld.idx.msk [tilespmem:v17+s10+$0x0], $0xffff  }
0x4a: {  	v19 =	vor.u32 v3, v19;
	_ =	sdelay $0x2  }
0x4b: {  	v18 =	vshll.u32 v18, $0x7  }
0x4c: {  	[tilespmem:v16+s25+$0x0] =	vst.idx.msk $0xffff, v17;
	v16 =	vand.u32 $0xF80, v18;
	v17 =	vadd.s32 s8, v4  }
0x4d: {  	v18 =	vld.idx.msk [tilespmem:v19+s10+$0x0], $0xffff;
	v16 =	vor.u32 v2, v16;
	v19 =	vand.u32 $0x1F, v17  }
0x4e: {  	v19 =	vor.u32 v5, v19;
	_ =	sdelay $0x2  }
0x4f: {  	v17 =	vshll.u32 v17, $0x7  }
0x50: {  	[tilespmem:v16+s25+$0x0] =	vst.idx.msk $0xffff, v18;
	v16 =	vand.u32 $0xF80, v17;
	v17 =	vadd.s32 s8, v6  }
0x51: {  	v18 =	vld.idx.msk [tilespmem:v19+s10+$0x0], $0xffff;
	v16 =	vor.u32 v4, v16;
	v19 =	vand.u32 $0x1F, v17  }
0x52: {  	v19 =	vor.u32 v7, v19;
	_ =	sdelay $0x2  }
0x53: {  	v17 =	vshll.u32 v17, $0x7  }
0x54: {  	[tilespmem:v16+s25+$0x0] =	vst.idx.msk $0xffff, v18;
	v16 =	vand.u32 $0xF80, v17;
	v17 =	vadd.s32 s8, v8  }
0x55: {  	v18 =	vld.idx.msk [tilespmem:v19+s10+$0x0], $0xffff;
	v16 =	vor.u32 v6, v16;
	v19 =	vand.u32 $0x1F, v17  }
0x56: {  	v19 =	vor.u32 v9, v19;
	_ =	sdelay $0x2  }
0x57: {  	v17 =	vshll.u32 v17, $0x7  }
0x58: {  	[tilespmem:v16+s25+$0x0] =	vst.idx.msk $0xffff, v18;
	v16 =	vand.u32 $0xF80, v17;
	v17 =	vadd.s32 s8, v10  }
0x59: {  	v18 =	vld.idx.msk [tilespmem:v19+s10+$0x0], $0xffff;
	v16 =	vor.u32 v8, v16;
	v19 =	vand.u32 $0x1F, v17  }
0x5a: {  	v19 =	vor.u32 v11, v19;
	_ =	sdelay $0x2  }
0x5b: {  	v17 =	vshll.u32 v17, $0x7  }
0x5c: {  	[tilespmem:v16+s25+$0x0] =	vst.idx.msk $0xffff, v18;
	v16 =	vand.u32 $0xF80, v17;
	v17 =	vadd.s32 s8, v12  }
0x5d: {  	v18 =	vld.idx.msk [tilespmem:v19+s10+$0x0], $0xffff;
	v16 =	vor.u32 v10, v16;
	v19 =	vand.u32 $0x1F, v17  }
0x5e: {  	v19 =	vor.u32 v13, v19;
	_ =	sdelay $0x2  }
0x5f: {  	v17 =	vshll.u32 v17, $0x7  }
0x60: {  	[tilespmem:v16+s25+$0x0] =	vst.idx.msk $0xffff, v18;
	v16 =	vand.u32 $0xF80, v17;
	v17 =	vadd.s32 s8, v14  }
0x61: {  	v18 =	vld.idx.msk [tilespmem:v19+s10+$0x0], $0xffff;
	v16 =	vor.u32 v12, v16;
	v19 =	vand.u32 $0x1F, v17  }
0x62: {  	v19 =	vor.u32 v15, v19;
	_ =	sdelay $0x3  }
0x63: {  	s8 =	simm.s32 $0x1;
	[tilespmem:v16+s25+$0x0] =	vst.idx.msk $0xffff, v18;
	v18 =	vshll.u32 v17, $0x7  }
0x64: {  	s24 =	simm.s32 $0x2;
	v16 =	vadd.s32 s8, v0;
	v17 =	vld.idx.msk [tilespmem:v19+s10+$0x0], $0xffff;
	v18 =	vand.u32 $0xF80, v18  }
.LBB2_3:
0x65: {  	p0 =	sne.s32 s24, $0x1F;
	v19 =	vand.u32 $0x1F, v16;
	v18 =	vor.u32 v14, v18  }
0x66: {  	v19 =	vor.u32 v1, v19;
	_ =	sdelay $0x3  }
0x67: {  	v16 =	vshll.u32 v16, $0x7;
	[tilespmem:v18+s25+$0x0] =	vst.idx.msk $0xffff, v17  }
0x68: {  	v16 =	vand.u32 $0xF80, v16;
	v18 =	vadd.s32 s8, v2;
	v17 =	vld.idx.msk [tilespmem:v19+s10+$0x0], $0xffff  }
0x69: {  	v16 =	vor.u32 v0, v16;
	v19 =	vand.u32 $0x1F, v18  }
0x6a: {  	v19 =	vor.u32 v3, v19;
	_ =	sdelay $0x3  }
0x6b: {  	[tilespmem:v16+s25+$0x0] =	vst.idx.msk $0xffff, v17;
	v16 =	vshll.u32 v18, $0x7  }
0x6c: {  	v18 =	vadd.s32 s8, v4;
	v17 =	vld.idx.msk [tilespmem:v19+s10+$0x0], $0xffff;
	v16 =	vand.u32 $0xF80, v16  }
0x6d: {  	v19 =	vand.u32 $0x1F, v18;
	v16 =	vor.u32 v2, v16  }
0x6e: {  	v19 =	vor.u32 v5, v19;
	_ =	sdelay $0x3  }
0x6f: {  	[tilespmem:v16+s25+$0x0] =	vst.idx.msk $0xffff, v17;
	v16 =	vshll.u32 v18, $0x7  }
0x70: {  	v18 =	vadd.s32 s8, v6;
	v17 =	vld.idx.msk [tilespmem:v19+s10+$0x0], $0xffff;
	v16 =	vand.u32 $0xF80, v16  }
0x71: {  	v19 =	vand.u32 $0x1F, v18;
	v16 =	vor.u32 v4, v16  }
0x72: {  	v19 =	vor.u32 v7, v19;
	_ =	sdelay $0x3  }
0x73: {  	[tilespmem:v16+s25+$0x0] =	vst.idx.msk $0xffff, v17;
	v16 =	vshll.u32 v18, $0x7  }
0x74: {  	v18 =	vadd.s32 s8, v8;
	v17 =	vld.idx.msk [tilespmem:v19+s10+$0x0], $0xffff;
	v16 =	vand.u32 $0xF80, v16  }
0x75: {  	v19 =	vand.u32 $0x1F, v18;
	v16 =	vor.u32 v6, v16  }
0x76: {  	v19 =	vor.u32 v9, v19;
	_ =	sdelay $0x3  }
0x77: {  	[tilespmem:v16+s25+$0x0] =	vst.idx.msk $0xffff, v17;
	v16 =	vshll.u32 v18, $0x7  }
0x78: {  	v18 =	vadd.s32 s8, v10;
	v17 =	vld.idx.msk [tilespmem:v19+s10+$0x0], $0xffff;
	v16 =	vand.u32 $0xF80, v16  }
0x79: {  	v19 =	vand.u32 $0x1F, v18;
	v16 =	vor.u32 v8, v16  }
0x7a: {  	v19 =	vor.u32 v11, v19;
	_ =	sdelay $0x3  }
0x7b: {  	[tilespmem:v16+s25+$0x0] =	vst.idx.msk $0xffff, v17;
	v16 =	vshll.u32 v18, $0x7  }
0x7c: {  	v18 =	vadd.s32 s8, v12;
	v17 =	vld.idx.msk [tilespmem:v19+s10+$0x0], $0xffff;
	v16 =	vand.u32 $0xF80, v16  }
0x7d: {  	v19 =	vand.u32 $0x1F, v18;
	v16 =	vor.u32 v10, v16  }
0x7e: {  	v19 =	vor.u32 v13, v19;
	_ =	sdelay $0x3  }
0x7f: {  	[tilespmem:v16+s25+$0x0] =	vst.idx.msk $0xffff, v17;
	v16 =	vshll.u32 v18, $0x7  }
0x80: {  	v18 =	vadd.s32 s8, v14;
	s8 =	smov.u32 s24;
	v17 =	vld.idx.msk [tilespmem:v19+s10+$0x0], $0xffff;
	v16 =	vand.u32 $0xF80, v16  }
0x81: {  	v19 =	vand.u32 $0x1F, v18;
	v16 =	vor.u32 v12, v16  }
0x82: {  	v19 =	vor.u32 v15, v19  }
.Ltmp2:
0x83: {  	(pc) =	sbr.rel @p0 .LBB2_3-.Ltmp2, $3  }
0x84: {  	_ =	sdelay $0x1  }
0x85: {  	v18 =	vshll.u32 v18, $0x7;
	[tilespmem:v16+s25+$0x0] =	vst.idx.msk $0xffff, v17  }
0x86: {  	s24 =	sadd.s32 $0x1, s24;
	v18 =	vand.u32 $0xF80, v18;
	v16 =	vadd.s32 s8, v0;
	v17 =	vld.idx.msk [tilespmem:v19+s10+$0x0], $0xffff  }
0x87: {  	v19 =	vand.u32 $0x1F, v16;
	v18 =	vor.u32 v14, v18  }
0x88: {  	v19 =	vor.u32 v1, v19;
	_ =	sdelay $0x2  }
0x89: {  	v16 =	vshll.u32 v16, $0x7  }
0x8a: {  	v16 =	vand.u32 $0xF80, v16;
	[tilespmem:v18+s25+$0x0] =	vst.idx.msk $0xffff, v17;
	v17 =	vadd.s32 s8, v2  }
0x8b: {  	v16 =	vor.u32 v0, v16;
	v18 =	vld.idx.msk [tilespmem:v19+s10+$0x0], $0xffff;
	v19 =	vand.u32 $0x1F, v17  }
0x8c: {  	v19 =	vor.u32 v3, v19;
	_ =	sdelay $0x2  }
0x8d: {  	v17 =	vshll.u32 v17, $0x7  }
0x8e: {  	[tilespmem:v16+s25+$0x0] =	vst.idx.msk $0xffff, v18;
	v16 =	vand.u32 $0xF80, v17;
	v17 =	vadd.s32 s8, v4  }
0x8f: {  	v18 =	vld.idx.msk [tilespmem:v19+s10+$0x0], $0xffff;
	v16 =	vor.u32 v2, v16;
	v19 =	vand.u32 $0x1F, v17  }
0x90: {  	v19 =	vor.u32 v5, v19;
	_ =	sdelay $0x2  }
0x91: {  	v17 =	vshll.u32 v17, $0x7  }
0x92: {  	[tilespmem:v16+s25+$0x0] =	vst.idx.msk $0xffff, v18;
	v16 =	vand.u32 $0xF80, v17;
	v17 =	vadd.s32 s8, v6  }
0x93: {  	v18 =	vld.idx.msk [tilespmem:v19+s10+$0x0], $0xffff;
	v16 =	vor.u32 v4, v16;
	v19 =	vand.u32 $0x1F, v17  }
0x94: {  	v19 =	vor.u32 v7, v19;
	_ =	sdelay $0x2  }
0x95: {  	v17 =	vshll.u32 v17, $0x7  }
0x96: {  	[tilespmem:v16+s25+$0x0] =	vst.idx.msk $0xffff, v18;
	v16 =	vand.u32 $0xF80, v17;
	v17 =	vadd.s32 s8, v8  }
0x97: {  	v18 =	vld.idx.msk [tilespmem:v19+s10+$0x0], $0xffff;
	v16 =	vor.u32 v6, v16;
	v19 =	vand.u32 $0x1F, v17  }
0x98: {  	v19 =	vor.u32 v9, v19;
	_ =	sdelay $0x2  }
0x99: {  	v17 =	vshll.u32 v17, $0x7  }
0x9a: {  	[tilespmem:v16+s25+$0x0] =	vst.idx.msk $0xffff, v18;
	v16 =	vand.u32 $0xF80, v17;
	v17 =	vadd.s32 s8, v10  }
0x9b: {  	v18 =	vld.idx.msk [tilespmem:v19+s10+$0x0], $0xffff;
	v16 =	vor.u32 v8, v16;
	v19 =	vand.u32 $0x1F, v17  }
0x9c: {  	v19 =	vor.u32 v11, v19;
	_ =	sdelay $0x2  }
0x9d: {  	v17 =	vshll.u32 v17, $0x7  }
0x9e: {  	[tilespmem:v16+s25+$0x0] =	vst.idx.msk $0xffff, v18;
	v16 =	vand.u32 $0xF80, v17;
	v17 =	vadd.s32 s8, v12  }
0x9f: {  	v18 =	vld.idx.msk [tilespmem:v19+s10+$0x0], $0xffff;
	v16 =	vor.u32 v10, v16;
	v19 =	vand.u32 $0x1F, v17  }
0xa0: {  	v19 =	vor.u32 v13, v19;
	_ =	sdelay $0x2  }
0xa1: {  	v17 =	vshll.u32 v17, $0x7  }
0xa2: {  	[tilespmem:v16+s25+$0x0] =	vst.idx.msk $0xffff, v18;
	v16 =	vand.u32 $0xF80, v17;
	v17 =	vadd.s32 s8, v14  }
0xa3: {  	v18 =	vld.idx.msk [tilespmem:v19+s10+$0x0], $0xffff;
	v16 =	vor.u32 v12, v16;
	v19 =	vand.u32 $0x1F, v17  }
0xa4: {  	v19 =	vor.u32 v15, v19;
	_ =	sdelay $0x2  }
0xa5: {  	v17 =	vshll.u32 v17, $0x7  }
0xa6: {  	[tilespmem:v16+s25+$0x0] =	vst.idx.msk $0xffff, v18;
	v16 =	vand.u32 $0xF80, v17  }
0xa7: {  	s8 =	sshll.u32 s6, $0x3;
	v17 =	vld.idx.msk [tilespmem:v19+s10+$0x0], $0xffff;
	v16 =	vor.u32 v14, v16  }
0xa8: {  	s29 =	sadd.s32 s5, s8  }
0xa9: {  	s31 =	sshll.u32 s29, $0x7  }
0xaa: {  	s24 =	simm.s32 $0x0;
	s29 =	sshll.u32 s29, $0x9;
	s31 =	sand.u32 $0xC00, s31  }
0xab: {  	s29 =	sand.u32 $0xFFFC000, s29;
	s31 =	sadd.s32 s2, s31;
	v18 =	vadd.s32 s24, v0  }
0xac: {  	s29 =	sadd.s32 s29, s31;
	v19 =	vand.u32 $0x1F, v18;
	[tilespmem:v16+s25+$0x0] =	vst.idx.msk $0xffff, v17  }
0xad: {  	v16 =	vor.u32 v1, v19;
	[hbm4b:s29+s26] =	stream.strided.scatter [tilespmem:s25], [sflag:$0x9], $0x1000, s28, s26, $0x38;
	[tilespmem:$0x16400] =	vst v63  }
0xae: {  	s29 =	simm.s32 $0x2  }
0xaf: {  	_ =	swait.ge [sflag:s29], $0x1000  }
0xb0: {  	v17 =	vshll.u32 v18, $0x7;
	[sflag:s29] =	ssyncset.done $0x0  }
0xb1: {  	v18 =	vadd.s32 s24, v2;
	v17 =	vand.u32 $0xF80, v17;
	[sflag:s29] =	ssyncadd.s32 $0xFFFFF000  }
0xb2: {  	v19 =	vand.u32 $0x1F, v18;
	v17 =	vor.u32 v0, v17;
	v16 =	vld.idx.msk [tilespmem:v16+s11+$0x0], $0xffff  }
0xb3: {  	v19 =	vor.u32 v3, v19;
	_ =	sdelay $0x2  }
0xb4: {  	v18 =	vshll.u32 v18, $0x7  }
0xb5: {  	[tilespmem:v17+s30+$0x0] =	vst.idx.msk $0xffff, v16;
	v16 =	vand.u32 $0xF80, v18;
	v17 =	vadd.s32 s24, v4  }
0xb6: {  	v18 =	vld.idx.msk [tilespmem:v19+s11+$0x0], $0xffff;
	v16 =	vor.u32 v2, v16;
	v19 =	vand.u32 $0x1F, v17  }
0xb7: {  	v19 =	vor.u32 v5, v19;
	_ =	sdelay $0x2  }
0xb8: {  	v17 =	vshll.u32 v17, $0x7  }
0xb9: {  	[tilespmem:v16+s30+$0x0] =	vst.idx.msk $0xffff, v18;
	v16 =	vand.u32 $0xF80, v17;
	v17 =	vadd.s32 s24, v6  }
0xba: {  	v18 =	vld.idx.msk [tilespmem:v19+s11+$0x0], $0xffff;
	v16 =	vor.u32 v4, v16;
	v19 =	vand.u32 $0x1F, v17  }
0xbb: {  	v19 =	vor.u32 v7, v19;
	_ =	sdelay $0x2  }
0xbc: {  	v17 =	vshll.u32 v17, $0x7  }
0xbd: {  	[tilespmem:v16+s30+$0x0] =	vst.idx.msk $0xffff, v18;
	v16 =	vand.u32 $0xF80, v17;
	v17 =	vadd.s32 s24, v8  }
0xbe: {  	v18 =	vld.idx.msk [tilespmem:v19+s11+$0x0], $0xffff;
	v16 =	vor.u32 v6, v16;
	v19 =	vand.u32 $0x1F, v17  }
0xbf: {  	v19 =	vor.u32 v9, v19;
	_ =	sdelay $0x2  }
0xc0: {  	v17 =	vshll.u32 v17, $0x7  }
0xc1: {  	[tilespmem:v16+s30+$0x0] =	vst.idx.msk $0xffff, v18;
	v16 =	vand.u32 $0xF80, v17;
	v17 =	vadd.s32 s24, v10  }
0xc2: {  	v18 =	vld.idx.msk [tilespmem:v19+s11+$0x0], $0xffff;
	v16 =	vor.u32 v8, v16;
	v19 =	vand.u32 $0x1F, v17  }
0xc3: {  	v19 =	vor.u32 v11, v19;
	_ =	sdelay $0x2  }
0xc4: {  	v17 =	vshll.u32 v17, $0x7  }
0xc5: {  	[tilespmem:v16+s30+$0x0] =	vst.idx.msk $0xffff, v18;
	v16 =	vand.u32 $0xF80, v17;
	v17 =	vadd.s32 s24, v12  }
0xc6: {  	v18 =	vld.idx.msk [tilespmem:v19+s11+$0x0], $0xffff;
	v16 =	vor.u32 v10, v16;
	v19 =	vand.u32 $0x1F, v17  }
0xc7: {  	v19 =	vor.u32 v13, v19;
	_ =	sdelay $0x2  }
0xc8: {  	v17 =	vshll.u32 v17, $0x7  }
0xc9: {  	[tilespmem:v16+s30+$0x0] =	vst.idx.msk $0xffff, v18;
	v16 =	vand.u32 $0xF80, v17;
	v17 =	vadd.s32 s24, v14  }
0xca: {  	v18 =	vld.idx.msk [tilespmem:v19+s11+$0x0], $0xffff;
	v16 =	vor.u32 v12, v16;
	v19 =	vand.u32 $0x1F, v17  }
0xcb: {  	v19 =	vor.u32 v15, v19;
	_ =	sdelay $0x3  }
0xcc: {  	s24 =	simm.s32 $0x1;
	[tilespmem:v16+s30+$0x0] =	vst.idx.msk $0xffff, v18;
	v18 =	vshll.u32 v17, $0x7  }
0xcd: {  	s29 =	simm.s32 $0x2;
	v16 =	vadd.s32 s24, v0;
	v17 =	vld.idx.msk [tilespmem:v19+s11+$0x0], $0xffff;
	v18 =	vand.u32 $0xF80, v18  }
.LBB2_5:
0xce: {  	p0 =	sne.s32 s29, $0x1F;
	v19 =	vand.u32 $0x1F, v16;
	v18 =	vor.u32 v14, v18  }
0xcf: {  	v19 =	vor.u32 v1, v19;
	_ =	sdelay $0x3  }
0xd0: {  	v16 =	vshll.u32 v16, $0x7;
	[tilespmem:v18+s30+$0x0] =	vst.idx.msk $0xffff, v17  }
0xd1: {  	v16 =	vand.u32 $0xF80, v16;
	v18 =	vadd.s32 s24, v2;
	v17 =	vld.idx.msk [tilespmem:v19+s11+$0x0], $0xffff  }
0xd2: {  	v16 =	vor.u32 v0, v16;
	v19 =	vand.u32 $0x1F, v18  }
0xd3: {  	v19 =	vor.u32 v3, v19;
	_ =	sdelay $0x3  }
0xd4: {  	[tilespmem:v16+s30+$0x0] =	vst.idx.msk $0xffff, v17;
	v16 =	vshll.u32 v18, $0x7  }
0xd5: {  	v18 =	vadd.s32 s24, v4;
	v17 =	vld.idx.msk [tilespmem:v19+s11+$0x0], $0xffff;
	v16 =	vand.u32 $0xF80, v16  }
0xd6: {  	v19 =	vand.u32 $0x1F, v18;
	v16 =	vor.u32 v2, v16  }
0xd7: {  	v19 =	vor.u32 v5, v19;
	_ =	sdelay $0x3  }
0xd8: {  	[tilespmem:v16+s30+$0x0] =	vst.idx.msk $0xffff, v17;
	v16 =	vshll.u32 v18, $0x7  }
0xd9: {  	v18 =	vadd.s32 s24, v6;
	v17 =	vld.idx.msk [tilespmem:v19+s11+$0x0], $0xffff;
	v16 =	vand.u32 $0xF80, v16  }
0xda: {  	v19 =	vand.u32 $0x1F, v18;
	v16 =	vor.u32 v4, v16  }
0xdb: {  	v19 =	vor.u32 v7, v19;
	_ =	sdelay $0x3  }
0xdc: {  	[tilespmem:v16+s30+$0x0] =	vst.idx.msk $0xffff, v17;
	v16 =	vshll.u32 v18, $0x7  }
0xdd: {  	v18 =	vadd.s32 s24, v8;
	v17 =	vld.idx.msk [tilespmem:v19+s11+$0x0], $0xffff;
	v16 =	vand.u32 $0xF80, v16  }
0xde: {  	v19 =	vand.u32 $0x1F, v18;
	v16 =	vor.u32 v6, v16  }
0xdf: {  	v19 =	vor.u32 v9, v19;
	_ =	sdelay $0x3  }
0xe0: {  	[tilespmem:v16+s30+$0x0] =	vst.idx.msk $0xffff, v17;
	v16 =	vshll.u32 v18, $0x7  }
0xe1: {  	v18 =	vadd.s32 s24, v10;
	v17 =	vld.idx.msk [tilespmem:v19+s11+$0x0], $0xffff;
	v16 =	vand.u32 $0xF80, v16  }
0xe2: {  	v19 =	vand.u32 $0x1F, v18;
	v16 =	vor.u32 v8, v16  }
0xe3: {  	v19 =	vor.u32 v11, v19;
	_ =	sdelay $0x3  }
0xe4: {  	[tilespmem:v16+s30+$0x0] =	vst.idx.msk $0xffff, v17;
	v16 =	vshll.u32 v18, $0x7  }
0xe5: {  	v18 =	vadd.s32 s24, v12;
	v17 =	vld.idx.msk [tilespmem:v19+s11+$0x0], $0xffff;
	v16 =	vand.u32 $0xF80, v16  }
0xe6: {  	v19 =	vand.u32 $0x1F, v18;
	v16 =	vor.u32 v10, v16  }
0xe7: {  	v19 =	vor.u32 v13, v19;
	_ =	sdelay $0x3  }
0xe8: {  	[tilespmem:v16+s30+$0x0] =	vst.idx.msk $0xffff, v17;
	v16 =	vshll.u32 v18, $0x7  }
0xe9: {  	v18 =	vadd.s32 s24, v14;
	s24 =	smov.u32 s29;
	v17 =	vld.idx.msk [tilespmem:v19+s11+$0x0], $0xffff;
	v16 =	vand.u32 $0xF80, v16  }
0xea: {  	v19 =	vand.u32 $0x1F, v18;
	v16 =	vor.u32 v12, v16  }
0xeb: {  	v19 =	vor.u32 v15, v19  }
.Ltmp3:
0xec: {  	(pc) =	sbr.rel @p0 .LBB2_5-.Ltmp3, $3  }
0xed: {  	_ =	sdelay $0x1  }
0xee: {  	v18 =	vshll.u32 v18, $0x7;
	[tilespmem:v16+s30+$0x0] =	vst.idx.msk $0xffff, v17  }
0xef: {  	s29 =	sadd.s32 $0x1, s29;
	v18 =	vand.u32 $0xF80, v18;
	v16 =	vadd.s32 s24, v0;
	v17 =	vld.idx.msk [tilespmem:v19+s11+$0x0], $0xffff  }
0xf0: {  	v19 =	vand.u32 $0x1F, v16;
	v18 =	vor.u32 v14, v18  }
0xf1: {  	v19 =	vor.u32 v1, v19;
	_ =	sdelay $0x2  }
0xf2: {  	v16 =	vshll.u32 v16, $0x7  }
0xf3: {  	v16 =	vand.u32 $0xF80, v16;
	[tilespmem:v18+s30+$0x0] =	vst.idx.msk $0xffff, v17;
	v17 =	vadd.s32 s24, v2  }
0xf4: {  	v16 =	vor.u32 v0, v16;
	v18 =	vld.idx.msk [tilespmem:v19+s11+$0x0], $0xffff;
	v19 =	vand.u32 $0x1F, v17  }
0xf5: {  	v19 =	vor.u32 v3, v19;
	_ =	sdelay $0x2  }
0xf6: {  	v17 =	vshll.u32 v17, $0x7  }
0xf7: {  	[tilespmem:v16+s30+$0x0] =	vst.idx.msk $0xffff, v18;
	v16 =	vand.u32 $0xF80, v17;
	v17 =	vadd.s32 s24, v4  }
0xf8: {  	v18 =	vld.idx.msk [tilespmem:v19+s11+$0x0], $0xffff;
	v16 =	vor.u32 v2, v16;
	v19 =	vand.u32 $0x1F, v17  }
0xf9: {  	v19 =	vor.u32 v5, v19;
	_ =	sdelay $0x2  }
0xfa: {  	v17 =	vshll.u32 v17, $0x7  }
0xfb: {  	[tilespmem:v16+s30+$0x0] =	vst.idx.msk $0xffff, v18;
	v16 =	vand.u32 $0xF80, v17;
	v17 =	vadd.s32 s24, v6  }
0xfc: {  	v18 =	vld.idx.msk [tilespmem:v19+s11+$0x0], $0xffff;
	v16 =	vor.u32 v4, v16;
	v19 =	vand.u32 $0x1F, v17  }
0xfd: {  	v19 =	vor.u32 v7, v19;
	_ =	sdelay $0x2  }
0xfe: {  	v17 =	vshll.u32 v17, $0x7  }
0xff: {  	[tilespmem:v16+s30+$0x0] =	vst.idx.msk $0xffff, v18;
	v16 =	vand.u32 $0xF80, v17;
	v17 =	vadd.s32 s24, v8  }
0x100: {  	v18 =	vld.idx.msk [tilespmem:v19+s11+$0x0], $0xffff;
	v16 =	vor.u32 v6, v16;
	v19 =	vand.u32 $0x1F, v17  }
0x101: {  	v19 =	vor.u32 v9, v19;
	_ =	sdelay $0x2  }
0x102: {  	v17 =	vshll.u32 v17, $0x7  }
0x103: {  	[tilespmem:v16+s30+$0x0] =	vst.idx.msk $0xffff, v18;
	v16 =	vand.u32 $0xF80, v17;
	v17 =	vadd.s32 s24, v10  }
0x104: {  	v18 =	vld.idx.msk [tilespmem:v19+s11+$0x0], $0xffff;
	v16 =	vor.u32 v8, v16;
	v19 =	vand.u32 $0x1F, v17  }
0x105: {  	v19 =	vor.u32 v11, v19;
	_ =	sdelay $0x2  }
0x106: {  	v17 =	vshll.u32 v17, $0x7  }
0x107: {  	[tilespmem:v16+s30+$0x0] =	vst.idx.msk $0xffff, v18;
	v16 =	vand.u32 $0xF80, v17;
	v17 =	vadd.s32 s24, v12  }
0x108: {  	v18 =	vld.idx.msk [tilespmem:v19+s11+$0x0], $0xffff;
	v16 =	vor.u32 v10, v16;
	v19 =	vand.u32 $0x1F, v17  }
0x109: {  	v19 =	vor.u32 v13, v19;
	_ =	sdelay $0x2  }
0x10a: {  	v17 =	vshll.u32 v17, $0x7  }
0x10b: {  	[tilespmem:v16+s30+$0x0] =	vst.idx.msk $0xffff, v18;
	v16 =	vand.u32 $0xF80, v17;
	v17 =	vadd.s32 s24, v14  }
0x10c: {  	v18 =	vld.idx.msk [tilespmem:v19+s11+$0x0], $0xffff;
	v16 =	vor.u32 v12, v16;
	v19 =	vand.u32 $0x1F, v17  }
0x10d: {  	v19 =	vor.u32 v15, v19;
	_ =	sdelay $0x2  }
0x10e: {  	v17 =	vshll.u32 v17, $0x7  }
0x10f: {  	[tilespmem:v16+s30+$0x0] =	vst.idx.msk $0xffff, v18;
	v16 =	vand.u32 $0xF80, v17  }
0x110: {  	s8 =	sadd.s32 s8, s5;
	v17 =	vld.idx.msk [tilespmem:v19+s11+$0x0], $0xffff;
	v16 =	vor.u32 v14, v16  }
0x111: {  	s29 =	sadd.s32 $0x1, s8  }
0x112: {  	s31 =	sshll.u32 s29, $0x7  }
0x113: {  	s29 =	sshll.u32 s29, $0x9;
	s31 =	sand.u32 $0xC80, s31;
	s24 =	simm.s32 $0x0  }
0x114: {  	s29 =	sand.u32 $0xFFFC000, s29;
	s31 =	sadd.s32 s2, s31;
	v18 =	vadd.s32 s24, v0  }
0x115: {  	s29 =	sadd.s32 s29, s31;
	v19 =	vand.u32 $0x1F, v18;
	[tilespmem:v16+s30+$0x0] =	vst.idx.msk $0xffff, v17  }
0x116: {  	v16 =	vor.u32 v1, v19;
	[hbm4b:s29+s26] =	stream.strided.scatter [tilespmem:s30], [sflag:$0xA], $0x1000, s28, s26, $0x38;
	[tilespmem:$0x16400] =	vst v63  }
0x117: {  	s29 =	simm.s32 $0x3  }
0x118: {  	_ =	swait.ge [sflag:s29], $0x1000  }
0x119: {  	v17 =	vshll.u32 v18, $0x7;
	[sflag:s29] =	ssyncset.done $0x0  }
0x11a: {  	v18 =	vadd.s32 s24, v2;
	v17 =	vand.u32 $0xF80, v17;
	[sflag:s29] =	ssyncadd.s32 $0xFFFFF000  }
0x11b: {  	v19 =	vand.u32 $0x1F, v18;
	v17 =	vor.u32 v0, v17;
	v16 =	vld.idx.msk [tilespmem:v16+s13+$0x0], $0xffff  }
0x11c: {  	v19 =	vor.u32 v3, v19;
	_ =	sdelay $0x2  }
0x11d: {  	v18 =	vshll.u32 v18, $0x7  }
0x11e: {  	[tilespmem:v17+s1+$0x0] =	vst.idx.msk $0xffff, v16;
	v16 =	vand.u32 $0xF80, v18;
	v17 =	vadd.s32 s24, v4  }
0x11f: {  	v18 =	vld.idx.msk [tilespmem:v19+s13+$0x0], $0xffff;
	v16 =	vor.u32 v2, v16;
	v19 =	vand.u32 $0x1F, v17  }
0x120: {  	v19 =	vor.u32 v5, v19;
	_ =	sdelay $0x2  }
0x121: {  	v17 =	vshll.u32 v17, $0x7  }
0x122: {  	[tilespmem:v16+s1+$0x0] =	vst.idx.msk $0xffff, v18;
	v16 =	vand.u32 $0xF80, v17;
	v17 =	vadd.s32 s24, v6  }
0x123: {  	v18 =	vld.idx.msk [tilespmem:v19+s13+$0x0], $0xffff;
	v16 =	vor.u32 v4, v16;
	v19 =	vand.u32 $0x1F, v17  }
0x124: {  	v19 =	vor.u32 v7, v19;
	_ =	sdelay $0x2  }
0x125: {  	v17 =	vshll.u32 v17, $0x7  }
0x126: {  	[tilespmem:v16+s1+$0x0] =	vst.idx.msk $0xffff, v18;
	v16 =	vand.u32 $0xF80, v17;
	v17 =	vadd.s32 s24, v8  }
0x127: {  	v18 =	vld.idx.msk [tilespmem:v19+s13+$0x0], $0xffff;
	v16 =	vor.u32 v6, v16;
	v19 =	vand.u32 $0x1F, v17  }
0x128: {  	v19 =	vor.u32 v9, v19;
	_ =	sdelay $0x2  }
0x129: {  	v17 =	vshll.u32 v17, $0x7  }
0x12a: {  	[tilespmem:v16+s1+$0x0] =	vst.idx.msk $0xffff, v18;
	v16 =	vand.u32 $0xF80, v17;
	v17 =	vadd.s32 s24, v10  }
0x12b: {  	v18 =	vld.idx.msk [tilespmem:v19+s13+$0x0], $0xffff;
	v16 =	vor.u32 v8, v16;
	v19 =	vand.u32 $0x1F, v17  }
0x12c: {  	v19 =	vor.u32 v11, v19;
	_ =	sdelay $0x2  }
0x12d: {  	v17 =	vshll.u32 v17, $0x7  }
0x12e: {  	[tilespmem:v16+s1+$0x0] =	vst.idx.msk $0xffff, v18;
	v16 =	vand.u32 $0xF80, v17;
	v17 =	vadd.s32 s24, v12  }
0x12f: {  	v18 =	vld.idx.msk [tilespmem:v19+s13+$0x0], $0xffff;
	v16 =	vor.u32 v10, v16;
	v19 =	vand.u32 $0x1F, v17  }
0x130: {  	v19 =	vor.u32 v13, v19;
	_ =	sdelay $0x2  }
0x131: {  	v17 =	vshll.u32 v17, $0x7  }
0x132: {  	[tilespmem:v16+s1+$0x0] =	vst.idx.msk $0xffff, v18;
	v16 =	vand.u32 $0xF80, v17;
	v17 =	vadd.s32 s24, v14  }
0x133: {  	v18 =	vld.idx.msk [tilespmem:v19+s13+$0x0], $0xffff;
	v16 =	vor.u32 v12, v16;
	v19 =	vand.u32 $0x1F, v17  }
0x134: {  	v19 =	vor.u32 v15, v19;
	_ =	sdelay $0x3  }
0x135: {  	s24 =	simm.s32 $0x1;
	[tilespmem:v16+s1+$0x0] =	vst.idx.msk $0xffff, v18;
	v18 =	vshll.u32 v17, $0x7  }
0x136: {  	s29 =	simm.s32 $0x2;
	v16 =	vadd.s32 s24, v0;
	v17 =	vld.idx.msk [tilespmem:v19+s13+$0x0], $0xffff;
	v18 =	vand.u32 $0xF80, v18  }
.LBB2_7:
0x137: {  	p0 =	sne.s32 s29, $0x1F;
	v19 =	vand.u32 $0x1F, v16;
	v18 =	vor.u32 v14, v18  }
0x138: {  	v19 =	vor.u32 v1, v19;
	_ =	sdelay $0x3  }
0x139: {  	v16 =	vshll.u32 v16, $0x7;
	[tilespmem:v18+s1+$0x0] =	vst.idx.msk $0xffff, v17  }
0x13a: {  	v16 =	vand.u32 $0xF80, v16;
	v18 =	vadd.s32 s24, v2;
	v17 =	vld.idx.msk [tilespmem:v19+s13+$0x0], $0xffff  }
0x13b: {  	v16 =	vor.u32 v0, v16;
	v19 =	vand.u32 $0x1F, v18  }
0x13c: {  	v19 =	vor.u32 v3, v19;
	_ =	sdelay $0x3  }
0x13d: {  	[tilespmem:v16+s1+$0x0] =	vst.idx.msk $0xffff, v17;
	v16 =	vshll.u32 v18, $0x7  }
0x13e: {  	v18 =	vadd.s32 s24, v4;
	v17 =	vld.idx.msk [tilespmem:v19+s13+$0x0], $0xffff;
	v16 =	vand.u32 $0xF80, v16  }
0x13f: {  	v19 =	vand.u32 $0x1F, v18;
	v16 =	vor.u32 v2, v16  }
0x140: {  	v19 =	vor.u32 v5, v19;
	_ =	sdelay $0x3  }
0x141: {  	[tilespmem:v16+s1+$0x0] =	vst.idx.msk $0xffff, v17;
	v16 =	vshll.u32 v18, $0x7  }
0x142: {  	v18 =	vadd.s32 s24, v6;
	v17 =	vld.idx.msk [tilespmem:v19+s13+$0x0], $0xffff;
	v16 =	vand.u32 $0xF80, v16  }
0x143: {  	v19 =	vand.u32 $0x1F, v18;
	v16 =	vor.u32 v4, v16  }
0x144: {  	v19 =	vor.u32 v7, v19;
	_ =	sdelay $0x3  }
0x145: {  	[tilespmem:v16+s1+$0x0] =	vst.idx.msk $0xffff, v17;
	v16 =	vshll.u32 v18, $0x7  }
0x146: {  	v18 =	vadd.s32 s24, v8;
	v17 =	vld.idx.msk [tilespmem:v19+s13+$0x0], $0xffff;
	v16 =	vand.u32 $0xF80, v16  }
0x147: {  	v19 =	vand.u32 $0x1F, v18;
	v16 =	vor.u32 v6, v16  }
0x148: {  	v19 =	vor.u32 v9, v19;
	_ =	sdelay $0x3  }
0x149: {  	[tilespmem:v16+s1+$0x0] =	vst.idx.msk $0xffff, v17;
	v16 =	vshll.u32 v18, $0x7  }
0x14a: {  	v18 =	vadd.s32 s24, v10;
	v17 =	vld.idx.msk [tilespmem:v19+s13+$0x0], $0xffff;
	v16 =	vand.u32 $0xF80, v16  }
0x14b: {  	v19 =	vand.u32 $0x1F, v18;
	v16 =	vor.u32 v8, v16  }
0x14c: {  	v19 =	vor.u32 v11, v19;
	_ =	sdelay $0x3  }
0x14d: {  	[tilespmem:v16+s1+$0x0] =	vst.idx.msk $0xffff, v17;
	v16 =	vshll.u32 v18, $0x7  }
0x14e: {  	v18 =	vadd.s32 s24, v12;
	v17 =	vld.idx.msk [tilespmem:v19+s13+$0x0], $0xffff;
	v16 =	vand.u32 $0xF80, v16  }
0x14f: {  	v19 =	vand.u32 $0x1F, v18;
	v16 =	vor.u32 v10, v16  }
0x150: {  	v19 =	vor.u32 v13, v19;
	_ =	sdelay $0x3  }
0x151: {  	[tilespmem:v16+s1+$0x0] =	vst.idx.msk $0xffff, v17;
	v16 =	vshll.u32 v18, $0x7  }
0x152: {  	v18 =	vadd.s32 s24, v14;
	s24 =	smov.u32 s29;
	v17 =	vld.idx.msk [tilespmem:v19+s13+$0x0], $0xffff;
	v16 =	vand.u32 $0xF80, v16  }
0x153: {  	v19 =	vand.u32 $0x1F, v18;
	v16 =	vor.u32 v12, v16  }
0x154: {  	v19 =	vor.u32 v15, v19  }
.Ltmp4:
0x155: {  	(pc) =	sbr.rel @p0 .LBB2_7-.Ltmp4, $3  }
0x156: {  	_ =	sdelay $0x1  }
0x157: {  	v18 =	vshll.u32 v18, $0x7;
	[tilespmem:v16+s1+$0x0] =	vst.idx.msk $0xffff, v17  }
0x158: {  	s29 =	sadd.s32 $0x1, s29;
	v18 =	vand.u32 $0xF80, v18;
	v16 =	vadd.s32 s24, v0;
	v17 =	vld.idx.msk [tilespmem:v19+s13+$0x0], $0xffff  }
0x159: {  	v19 =	vand.u32 $0x1F, v16;
	v18 =	vor.u32 v14, v18  }
0x15a: {  	v19 =	vor.u32 v1, v19;
	_ =	sdelay $0x2  }
0x15b: {  	v16 =	vshll.u32 v16, $0x7  }
0x15c: {  	v16 =	vand.u32 $0xF80, v16;
	[tilespmem:v18+s1+$0x0] =	vst.idx.msk $0xffff, v17;
	v17 =	vadd.s32 s24, v2  }
0x15d: {  	v16 =	vor.u32 v0, v16;
	v18 =	vld.idx.msk [tilespmem:v19+s13+$0x0], $0xffff;
	v19 =	vand.u32 $0x1F, v17  }
0x15e: {  	v19 =	vor.u32 v3, v19;
	_ =	sdelay $0x2  }
0x15f: {  	v17 =	vshll.u32 v17, $0x7  }
0x160: {  	[tilespmem:v16+s1+$0x0] =	vst.idx.msk $0xffff, v18;
	v16 =	vand.u32 $0xF80, v17;
	v17 =	vadd.s32 s24, v4  }
0x161: {  	v18 =	vld.idx.msk [tilespmem:v19+s13+$0x0], $0xffff;
	v16 =	vor.u32 v2, v16;
	v19 =	vand.u32 $0x1F, v17  }
0x162: {  	v19 =	vor.u32 v5, v19;
	_ =	sdelay $0x2  }
0x163: {  	v17 =	vshll.u32 v17, $0x7  }
0x164: {  	[tilespmem:v16+s1+$0x0] =	vst.idx.msk $0xffff, v18;
	v16 =	vand.u32 $0xF80, v17;
	v17 =	vadd.s32 s24, v6  }
0x165: {  	v18 =	vld.idx.msk [tilespmem:v19+s13+$0x0], $0xffff;
	v16 =	vor.u32 v4, v16;
	v19 =	vand.u32 $0x1F, v17  }
0x166: {  	v19 =	vor.u32 v7, v19;
	_ =	sdelay $0x2  }
0x167: {  	v17 =	vshll.u32 v17, $0x7  }
0x168: {  	[tilespmem:v16+s1+$0x0] =	vst.idx.msk $0xffff, v18;
	v16 =	vand.u32 $0xF80, v17;
	v17 =	vadd.s32 s24, v8  }
0x169: {  	v18 =	vld.idx.msk [tilespmem:v19+s13+$0x0], $0xffff;
	v16 =	vor.u32 v6, v16;
	v19 =	vand.u32 $0x1F, v17  }
0x16a: {  	v19 =	vor.u32 v9, v19;
	_ =	sdelay $0x2  }
0x16b: {  	v17 =	vshll.u32 v17, $0x7  }
0x16c: {  	[tilespmem:v16+s1+$0x0] =	vst.idx.msk $0xffff, v18;
	v16 =	vand.u32 $0xF80, v17;
	v17 =	vadd.s32 s24, v10  }
0x16d: {  	v18 =	vld.idx.msk [tilespmem:v19+s13+$0x0], $0xffff;
	v16 =	vor.u32 v8, v16;
	v19 =	vand.u32 $0x1F, v17  }
0x16e: {  	v19 =	vor.u32 v11, v19;
	_ =	sdelay $0x2  }
0x16f: {  	v17 =	vshll.u32 v17, $0x7  }
0x170: {  	[tilespmem:v16+s1+$0x0] =	vst.idx.msk $0xffff, v18;
	v16 =	vand.u32 $0xF80, v17;
	v17 =	vadd.s32 s24, v12  }
0x171: {  	v18 =	vld.idx.msk [tilespmem:v19+s13+$0x0], $0xffff;
	v16 =	vor.u32 v10, v16;
	v19 =	vand.u32 $0x1F, v17  }
0x172: {  	v19 =	vor.u32 v13, v19;
	_ =	sdelay $0x2  }
0x173: {  	v17 =	vshll.u32 v17, $0x7  }
0x174: {  	[tilespmem:v16+s1+$0x0] =	vst.idx.msk $0xffff, v18;
	v16 =	vand.u32 $0xF80, v17;
	v17 =	vadd.s32 s24, v14  }
0x175: {  	v18 =	vld.idx.msk [tilespmem:v19+s13+$0x0], $0xffff;
	v16 =	vor.u32 v12, v16;
	v19 =	vand.u32 $0x1F, v17  }
0x176: {  	v19 =	vor.u32 v15, v19;
	_ =	sdelay $0x2  }
0x177: {  	v17 =	vshll.u32 v17, $0x7  }
0x178: {  	[tilespmem:v16+s1+$0x0] =	vst.idx.msk $0xffff, v18;
	v16 =	vand.u32 $0xF80, v17  }
0x179: {  	v17 =	vld.idx.msk [tilespmem:v19+s13+$0x0], $0xffff;
	v16 =	vor.u32 v14, v16  }
0x17a: {  	s29 =	sadd.s32 $0x2, s8  }
0x17b: {  	s31 =	sshll.u32 s29, $0x7  }
0x17c: {  	s29 =	sshll.u32 s29, $0x9;
	s31 =	sand.u32 $0xD00, s31;
	s24 =	simm.s32 $0x0  }
0x17d: {  	s29 =	sand.u32 $0xFFFC000, s29;
	s31 =	sadd.s32 s2, s31;
	v18 =	vadd.s32 s24, v0  }
0x17e: {  	s29 =	sadd.s32 s29, s31;
	v19 =	vand.u32 $0x1F, v18;
	[tilespmem:v16+s1+$0x0] =	vst.idx.msk $0xffff, v17  }
0x17f: {  	v16 =	vor.u32 v1, v19;
	[hbm4b:s29+s26] =	stream.strided.scatter [tilespmem:s1], [sflag:$0xB], $0x1000, s28, s26, $0x38;
	[tilespmem:$0x16400] =	vst v63  }
0x180: {  	s29 =	simm.s32 $0x4  }
0x181: {  	_ =	swait.ge [sflag:s29], $0x1000  }
0x182: {  	v17 =	vshll.u32 v18, $0x7;
	[sflag:s29] =	ssyncset.done $0x0  }
0x183: {  	v18 =	vadd.s32 s24, v2;
	v17 =	vand.u32 $0xF80, v17;
	[sflag:s29] =	ssyncadd.s32 $0xFFFFF000  }
0x184: {  	v19 =	vand.u32 $0x1F, v18;
	v17 =	vor.u32 v0, v17;
	v16 =	vld.idx.msk [tilespmem:v16+s15+$0x0], $0xffff  }
0x185: {  	v19 =	vor.u32 v3, v19;
	_ =	sdelay $0x2  }
0x186: {  	v18 =	vshll.u32 v18, $0x7  }
0x187: {  	[tilespmem:v17+s12+$0x0] =	vst.idx.msk $0xffff, v16;
	v16 =	vand.u32 $0xF80, v18;
	v17 =	vadd.s32 s24, v4  }
0x188: {  	v18 =	vld.idx.msk [tilespmem:v19+s15+$0x0], $0xffff;
	v16 =	vor.u32 v2, v16;
	v19 =	vand.u32 $0x1F, v17  }
0x189: {  	v19 =	vor.u32 v5, v19;
	_ =	sdelay $0x2  }
0x18a: {  	v17 =	vshll.u32 v17, $0x7  }
0x18b: {  	[tilespmem:v16+s12+$0x0] =	vst.idx.msk $0xffff, v18;
	v16 =	vand.u32 $0xF80, v17;
	v17 =	vadd.s32 s24, v6  }
0x18c: {  	v18 =	vld.idx.msk [tilespmem:v19+s15+$0x0], $0xffff;
	v16 =	vor.u32 v4, v16;
	v19 =	vand.u32 $0x1F, v17  }
0x18d: {  	v19 =	vor.u32 v7, v19;
	_ =	sdelay $0x2  }
0x18e: {  	v17 =	vshll.u32 v17, $0x7  }
0x18f: {  	[tilespmem:v16+s12+$0x0] =	vst.idx.msk $0xffff, v18;
	v16 =	vand.u32 $0xF80, v17;
	v17 =	vadd.s32 s24, v8  }
0x190: {  	v18 =	vld.idx.msk [tilespmem:v19+s15+$0x0], $0xffff;
	v16 =	vor.u32 v6, v16;
	v19 =	vand.u32 $0x1F, v17  }
0x191: {  	v19 =	vor.u32 v9, v19;
	_ =	sdelay $0x2  }
0x192: {  	v17 =	vshll.u32 v17, $0x7  }
0x193: {  	[tilespmem:v16+s12+$0x0] =	vst.idx.msk $0xffff, v18;
	v16 =	vand.u32 $0xF80, v17;
	v17 =	vadd.s32 s24, v10  }
0x194: {  	v18 =	vld.idx.msk [tilespmem:v19+s15+$0x0], $0xffff;
	v16 =	vor.u32 v8, v16;
	v19 =	vand.u32 $0x1F, v17  }
0x195: {  	v19 =	vor.u32 v11, v19;
	_ =	sdelay $0x2  }
0x196: {  	v17 =	vshll.u32 v17, $0x7  }
0x197: {  	[tilespmem:v16+s12+$0x0] =	vst.idx.msk $0xffff, v18;
	v16 =	vand.u32 $0xF80, v17;
	v17 =	vadd.s32 s24, v12  }
0x198: {  	v18 =	vld.idx.msk [tilespmem:v19+s15+$0x0], $0xffff;
	v16 =	vor.u32 v10, v16;
	v19 =	vand.u32 $0x1F, v17  }
0x199: {  	v19 =	vor.u32 v13, v19;
	_ =	sdelay $0x2  }
0x19a: {  	v17 =	vshll.u32 v17, $0x7  }
0x19b: {  	[tilespmem:v16+s12+$0x0] =	vst.idx.msk $0xffff, v18;
	v16 =	vand.u32 $0xF80, v17;
	v17 =	vadd.s32 s24, v14  }
0x19c: {  	v18 =	vld.idx.msk [tilespmem:v19+s15+$0x0], $0xffff;
	v16 =	vor.u32 v12, v16;
	v19 =	vand.u32 $0x1F, v17  }
0x19d: {  	v19 =	vor.u32 v15, v19;
	_ =	sdelay $0x3  }
0x19e: {  	s24 =	simm.s32 $0x1;
	[tilespmem:v16+s12+$0x0] =	vst.idx.msk $0xffff, v18;
	v18 =	vshll.u32 v17, $0x7  }
0x19f: {  	s29 =	simm.s32 $0x2;
	v16 =	vadd.s32 s24, v0;
	v17 =	vld.idx.msk [tilespmem:v19+s15+$0x0], $0xffff;
	v18 =	vand.u32 $0xF80, v18  }
.LBB2_9:
0x1a0: {  	p0 =	sne.s32 s29, $0x1F;
	v19 =	vand.u32 $0x1F, v16;
	v18 =	vor.u32 v14, v18  }
0x1a1: {  	v19 =	vor.u32 v1, v19;
	_ =	sdelay $0x3  }
0x1a2: {  	v16 =	vshll.u32 v16, $0x7;
	[tilespmem:v18+s12+$0x0] =	vst.idx.msk $0xffff, v17  }
0x1a3: {  	v16 =	vand.u32 $0xF80, v16;
	v18 =	vadd.s32 s24, v2;
	v17 =	vld.idx.msk [tilespmem:v19+s15+$0x0], $0xffff  }
0x1a4: {  	v16 =	vor.u32 v0, v16;
	v19 =	vand.u32 $0x1F, v18  }
0x1a5: {  	v19 =	vor.u32 v3, v19;
	_ =	sdelay $0x3  }
0x1a6: {  	[tilespmem:v16+s12+$0x0] =	vst.idx.msk $0xffff, v17;
	v16 =	vshll.u32 v18, $0x7  }
0x1a7: {  	v18 =	vadd.s32 s24, v4;
	v17 =	vld.idx.msk [tilespmem:v19+s15+$0x0], $0xffff;
	v16 =	vand.u32 $0xF80, v16  }
0x1a8: {  	v19 =	vand.u32 $0x1F, v18;
	v16 =	vor.u32 v2, v16  }
0x1a9: {  	v19 =	vor.u32 v5, v19;
	_ =	sdelay $0x3  }
0x1aa: {  	[tilespmem:v16+s12+$0x0] =	vst.idx.msk $0xffff, v17;
	v16 =	vshll.u32 v18, $0x7  }
0x1ab: {  	v18 =	vadd.s32 s24, v6;
	v17 =	vld.idx.msk [tilespmem:v19+s15+$0x0], $0xffff;
	v16 =	vand.u32 $0xF80, v16  }
0x1ac: {  	v19 =	vand.u32 $0x1F, v18;
	v16 =	vor.u32 v4, v16  }
0x1ad: {  	v19 =	vor.u32 v7, v19;
	_ =	sdelay $0x3  }
0x1ae: {  	[tilespmem:v16+s12+$0x0] =	vst.idx.msk $0xffff, v17;
	v16 =	vshll.u32 v18, $0x7  }
0x1af: {  	v18 =	vadd.s32 s24, v8;
	v17 =	vld.idx.msk [tilespmem:v19+s15+$0x0], $0xffff;
	v16 =	vand.u32 $0xF80, v16  }
0x1b0: {  	v19 =	vand.u32 $0x1F, v18;
	v16 =	vor.u32 v6, v16  }
0x1b1: {  	v19 =	vor.u32 v9, v19;
	_ =	sdelay $0x3  }
0x1b2: {  	[tilespmem:v16+s12+$0x0] =	vst.idx.msk $0xffff, v17;
	v16 =	vshll.u32 v18, $0x7  }
0x1b3: {  	v18 =	vadd.s32 s24, v10;
	v17 =	vld.idx.msk [tilespmem:v19+s15+$0x0], $0xffff;
	v16 =	vand.u32 $0xF80, v16  }
0x1b4: {  	v19 =	vand.u32 $0x1F, v18;
	v16 =	vor.u32 v8, v16  }
0x1b5: {  	v19 =	vor.u32 v11, v19;
	_ =	sdelay $0x3  }
0x1b6: {  	[tilespmem:v16+s12+$0x0] =	vst.idx.msk $0xffff, v17;
	v16 =	vshll.u32 v18, $0x7  }
0x1b7: {  	v18 =	vadd.s32 s24, v12;
	v17 =	vld.idx.msk [tilespmem:v19+s15+$0x0], $0xffff;
	v16 =	vand.u32 $0xF80, v16  }
0x1b8: {  	v19 =	vand.u32 $0x1F, v18;
	v16 =	vor.u32 v10, v16  }
0x1b9: {  	v19 =	vor.u32 v13, v19;
	_ =	sdelay $0x3  }
0x1ba: {  	[tilespmem:v16+s12+$0x0] =	vst.idx.msk $0xffff, v17;
	v16 =	vshll.u32 v18, $0x7  }
0x1bb: {  	v18 =	vadd.s32 s24, v14;
	s24 =	smov.u32 s29;
	v17 =	vld.idx.msk [tilespmem:v19+s15+$0x0], $0xffff;
	v16 =	vand.u32 $0xF80, v16  }
0x1bc: {  	v19 =	vand.u32 $0x1F, v18;
	v16 =	vor.u32 v12, v16  }
0x1bd: {  	v19 =	vor.u32 v15, v19  }
.Ltmp5:
0x1be: {  	(pc) =	sbr.rel @p0 .LBB2_9-.Ltmp5, $3  }
0x1bf: {  	_ =	sdelay $0x1  }
0x1c0: {  	v18 =	vshll.u32 v18, $0x7;
	[tilespmem:v16+s12+$0x0] =	vst.idx.msk $0xffff, v17  }
0x1c1: {  	s29 =	sadd.s32 $0x1, s29;
	v18 =	vand.u32 $0xF80, v18;
	v16 =	vadd.s32 s24, v0;
	v17 =	vld.idx.msk [tilespmem:v19+s15+$0x0], $0xffff  }
0x1c2: {  	v19 =	vand.u32 $0x1F, v16;
	v18 =	vor.u32 v14, v18  }
0x1c3: {  	v19 =	vor.u32 v1, v19;
	_ =	sdelay $0x2  }
0x1c4: {  	v16 =	vshll.u32 v16, $0x7  }
0x1c5: {  	v16 =	vand.u32 $0xF80, v16;
	[tilespmem:v18+s12+$0x0] =	vst.idx.msk $0xffff, v17;
	v17 =	vadd.s32 s24, v2  }
0x1c6: {  	v16 =	vor.u32 v0, v16;
	v18 =	vld.idx.msk [tilespmem:v19+s15+$0x0], $0xffff;
	v19 =	vand.u32 $0x1F, v17  }
0x1c7: {  	v19 =	vor.u32 v3, v19;
	_ =	sdelay $0x2  }
0x1c8: {  	v17 =	vshll.u32 v17, $0x7  }
0x1c9: {  	[tilespmem:v16+s12+$0x0] =	vst.idx.msk $0xffff, v18;
	v16 =	vand.u32 $0xF80, v17;
	v17 =	vadd.s32 s24, v4  }
0x1ca: {  	v18 =	vld.idx.msk [tilespmem:v19+s15+$0x0], $0xffff;
	v16 =	vor.u32 v2, v16;
	v19 =	vand.u32 $0x1F, v17  }
0x1cb: {  	v19 =	vor.u32 v5, v19;
	_ =	sdelay $0x2  }
0x1cc: {  	v17 =	vshll.u32 v17, $0x7  }
0x1cd: {  	[tilespmem:v16+s12+$0x0] =	vst.idx.msk $0xffff, v18;
	v16 =	vand.u32 $0xF80, v17;
	v17 =	vadd.s32 s24, v6  }
0x1ce: {  	v18 =	vld.idx.msk [tilespmem:v19+s15+$0x0], $0xffff;
	v16 =	vor.u32 v4, v16;
	v19 =	vand.u32 $0x1F, v17  }
0x1cf: {  	v19 =	vor.u32 v7, v19;
	_ =	sdelay $0x2  }
0x1d0: {  	v17 =	vshll.u32 v17, $0x7  }
0x1d1: {  	[tilespmem:v16+s12+$0x0] =	vst.idx.msk $0xffff, v18;
	v16 =	vand.u32 $0xF80, v17;
	v17 =	vadd.s32 s24, v8  }
0x1d2: {  	v18 =	vld.idx.msk [tilespmem:v19+s15+$0x0], $0xffff;
	v16 =	vor.u32 v6, v16;
	v19 =	vand.u32 $0x1F, v17  }
0x1d3: {  	v19 =	vor.u32 v9, v19;
	_ =	sdelay $0x2  }
0x1d4: {  	v17 =	vshll.u32 v17, $0x7  }
0x1d5: {  	[tilespmem:v16+s12+$0x0] =	vst.idx.msk $0xffff, v18;
	v16 =	vand.u32 $0xF80, v17;
	v17 =	vadd.s32 s24, v10  }
0x1d6: {  	v18 =	vld.idx.msk [tilespmem:v19+s15+$0x0], $0xffff;
	v16 =	vor.u32 v8, v16;
	v19 =	vand.u32 $0x1F, v17  }
0x1d7: {  	v19 =	vor.u32 v11, v19;
	_ =	sdelay $0x2  }
0x1d8: {  	v17 =	vshll.u32 v17, $0x7  }
0x1d9: {  	[tilespmem:v16+s12+$0x0] =	vst.idx.msk $0xffff, v18;
	v16 =	vand.u32 $0xF80, v17;
	v17 =	vadd.s32 s24, v12  }
0x1da: {  	v18 =	vld.idx.msk [tilespmem:v19+s15+$0x0], $0xffff;
	v16 =	vor.u32 v10, v16;
	v19 =	vand.u32 $0x1F, v17  }
0x1db: {  	v19 =	vor.u32 v13, v19;
	_ =	sdelay $0x2  }
0x1dc: {  	v17 =	vshll.u32 v17, $0x7  }
0x1dd: {  	[tilespmem:v16+s12+$0x0] =	vst.idx.msk $0xffff, v18;
	v16 =	vand.u32 $0xF80, v17;
	v17 =	vadd.s32 s24, v14  }
0x1de: {  	v18 =	vld.idx.msk [tilespmem:v19+s15+$0x0], $0xffff;
	v16 =	vor.u32 v12, v16;
	v19 =	vand.u32 $0x1F, v17  }
0x1df: {  	v19 =	vor.u32 v15, v19;
	_ =	sdelay $0x2  }
0x1e0: {  	v17 =	vshll.u32 v17, $0x7  }
0x1e1: {  	[tilespmem:v16+s12+$0x0] =	vst.idx.msk $0xffff, v18;
	v16 =	vand.u32 $0xF80, v17  }
0x1e2: {  	v17 =	vld.idx.msk [tilespmem:v19+s15+$0x0], $0xffff;
	v16 =	vor.u32 v14, v16  }
0x1e3: {  	s29 =	sadd.s32 $0x3, s8  }
0x1e4: {  	s31 =	sshll.u32 s29, $0x7  }
0x1e5: {  	s29 =	sshll.u32 s29, $0x9;
	s31 =	sand.u32 $0xD80, s31;
	s24 =	simm.s32 $0x0  }
0x1e6: {  	s29 =	sand.u32 $0xFFFC000, s29;
	s31 =	sadd.s32 s2, s31;
	v18 =	vadd.s32 s24, v0  }
0x1e7: {  	s29 =	sadd.s32 s29, s31;
	v19 =	vand.u32 $0x1F, v18;
	[tilespmem:v16+s12+$0x0] =	vst.idx.msk $0xffff, v17  }
0x1e8: {  	v16 =	vor.u32 v1, v19;
	[hbm4b:s29+s26] =	stream.strided.scatter [tilespmem:s12], [sflag:$0xC], $0x1000, s28, s26, $0x38;
	[tilespmem:$0x16400] =	vst v63  }
0x1e9: {  	s29 =	simm.s32 $0x5  }
0x1ea: {  	_ =	swait.ge [sflag:s29], $0x1000  }
0x1eb: {  	v17 =	vshll.u32 v18, $0x7;
	[sflag:s29] =	ssyncset.done $0x0  }
0x1ec: {  	v18 =	vadd.s32 s24, v2;
	v17 =	vand.u32 $0xF80, v17;
	[sflag:s29] =	ssyncadd.s32 $0xFFFFF000  }
0x1ed: {  	v19 =	vand.u32 $0x1F, v18;
	v17 =	vor.u32 v0, v17;
	v16 =	vld.idx.msk [tilespmem:v16+s17+$0x0], $0xffff  }
0x1ee: {  	v19 =	vor.u32 v3, v19;
	_ =	sdelay $0x2  }
0x1ef: {  	v18 =	vshll.u32 v18, $0x7  }
0x1f0: {  	[tilespmem:v17+s16+$0x0] =	vst.idx.msk $0xffff, v16;
	v16 =	vand.u32 $0xF80, v18;
	v17 =	vadd.s32 s24, v4  }
0x1f1: {  	v18 =	vld.idx.msk [tilespmem:v19+s17+$0x0], $0xffff;
	v16 =	vor.u32 v2, v16;
	v19 =	vand.u32 $0x1F, v17  }
0x1f2: {  	v19 =	vor.u32 v5, v19;
	_ =	sdelay $0x2  }
0x1f3: {  	v17 =	vshll.u32 v17, $0x7  }
0x1f4: {  	[tilespmem:v16+s16+$0x0] =	vst.idx.msk $0xffff, v18;
	v16 =	vand.u32 $0xF80, v17;
	v17 =	vadd.s32 s24, v6  }
0x1f5: {  	v18 =	vld.idx.msk [tilespmem:v19+s17+$0x0], $0xffff;
	v16 =	vor.u32 v4, v16;
	v19 =	vand.u32 $0x1F, v17  }
0x1f6: {  	v19 =	vor.u32 v7, v19;
	_ =	sdelay $0x2  }
0x1f7: {  	v17 =	vshll.u32 v17, $0x7  }
0x1f8: {  	[tilespmem:v16+s16+$0x0] =	vst.idx.msk $0xffff, v18;
	v16 =	vand.u32 $0xF80, v17;
	v17 =	vadd.s32 s24, v8  }
0x1f9: {  	v18 =	vld.idx.msk [tilespmem:v19+s17+$0x0], $0xffff;
	v16 =	vor.u32 v6, v16;
	v19 =	vand.u32 $0x1F, v17  }
0x1fa: {  	v19 =	vor.u32 v9, v19;
	_ =	sdelay $0x2  }
0x1fb: {  	v17 =	vshll.u32 v17, $0x7  }
0x1fc: {  	[tilespmem:v16+s16+$0x0] =	vst.idx.msk $0xffff, v18;
	v16 =	vand.u32 $0xF80, v17;
	v17 =	vadd.s32 s24, v10  }
0x1fd: {  	v18 =	vld.idx.msk [tilespmem:v19+s17+$0x0], $0xffff;
	v16 =	vor.u32 v8, v16;
	v19 =	vand.u32 $0x1F, v17  }
0x1fe: {  	v19 =	vor.u32 v11, v19;
	_ =	sdelay $0x2  }
0x1ff: {  	v17 =	vshll.u32 v17, $0x7  }
0x200: {  	[tilespmem:v16+s16+$0x0] =	vst.idx.msk $0xffff, v18;
	v16 =	vand.u32 $0xF80, v17;
	v17 =	vadd.s32 s24, v12  }
0x201: {  	v18 =	vld.idx.msk [tilespmem:v19+s17+$0x0], $0xffff;
	v16 =	vor.u32 v10, v16;
	v19 =	vand.u32 $0x1F, v17  }
0x202: {  	v19 =	vor.u32 v13, v19;
	_ =	sdelay $0x2  }
0x203: {  	v17 =	vshll.u32 v17, $0x7  }
0x204: {  	[tilespmem:v16+s16+$0x0] =	vst.idx.msk $0xffff, v18;
	v16 =	vand.u32 $0xF80, v17;
	v17 =	vadd.s32 s24, v14  }
0x205: {  	v18 =	vld.idx.msk [tilespmem:v19+s17+$0x0], $0xffff;
	v16 =	vor.u32 v12, v16;
	v19 =	vand.u32 $0x1F, v17  }
0x206: {  	v19 =	vor.u32 v15, v19;
	_ =	sdelay $0x3  }
0x207: {  	s24 =	simm.s32 $0x1;
	[tilespmem:v16+s16+$0x0] =	vst.idx.msk $0xffff, v18;
	v18 =	vshll.u32 v17, $0x7  }
0x208: {  	s29 =	simm.s32 $0x2;
	v16 =	vadd.s32 s24, v0;
	v17 =	vld.idx.msk [tilespmem:v19+s17+$0x0], $0xffff;
	v18 =	vand.u32 $0xF80, v18  }
.LBB2_11:
0x209: {  	p0 =	sne.s32 s29, $0x1F;
	v19 =	vand.u32 $0x1F, v16;
	v18 =	vor.u32 v14, v18  }
0x20a: {  	v19 =	vor.u32 v1, v19;
	_ =	sdelay $0x3  }
0x20b: {  	v16 =	vshll.u32 v16, $0x7;
	[tilespmem:v18+s16+$0x0] =	vst.idx.msk $0xffff, v17  }
0x20c: {  	v16 =	vand.u32 $0xF80, v16;
	v18 =	vadd.s32 s24, v2;
	v17 =	vld.idx.msk [tilespmem:v19+s17+$0x0], $0xffff  }
0x20d: {  	v16 =	vor.u32 v0, v16;
	v19 =	vand.u32 $0x1F, v18  }
0x20e: {  	v19 =	vor.u32 v3, v19;
	_ =	sdelay $0x3  }
0x20f: {  	[tilespmem:v16+s16+$0x0] =	vst.idx.msk $0xffff, v17;
	v16 =	vshll.u32 v18, $0x7  }
0x210: {  	v18 =	vadd.s32 s24, v4;
	v17 =	vld.idx.msk [tilespmem:v19+s17+$0x0], $0xffff;
	v16 =	vand.u32 $0xF80, v16  }
0x211: {  	v19 =	vand.u32 $0x1F, v18;
	v16 =	vor.u32 v2, v16  }
0x212: {  	v19 =	vor.u32 v5, v19;
	_ =	sdelay $0x3  }
0x213: {  	[tilespmem:v16+s16+$0x0] =	vst.idx.msk $0xffff, v17;
	v16 =	vshll.u32 v18, $0x7  }
0x214: {  	v18 =	vadd.s32 s24, v6;
	v17 =	vld.idx.msk [tilespmem:v19+s17+$0x0], $0xffff;
	v16 =	vand.u32 $0xF80, v16  }
0x215: {  	v19 =	vand.u32 $0x1F, v18;
	v16 =	vor.u32 v4, v16  }
0x216: {  	v19 =	vor.u32 v7, v19;
	_ =	sdelay $0x3  }
0x217: {  	[tilespmem:v16+s16+$0x0] =	vst.idx.msk $0xffff, v17;
	v16 =	vshll.u32 v18, $0x7  }
0x218: {  	v18 =	vadd.s32 s24, v8;
	v17 =	vld.idx.msk [tilespmem:v19+s17+$0x0], $0xffff;
	v16 =	vand.u32 $0xF80, v16  }
0x219: {  	v19 =	vand.u32 $0x1F, v18;
	v16 =	vor.u32 v6, v16  }
0x21a: {  	v19 =	vor.u32 v9, v19;
	_ =	sdelay $0x3  }
0x21b: {  	[tilespmem:v16+s16+$0x0] =	vst.idx.msk $0xffff, v17;
	v16 =	vshll.u32 v18, $0x7  }
0x21c: {  	v18 =	vadd.s32 s24, v10;
	v17 =	vld.idx.msk [tilespmem:v19+s17+$0x0], $0xffff;
	v16 =	vand.u32 $0xF80, v16  }
0x21d: {  	v19 =	vand.u32 $0x1F, v18;
	v16 =	vor.u32 v8, v16  }
0x21e: {  	v19 =	vor.u32 v11, v19;
	_ =	sdelay $0x3  }
0x21f: {  	[tilespmem:v16+s16+$0x0] =	vst.idx.msk $0xffff, v17;
	v16 =	vshll.u32 v18, $0x7  }
0x220: {  	v18 =	vadd.s32 s24, v12;
	v17 =	vld.idx.msk [tilespmem:v19+s17+$0x0], $0xffff;
	v16 =	vand.u32 $0xF80, v16  }
0x221: {  	v19 =	vand.u32 $0x1F, v18;
	v16 =	vor.u32 v10, v16  }
0x222: {  	v19 =	vor.u32 v13, v19;
	_ =	sdelay $0x3  }
0x223: {  	[tilespmem:v16+s16+$0x0] =	vst.idx.msk $0xffff, v17;
	v16 =	vshll.u32 v18, $0x7  }
0x224: {  	v18 =	vadd.s32 s24, v14;
	s24 =	smov.u32 s29;
	v17 =	vld.idx.msk [tilespmem:v19+s17+$0x0], $0xffff;
	v16 =	vand.u32 $0xF80, v16  }
0x225: {  	v19 =	vand.u32 $0x1F, v18;
	v16 =	vor.u32 v12, v16  }
0x226: {  	v19 =	vor.u32 v15, v19  }
.Ltmp6:
0x227: {  	(pc) =	sbr.rel @p0 .LBB2_11-.Ltmp6, $3  }
0x228: {  	_ =	sdelay $0x1  }
0x229: {  	v18 =	vshll.u32 v18, $0x7;
	[tilespmem:v16+s16+$0x0] =	vst.idx.msk $0xffff, v17  }
0x22a: {  	s29 =	sadd.s32 $0x1, s29;
	v18 =	vand.u32 $0xF80, v18;
	v16 =	vadd.s32 s24, v0;
	v17 =	vld.idx.msk [tilespmem:v19+s17+$0x0], $0xffff  }
0x22b: {  	v19 =	vand.u32 $0x1F, v16;
	v18 =	vor.u32 v14, v18  }
0x22c: {  	v19 =	vor.u32 v1, v19;
	_ =	sdelay $0x2  }
0x22d: {  	v16 =	vshll.u32 v16, $0x7  }
0x22e: {  	v16 =	vand.u32 $0xF80, v16;
	[tilespmem:v18+s16+$0x0] =	vst.idx.msk $0xffff, v17;
	v17 =	vadd.s32 s24, v2  }
0x22f: {  	v16 =	vor.u32 v0, v16;
	v18 =	vld.idx.msk [tilespmem:v19+s17+$0x0], $0xffff;
	v19 =	vand.u32 $0x1F, v17  }
0x230: {  	v19 =	vor.u32 v3, v19;
	_ =	sdelay $0x2  }
0x231: {  	v17 =	vshll.u32 v17, $0x7  }
0x232: {  	[tilespmem:v16+s16+$0x0] =	vst.idx.msk $0xffff, v18;
	v16 =	vand.u32 $0xF80, v17;
	v17 =	vadd.s32 s24, v4  }
0x233: {  	v18 =	vld.idx.msk [tilespmem:v19+s17+$0x0], $0xffff;
	v16 =	vor.u32 v2, v16;
	v19 =	vand.u32 $0x1F, v17  }
0x234: {  	v19 =	vor.u32 v5, v19;
	_ =	sdelay $0x2  }
0x235: {  	v17 =	vshll.u32 v17, $0x7  }
0x236: {  	[tilespmem:v16+s16+$0x0] =	vst.idx.msk $0xffff, v18;
	v16 =	vand.u32 $0xF80, v17;
	v17 =	vadd.s32 s24, v6  }
0x237: {  	v18 =	vld.idx.msk [tilespmem:v19+s17+$0x0], $0xffff;
	v16 =	vor.u32 v4, v16;
	v19 =	vand.u32 $0x1F, v17  }
0x238: {  	v19 =	vor.u32 v7, v19;
	_ =	sdelay $0x2  }
0x239: {  	v17 =	vshll.u32 v17, $0x7  }
0x23a: {  	[tilespmem:v16+s16+$0x0] =	vst.idx.msk $0xffff, v18;
	v16 =	vand.u32 $0xF80, v17;
	v17 =	vadd.s32 s24, v8  }
0x23b: {  	v18 =	vld.idx.msk [tilespmem:v19+s17+$0x0], $0xffff;
	v16 =	vor.u32 v6, v16;
	v19 =	vand.u32 $0x1F, v17  }
0x23c: {  	v19 =	vor.u32 v9, v19;
	_ =	sdelay $0x2  }
0x23d: {  	v17 =	vshll.u32 v17, $0x7  }
0x23e: {  	[tilespmem:v16+s16+$0x0] =	vst.idx.msk $0xffff, v18;
	v16 =	vand.u32 $0xF80, v17;
	v17 =	vadd.s32 s24, v10  }
0x23f: {  	v18 =	vld.idx.msk [tilespmem:v19+s17+$0x0], $0xffff;
	v16 =	vor.u32 v8, v16;
	v19 =	vand.u32 $0x1F, v17  }
0x240: {  	v19 =	vor.u32 v11, v19;
	_ =	sdelay $0x2  }
0x241: {  	v17 =	vshll.u32 v17, $0x7  }
0x242: {  	[tilespmem:v16+s16+$0x0] =	vst.idx.msk $0xffff, v18;
	v16 =	vand.u32 $0xF80, v17;
	v17 =	vadd.s32 s24, v12  }
0x243: {  	v18 =	vld.idx.msk [tilespmem:v19+s17+$0x0], $0xffff;
	v16 =	vor.u32 v10, v16;
	v19 =	vand.u32 $0x1F, v17  }
0x244: {  	v19 =	vor.u32 v13, v19;
	_ =	sdelay $0x2  }
0x245: {  	v17 =	vshll.u32 v17, $0x7  }
0x246: {  	[tilespmem:v16+s16+$0x0] =	vst.idx.msk $0xffff, v18;
	v16 =	vand.u32 $0xF80, v17;
	v17 =	vadd.s32 s24, v14  }
0x247: {  	v18 =	vld.idx.msk [tilespmem:v19+s17+$0x0], $0xffff;
	v16 =	vor.u32 v12, v16;
	v19 =	vand.u32 $0x1F, v17  }
0x248: {  	v19 =	vor.u32 v15, v19;
	_ =	sdelay $0x2  }
0x249: {  	v17 =	vshll.u32 v17, $0x7  }
0x24a: {  	[tilespmem:v16+s16+$0x0] =	vst.idx.msk $0xffff, v18;
	v16 =	vand.u32 $0xF80, v17  }
0x24b: {  	v17 =	vld.idx.msk [tilespmem:v19+s17+$0x0], $0xffff;
	v16 =	vor.u32 v14, v16  }
0x24c: {  	s29 =	sadd.s32 $0x4, s8  }
0x24d: {  	s31 =	sshll.u32 s29, $0x7  }
0x24e: {  	s29 =	sshll.u32 s29, $0x9;
	s31 =	sand.u32 $0xE00, s31;
	s24 =	simm.s32 $0x0  }
0x24f: {  	s29 =	sand.u32 $0xFFFC000, s29;
	s31 =	sadd.s32 s2, s31;
	v18 =	vadd.s32 s24, v0  }
0x250: {  	s29 =	sadd.s32 s29, s31;
	v19 =	vand.u32 $0x1F, v18;
	[tilespmem:v16+s16+$0x0] =	vst.idx.msk $0xffff, v17  }
0x251: {  	v16 =	vor.u32 v1, v19;
	[hbm4b:s29+s26] =	stream.strided.scatter [tilespmem:s16], [sflag:$0xD], $0x1000, s28, s26, $0x38;
	[tilespmem:$0x16400] =	vst v63  }
0x252: {  	s29 =	simm.s32 $0x6  }
0x253: {  	_ =	swait.ge [sflag:s29], $0x1000  }
0x254: {  	v17 =	vshll.u32 v18, $0x7;
	[sflag:s29] =	ssyncset.done $0x0  }
0x255: {  	v18 =	vadd.s32 s24, v2;
	v17 =	vand.u32 $0xF80, v17;
	[sflag:s29] =	ssyncadd.s32 $0xFFFFF000  }
0x256: {  	v19 =	vand.u32 $0x1F, v18;
	v17 =	vor.u32 v0, v17;
	v16 =	vld.idx.msk [tilespmem:v16+s19+$0x0], $0xffff  }
0x257: {  	v19 =	vor.u32 v3, v19;
	_ =	sdelay $0x2  }
0x258: {  	v18 =	vshll.u32 v18, $0x7  }
0x259: {  	[tilespmem:v17+s20+$0x0] =	vst.idx.msk $0xffff, v16;
	v16 =	vand.u32 $0xF80, v18;
	v17 =	vadd.s32 s24, v4  }
0x25a: {  	v18 =	vld.idx.msk [tilespmem:v19+s19+$0x0], $0xffff;
	v16 =	vor.u32 v2, v16;
	v19 =	vand.u32 $0x1F, v17  }
0x25b: {  	v19 =	vor.u32 v5, v19;
	_ =	sdelay $0x2  }
0x25c: {  	v17 =	vshll.u32 v17, $0x7  }
0x25d: {  	[tilespmem:v16+s20+$0x0] =	vst.idx.msk $0xffff, v18;
	v16 =	vand.u32 $0xF80, v17;
	v17 =	vadd.s32 s24, v6  }
0x25e: {  	v18 =	vld.idx.msk [tilespmem:v19+s19+$0x0], $0xffff;
	v16 =	vor.u32 v4, v16;
	v19 =	vand.u32 $0x1F, v17  }
0x25f: {  	v19 =	vor.u32 v7, v19;
	_ =	sdelay $0x2  }
0x260: {  	v17 =	vshll.u32 v17, $0x7  }
0x261: {  	[tilespmem:v16+s20+$0x0] =	vst.idx.msk $0xffff, v18;
	v16 =	vand.u32 $0xF80, v17;
	v17 =	vadd.s32 s24, v8  }
0x262: {  	v18 =	vld.idx.msk [tilespmem:v19+s19+$0x0], $0xffff;
	v16 =	vor.u32 v6, v16;
	v19 =	vand.u32 $0x1F, v17  }
0x263: {  	v19 =	vor.u32 v9, v19;
	_ =	sdelay $0x2  }
0x264: {  	v17 =	vshll.u32 v17, $0x7  }
0x265: {  	[tilespmem:v16+s20+$0x0] =	vst.idx.msk $0xffff, v18;
	v16 =	vand.u32 $0xF80, v17;
	v17 =	vadd.s32 s24, v10  }
0x266: {  	v18 =	vld.idx.msk [tilespmem:v19+s19+$0x0], $0xffff;
	v16 =	vor.u32 v8, v16;
	v19 =	vand.u32 $0x1F, v17  }
0x267: {  	v19 =	vor.u32 v11, v19;
	_ =	sdelay $0x2  }
0x268: {  	v17 =	vshll.u32 v17, $0x7  }
0x269: {  	[tilespmem:v16+s20+$0x0] =	vst.idx.msk $0xffff, v18;
	v16 =	vand.u32 $0xF80, v17;
	v17 =	vadd.s32 s24, v12  }
0x26a: {  	v18 =	vld.idx.msk [tilespmem:v19+s19+$0x0], $0xffff;
	v16 =	vor.u32 v10, v16;
	v19 =	vand.u32 $0x1F, v17  }
0x26b: {  	v19 =	vor.u32 v13, v19;
	_ =	sdelay $0x2  }
0x26c: {  	v17 =	vshll.u32 v17, $0x7  }
0x26d: {  	[tilespmem:v16+s20+$0x0] =	vst.idx.msk $0xffff, v18;
	v16 =	vand.u32 $0xF80, v17;
	v17 =	vadd.s32 s24, v14  }
0x26e: {  	v18 =	vld.idx.msk [tilespmem:v19+s19+$0x0], $0xffff;
	v16 =	vor.u32 v12, v16;
	v19 =	vand.u32 $0x1F, v17  }
0x26f: {  	v19 =	vor.u32 v15, v19;
	_ =	sdelay $0x3  }
0x270: {  	s24 =	simm.s32 $0x1;
	[tilespmem:v16+s20+$0x0] =	vst.idx.msk $0xffff, v18;
	v18 =	vshll.u32 v17, $0x7  }
0x271: {  	s29 =	simm.s32 $0x2;
	v16 =	vadd.s32 s24, v0;
	v17 =	vld.idx.msk [tilespmem:v19+s19+$0x0], $0xffff;
	v18 =	vand.u32 $0xF80, v18  }
.LBB2_13:
0x272: {  	p0 =	sne.s32 s29, $0x1F;
	v19 =	vand.u32 $0x1F, v16;
	v18 =	vor.u32 v14, v18  }
0x273: {  	v19 =	vor.u32 v1, v19;
	_ =	sdelay $0x3  }
0x274: {  	v16 =	vshll.u32 v16, $0x7;
	[tilespmem:v18+s20+$0x0] =	vst.idx.msk $0xffff, v17  }
0x275: {  	v16 =	vand.u32 $0xF80, v16;
	v18 =	vadd.s32 s24, v2;
	v17 =	vld.idx.msk [tilespmem:v19+s19+$0x0], $0xffff  }
0x276: {  	v16 =	vor.u32 v0, v16;
	v19 =	vand.u32 $0x1F, v18  }
0x277: {  	v19 =	vor.u32 v3, v19;
	_ =	sdelay $0x3  }
0x278: {  	[tilespmem:v16+s20+$0x0] =	vst.idx.msk $0xffff, v17;
	v16 =	vshll.u32 v18, $0x7  }
0x279: {  	v18 =	vadd.s32 s24, v4;
	v17 =	vld.idx.msk [tilespmem:v19+s19+$0x0], $0xffff;
	v16 =	vand.u32 $0xF80, v16  }
0x27a: {  	v19 =	vand.u32 $0x1F, v18;
	v16 =	vor.u32 v2, v16  }
0x27b: {  	v19 =	vor.u32 v5, v19;
	_ =	sdelay $0x3  }
0x27c: {  	[tilespmem:v16+s20+$0x0] =	vst.idx.msk $0xffff, v17;
	v16 =	vshll.u32 v18, $0x7  }
0x27d: {  	v18 =	vadd.s32 s24, v6;
	v17 =	vld.idx.msk [tilespmem:v19+s19+$0x0], $0xffff;
	v16 =	vand.u32 $0xF80, v16  }
0x27e: {  	v19 =	vand.u32 $0x1F, v18;
	v16 =	vor.u32 v4, v16  }
0x27f: {  	v19 =	vor.u32 v7, v19;
	_ =	sdelay $0x3  }
0x280: {  	[tilespmem:v16+s20+$0x0] =	vst.idx.msk $0xffff, v17;
	v16 =	vshll.u32 v18, $0x7  }
0x281: {  	v18 =	vadd.s32 s24, v8;
	v17 =	vld.idx.msk [tilespmem:v19+s19+$0x0], $0xffff;
	v16 =	vand.u32 $0xF80, v16  }
0x282: {  	v19 =	vand.u32 $0x1F, v18;
	v16 =	vor.u32 v6, v16  }
0x283: {  	v19 =	vor.u32 v9, v19;
	_ =	sdelay $0x3  }
0x284: {  	[tilespmem:v16+s20+$0x0] =	vst.idx.msk $0xffff, v17;
	v16 =	vshll.u32 v18, $0x7  }
0x285: {  	v18 =	vadd.s32 s24, v10;
	v17 =	vld.idx.msk [tilespmem:v19+s19+$0x0], $0xffff;
	v16 =	vand.u32 $0xF80, v16  }
0x286: {  	v19 =	vand.u32 $0x1F, v18;
	v16 =	vor.u32 v8, v16  }
0x287: {  	v19 =	vor.u32 v11, v19;
	_ =	sdelay $0x3  }
0x288: {  	[tilespmem:v16+s20+$0x0] =	vst.idx.msk $0xffff, v17;
	v16 =	vshll.u32 v18, $0x7  }
0x289: {  	v18 =	vadd.s32 s24, v12;
	v17 =	vld.idx.msk [tilespmem:v19+s19+$0x0], $0xffff;
	v16 =	vand.u32 $0xF80, v16  }
0x28a: {  	v19 =	vand.u32 $0x1F, v18;
	v16 =	vor.u32 v10, v16  }
0x28b: {  	v19 =	vor.u32 v13, v19;
	_ =	sdelay $0x3  }
0x28c: {  	[tilespmem:v16+s20+$0x0] =	vst.idx.msk $0xffff, v17;
	v16 =	vshll.u32 v18, $0x7  }
0x28d: {  	v18 =	vadd.s32 s24, v14;
	s24 =	smov.u32 s29;
	v17 =	vld.idx.msk [tilespmem:v19+s19+$0x0], $0xffff;
	v16 =	vand.u32 $0xF80, v16  }
0x28e: {  	v19 =	vand.u32 $0x1F, v18;
	v16 =	vor.u32 v12, v16  }
0x28f: {  	v19 =	vor.u32 v15, v19  }
.Ltmp7:
0x290: {  	(pc) =	sbr.rel @p0 .LBB2_13-.Ltmp7, $3  }
0x291: {  	_ =	sdelay $0x1  }
0x292: {  	v18 =	vshll.u32 v18, $0x7;
	[tilespmem:v16+s20+$0x0] =	vst.idx.msk $0xffff, v17  }
0x293: {  	s29 =	sadd.s32 $0x1, s29;
	v18 =	vand.u32 $0xF80, v18;
	v16 =	vadd.s32 s24, v0;
	v17 =	vld.idx.msk [tilespmem:v19+s19+$0x0], $0xffff  }
0x294: {  	v19 =	vand.u32 $0x1F, v16;
	v18 =	vor.u32 v14, v18  }
0x295: {  	v19 =	vor.u32 v1, v19;
	_ =	sdelay $0x2  }
0x296: {  	v16 =	vshll.u32 v16, $0x7  }
0x297: {  	v16 =	vand.u32 $0xF80, v16;
	[tilespmem:v18+s20+$0x0] =	vst.idx.msk $0xffff, v17;
	v17 =	vadd.s32 s24, v2  }
0x298: {  	v16 =	vor.u32 v0, v16;
	v18 =	vld.idx.msk [tilespmem:v19+s19+$0x0], $0xffff;
	v19 =	vand.u32 $0x1F, v17  }
0x299: {  	v19 =	vor.u32 v3, v19;
	_ =	sdelay $0x2  }
0x29a: {  	v17 =	vshll.u32 v17, $0x7  }
0x29b: {  	[tilespmem:v16+s20+$0x0] =	vst.idx.msk $0xffff, v18;
	v16 =	vand.u32 $0xF80, v17;
	v17 =	vadd.s32 s24, v4  }
0x29c: {  	v18 =	vld.idx.msk [tilespmem:v19+s19+$0x0], $0xffff;
	v16 =	vor.u32 v2, v16;
	v19 =	vand.u32 $0x1F, v17  }
0x29d: {  	v19 =	vor.u32 v5, v19;
	_ =	sdelay $0x2  }
0x29e: {  	v17 =	vshll.u32 v17, $0x7  }
0x29f: {  	[tilespmem:v16+s20+$0x0] =	vst.idx.msk $0xffff, v18;
	v16 =	vand.u32 $0xF80, v17;
	v17 =	vadd.s32 s24, v6  }
0x2a0: {  	v18 =	vld.idx.msk [tilespmem:v19+s19+$0x0], $0xffff;
	v16 =	vor.u32 v4, v16;
	v19 =	vand.u32 $0x1F, v17  }
0x2a1: {  	v19 =	vor.u32 v7, v19;
	_ =	sdelay $0x2  }
0x2a2: {  	v17 =	vshll.u32 v17, $0x7  }
0x2a3: {  	[tilespmem:v16+s20+$0x0] =	vst.idx.msk $0xffff, v18;
	v16 =	vand.u32 $0xF80, v17;
	v17 =	vadd.s32 s24, v8  }
0x2a4: {  	v18 =	vld.idx.msk [tilespmem:v19+s19+$0x0], $0xffff;
	v16 =	vor.u32 v6, v16;
	v19 =	vand.u32 $0x1F, v17  }
0x2a5: {  	v19 =	vor.u32 v9, v19;
	_ =	sdelay $0x2  }
0x2a6: {  	v17 =	vshll.u32 v17, $0x7  }
0x2a7: {  	[tilespmem:v16+s20+$0x0] =	vst.idx.msk $0xffff, v18;
	v16 =	vand.u32 $0xF80, v17;
	v17 =	vadd.s32 s24, v10  }
0x2a8: {  	v18 =	vld.idx.msk [tilespmem:v19+s19+$0x0], $0xffff;
	v16 =	vor.u32 v8, v16;
	v19 =	vand.u32 $0x1F, v17  }
0x2a9: {  	v19 =	vor.u32 v11, v19;
	_ =	sdelay $0x2  }
0x2aa: {  	v17 =	vshll.u32 v17, $0x7  }
0x2ab: {  	[tilespmem:v16+s20+$0x0] =	vst.idx.msk $0xffff, v18;
	v16 =	vand.u32 $0xF80, v17;
	v17 =	vadd.s32 s24, v12  }
0x2ac: {  	v18 =	vld.idx.msk [tilespmem:v19+s19+$0x0], $0xffff;
	v16 =	vor.u32 v10, v16;
	v19 =	vand.u32 $0x1F, v17  }
0x2ad: {  	v19 =	vor.u32 v13, v19;
	_ =	sdelay $0x2  }
0x2ae: {  	v17 =	vshll.u32 v17, $0x7  }
0x2af: {  	[tilespmem:v16+s20+$0x0] =	vst.idx.msk $0xffff, v18;
	v16 =	vand.u32 $0xF80, v17;
	v17 =	vadd.s32 s24, v14  }
0x2b0: {  	v18 =	vld.idx.msk [tilespmem:v19+s19+$0x0], $0xffff;
	v16 =	vor.u32 v12, v16;
	v19 =	vand.u32 $0x1F, v17  }
0x2b1: {  	v19 =	vor.u32 v15, v19;
	_ =	sdelay $0x2  }
0x2b2: {  	v17 =	vshll.u32 v17, $0x7  }
0x2b3: {  	[tilespmem:v16+s20+$0x0] =	vst.idx.msk $0xffff, v18;
	v16 =	vand.u32 $0xF80, v17  }
0x2b4: {  	v17 =	vld.idx.msk [tilespmem:v19+s19+$0x0], $0xffff;
	v16 =	vor.u32 v14, v16  }
0x2b5: {  	s29 =	sadd.s32 $0x5, s8  }
0x2b6: {  	s31 =	sshll.u32 s29, $0x7  }
0x2b7: {  	s29 =	sshll.u32 s29, $0x9;
	s31 =	sand.u32 $0xE80, s31;
	s24 =	simm.s32 $0x0  }
0x2b8: {  	s29 =	sand.u32 $0xFFFC000, s29;
	s31 =	sadd.s32 s2, s31;
	v18 =	vadd.s32 s24, v0  }
0x2b9: {  	s29 =	sadd.s32 s29, s31;
	v19 =	vand.u32 $0x1F, v18;
	[tilespmem:v16+s20+$0x0] =	vst.idx.msk $0xffff, v17  }
0x2ba: {  	v16 =	vor.u32 v1, v19;
	[hbm4b:s29+s26] =	stream.strided.scatter [tilespmem:s20], [sflag:$0xE], $0x1000, s28, s26, $0x38;
	[tilespmem:$0x16400] =	vst v63  }
0x2bb: {  	s29 =	simm.s32 $0x7  }
0x2bc: {  	_ =	swait.ge [sflag:s29], $0x1000  }
0x2bd: {  	v17 =	vshll.u32 v18, $0x7;
	[sflag:s29] =	ssyncset.done $0x0  }
0x2be: {  	v18 =	vadd.s32 s24, v2;
	v17 =	vand.u32 $0xF80, v17;
	[sflag:s29] =	ssyncadd.s32 $0xFFFFF000  }
0x2bf: {  	v19 =	vand.u32 $0x1F, v18;
	v17 =	vor.u32 v0, v17;
	v16 =	vld.idx.msk [tilespmem:v16+s21+$0x0], $0xffff  }
0x2c0: {  	v19 =	vor.u32 v3, v19;
	_ =	sdelay $0x2  }
0x2c1: {  	v18 =	vshll.u32 v18, $0x7  }
0x2c2: {  	[tilespmem:v17+s3+$0x0] =	vst.idx.msk $0xffff, v16;
	v16 =	vand.u32 $0xF80, v18;
	v17 =	vadd.s32 s24, v4  }
0x2c3: {  	v18 =	vld.idx.msk [tilespmem:v19+s21+$0x0], $0xffff;
	v16 =	vor.u32 v2, v16;
	v19 =	vand.u32 $0x1F, v17  }
0x2c4: {  	v19 =	vor.u32 v5, v19;
	_ =	sdelay $0x2  }
0x2c5: {  	v17 =	vshll.u32 v17, $0x7  }
0x2c6: {  	[tilespmem:v16+s3+$0x0] =	vst.idx.msk $0xffff, v18;
	v16 =	vand.u32 $0xF80, v17;
	v17 =	vadd.s32 s24, v6  }
0x2c7: {  	v18 =	vld.idx.msk [tilespmem:v19+s21+$0x0], $0xffff;
	v16 =	vor.u32 v4, v16;
	v19 =	vand.u32 $0x1F, v17  }
0x2c8: {  	v19 =	vor.u32 v7, v19;
	_ =	sdelay $0x2  }
0x2c9: {  	v17 =	vshll.u32 v17, $0x7  }
0x2ca: {  	[tilespmem:v16+s3+$0x0] =	vst.idx.msk $0xffff, v18;
	v16 =	vand.u32 $0xF80, v17;
	v17 =	vadd.s32 s24, v8  }
0x2cb: {  	v18 =	vld.idx.msk [tilespmem:v19+s21+$0x0], $0xffff;
	v16 =	vor.u32 v6, v16;
	v19 =	vand.u32 $0x1F, v17  }
0x2cc: {  	v19 =	vor.u32 v9, v19;
	_ =	sdelay $0x2  }
0x2cd: {  	v17 =	vshll.u32 v17, $0x7  }
0x2ce: {  	[tilespmem:v16+s3+$0x0] =	vst.idx.msk $0xffff, v18;
	v16 =	vand.u32 $0xF80, v17;
	v17 =	vadd.s32 s24, v10  }
0x2cf: {  	v18 =	vld.idx.msk [tilespmem:v19+s21+$0x0], $0xffff;
	v16 =	vor.u32 v8, v16;
	v19 =	vand.u32 $0x1F, v17  }
0x2d0: {  	v19 =	vor.u32 v11, v19;
	_ =	sdelay $0x2  }
0x2d1: {  	v17 =	vshll.u32 v17, $0x7  }
0x2d2: {  	[tilespmem:v16+s3+$0x0] =	vst.idx.msk $0xffff, v18;
	v16 =	vand.u32 $0xF80, v17;
	v17 =	vadd.s32 s24, v12  }
0x2d3: {  	v18 =	vld.idx.msk [tilespmem:v19+s21+$0x0], $0xffff;
	v16 =	vor.u32 v10, v16;
	v19 =	vand.u32 $0x1F, v17  }
0x2d4: {  	v19 =	vor.u32 v13, v19;
	_ =	sdelay $0x2  }
0x2d5: {  	v17 =	vshll.u32 v17, $0x7  }
0x2d6: {  	[tilespmem:v16+s3+$0x0] =	vst.idx.msk $0xffff, v18;
	v16 =	vand.u32 $0xF80, v17;
	v17 =	vadd.s32 s24, v14  }
0x2d7: {  	v18 =	vld.idx.msk [tilespmem:v19+s21+$0x0], $0xffff;
	v16 =	vor.u32 v12, v16;
	v19 =	vand.u32 $0x1F, v17  }
0x2d8: {  	v19 =	vor.u32 v15, v19;
	_ =	sdelay $0x3  }
0x2d9: {  	s24 =	simm.s32 $0x1;
	[tilespmem:v16+s3+$0x0] =	vst.idx.msk $0xffff, v18;
	v18 =	vshll.u32 v17, $0x7  }
0x2da: {  	s29 =	simm.s32 $0x2;
	v16 =	vadd.s32 s24, v0;
	v17 =	vld.idx.msk [tilespmem:v19+s21+$0x0], $0xffff;
	v18 =	vand.u32 $0xF80, v18  }
.LBB2_15:
0x2db: {  	p0 =	sne.s32 s29, $0x1F;
	v19 =	vand.u32 $0x1F, v16;
	v18 =	vor.u32 v14, v18  }
0x2dc: {  	v19 =	vor.u32 v1, v19;
	_ =	sdelay $0x3  }
0x2dd: {  	v16 =	vshll.u32 v16, $0x7;
	[tilespmem:v18+s3+$0x0] =	vst.idx.msk $0xffff, v17  }
0x2de: {  	v16 =	vand.u32 $0xF80, v16;
	v18 =	vadd.s32 s24, v2;
	v17 =	vld.idx.msk [tilespmem:v19+s21+$0x0], $0xffff  }
0x2df: {  	v16 =	vor.u32 v0, v16;
	v19 =	vand.u32 $0x1F, v18  }
0x2e0: {  	v19 =	vor.u32 v3, v19;
	_ =	sdelay $0x3  }
0x2e1: {  	[tilespmem:v16+s3+$0x0] =	vst.idx.msk $0xffff, v17;
	v16 =	vshll.u32 v18, $0x7  }
0x2e2: {  	v18 =	vadd.s32 s24, v4;
	v17 =	vld.idx.msk [tilespmem:v19+s21+$0x0], $0xffff;
	v16 =	vand.u32 $0xF80, v16  }
0x2e3: {  	v19 =	vand.u32 $0x1F, v18;
	v16 =	vor.u32 v2, v16  }
0x2e4: {  	v19 =	vor.u32 v5, v19;
	_ =	sdelay $0x3  }
0x2e5: {  	[tilespmem:v16+s3+$0x0] =	vst.idx.msk $0xffff, v17;
	v16 =	vshll.u32 v18, $0x7  }
0x2e6: {  	v18 =	vadd.s32 s24, v6;
	v17 =	vld.idx.msk [tilespmem:v19+s21+$0x0], $0xffff;
	v16 =	vand.u32 $0xF80, v16  }
0x2e7: {  	v19 =	vand.u32 $0x1F, v18;
	v16 =	vor.u32 v4, v16  }
0x2e8: {  	v19 =	vor.u32 v7, v19;
	_ =	sdelay $0x3  }
0x2e9: {  	[tilespmem:v16+s3+$0x0] =	vst.idx.msk $0xffff, v17;
	v16 =	vshll.u32 v18, $0x7  }
0x2ea: {  	v18 =	vadd.s32 s24, v8;
	v17 =	vld.idx.msk [tilespmem:v19+s21+$0x0], $0xffff;
	v16 =	vand.u32 $0xF80, v16  }
0x2eb: {  	v19 =	vand.u32 $0x1F, v18;
	v16 =	vor.u32 v6, v16  }
0x2ec: {  	v19 =	vor.u32 v9, v19;
	_ =	sdelay $0x3  }
0x2ed: {  	[tilespmem:v16+s3+$0x0] =	vst.idx.msk $0xffff, v17;
	v16 =	vshll.u32 v18, $0x7  }
0x2ee: {  	v18 =	vadd.s32 s24, v10;
	v17 =	vld.idx.msk [tilespmem:v19+s21+$0x0], $0xffff;
	v16 =	vand.u32 $0xF80, v16  }
0x2ef: {  	v19 =	vand.u32 $0x1F, v18;
	v16 =	vor.u32 v8, v16  }
0x2f0: {  	v19 =	vor.u32 v11, v19;
	_ =	sdelay $0x3  }
0x2f1: {  	[tilespmem:v16+s3+$0x0] =	vst.idx.msk $0xffff, v17;
	v16 =	vshll.u32 v18, $0x7  }
0x2f2: {  	v18 =	vadd.s32 s24, v12;
	v17 =	vld.idx.msk [tilespmem:v19+s21+$0x0], $0xffff;
	v16 =	vand.u32 $0xF80, v16  }
0x2f3: {  	v19 =	vand.u32 $0x1F, v18;
	v16 =	vor.u32 v10, v16  }
0x2f4: {  	v19 =	vor.u32 v13, v19;
	_ =	sdelay $0x3  }
0x2f5: {  	[tilespmem:v16+s3+$0x0] =	vst.idx.msk $0xffff, v17;
	v16 =	vshll.u32 v18, $0x7  }
0x2f6: {  	v18 =	vadd.s32 s24, v14;
	s24 =	smov.u32 s29;
	v17 =	vld.idx.msk [tilespmem:v19+s21+$0x0], $0xffff;
	v16 =	vand.u32 $0xF80, v16  }
0x2f7: {  	v19 =	vand.u32 $0x1F, v18;
	v16 =	vor.u32 v12, v16  }
0x2f8: {  	v19 =	vor.u32 v15, v19  }
.Ltmp8:
0x2f9: {  	(pc) =	sbr.rel @p0 .LBB2_15-.Ltmp8, $3  }
0x2fa: {  	_ =	sdelay $0x1  }
0x2fb: {  	v18 =	vshll.u32 v18, $0x7;
	[tilespmem:v16+s3+$0x0] =	vst.idx.msk $0xffff, v17  }
0x2fc: {  	s29 =	sadd.s32 $0x1, s29;
	v18 =	vand.u32 $0xF80, v18;
	v16 =	vadd.s32 s24, v0;
	v17 =	vld.idx.msk [tilespmem:v19+s21+$0x0], $0xffff  }
0x2fd: {  	v19 =	vand.u32 $0x1F, v16;
	v18 =	vor.u32 v14, v18  }
0x2fe: {  	v19 =	vor.u32 v1, v19;
	_ =	sdelay $0x2  }
0x2ff: {  	v16 =	vshll.u32 v16, $0x7  }
0x300: {  	v16 =	vand.u32 $0xF80, v16;
	[tilespmem:v18+s3+$0x0] =	vst.idx.msk $0xffff, v17;
	v17 =	vadd.s32 s24, v2  }
0x301: {  	v16 =	vor.u32 v0, v16;
	v18 =	vld.idx.msk [tilespmem:v19+s21+$0x0], $0xffff;
	v19 =	vand.u32 $0x1F, v17  }
0x302: {  	v19 =	vor.u32 v3, v19;
	_ =	sdelay $0x2  }
0x303: {  	v17 =	vshll.u32 v17, $0x7  }
0x304: {  	[tilespmem:v16+s3+$0x0] =	vst.idx.msk $0xffff, v18;
	v16 =	vand.u32 $0xF80, v17;
	v17 =	vadd.s32 s24, v4  }
0x305: {  	v18 =	vld.idx.msk [tilespmem:v19+s21+$0x0], $0xffff;
	v16 =	vor.u32 v2, v16;
	v19 =	vand.u32 $0x1F, v17  }
0x306: {  	v19 =	vor.u32 v5, v19;
	_ =	sdelay $0x2  }
0x307: {  	v17 =	vshll.u32 v17, $0x7  }
0x308: {  	[tilespmem:v16+s3+$0x0] =	vst.idx.msk $0xffff, v18;
	v16 =	vand.u32 $0xF80, v17;
	v17 =	vadd.s32 s24, v6  }
0x309: {  	v18 =	vld.idx.msk [tilespmem:v19+s21+$0x0], $0xffff;
	v16 =	vor.u32 v4, v16;
	v19 =	vand.u32 $0x1F, v17  }
0x30a: {  	v19 =	vor.u32 v7, v19;
	_ =	sdelay $0x2  }
0x30b: {  	v17 =	vshll.u32 v17, $0x7  }
0x30c: {  	[tilespmem:v16+s3+$0x0] =	vst.idx.msk $0xffff, v18;
	v16 =	vand.u32 $0xF80, v17;
	v17 =	vadd.s32 s24, v8  }
0x30d: {  	v18 =	vld.idx.msk [tilespmem:v19+s21+$0x0], $0xffff;
	v16 =	vor.u32 v6, v16;
	v19 =	vand.u32 $0x1F, v17  }
0x30e: {  	v19 =	vor.u32 v9, v19;
	_ =	sdelay $0x2  }
0x30f: {  	v17 =	vshll.u32 v17, $0x7  }
0x310: {  	[tilespmem:v16+s3+$0x0] =	vst.idx.msk $0xffff, v18;
	v16 =	vand.u32 $0xF80, v17;
	v17 =	vadd.s32 s24, v10  }
0x311: {  	v18 =	vld.idx.msk [tilespmem:v19+s21+$0x0], $0xffff;
	v16 =	vor.u32 v8, v16;
	v19 =	vand.u32 $0x1F, v17  }
0x312: {  	v19 =	vor.u32 v11, v19;
	_ =	sdelay $0x2  }
0x313: {  	v17 =	vshll.u32 v17, $0x7  }
0x314: {  	[tilespmem:v16+s3+$0x0] =	vst.idx.msk $0xffff, v18;
	v16 =	vand.u32 $0xF80, v17;
	v17 =	vadd.s32 s24, v12  }
0x315: {  	v18 =	vld.idx.msk [tilespmem:v19+s21+$0x0], $0xffff;
	v16 =	vor.u32 v10, v16;
	v19 =	vand.u32 $0x1F, v17  }
0x316: {  	v19 =	vor.u32 v13, v19;
	_ =	sdelay $0x2  }
0x317: {  	v17 =	vshll.u32 v17, $0x7  }
0x318: {  	[tilespmem:v16+s3+$0x0] =	vst.idx.msk $0xffff, v18;
	v16 =	vand.u32 $0xF80, v17;
	v17 =	vadd.s32 s24, v14  }
0x319: {  	v18 =	vld.idx.msk [tilespmem:v19+s21+$0x0], $0xffff;
	v16 =	vor.u32 v12, v16;
	v19 =	vand.u32 $0x1F, v17  }
0x31a: {  	v19 =	vor.u32 v15, v19;
	_ =	sdelay $0x2  }
0x31b: {  	v17 =	vshll.u32 v17, $0x7  }
0x31c: {  	[tilespmem:v16+s3+$0x0] =	vst.idx.msk $0xffff, v18;
	v16 =	vand.u32 $0xF80, v17  }
0x31d: {  	v17 =	vld.idx.msk [tilespmem:v19+s21+$0x0], $0xffff;
	v16 =	vor.u32 v14, v16  }
0x31e: {  	s29 =	sadd.s32 $0x6, s8  }
0x31f: {  	s31 =	sshll.u32 s29, $0x7  }
0x320: {  	s29 =	sshll.u32 s29, $0x9;
	s31 =	sand.u32 $0xF00, s31;
	s24 =	simm.s32 $0x0  }
0x321: {  	s29 =	sand.u32 $0xFFFC000, s29;
	s31 =	sadd.s32 s2, s31;
	v18 =	vadd.s32 s24, v0  }
0x322: {  	s29 =	sadd.s32 s29, s31;
	v19 =	vand.u32 $0x1F, v18;
	[tilespmem:v16+s3+$0x0] =	vst.idx.msk $0xffff, v17  }
0x323: {  	v16 =	vor.u32 v1, v19;
	[hbm4b:s29+s26] =	stream.strided.scatter [tilespmem:s3], [sflag:$0xF], $0x1000, s28, s26, $0x38;
	[tilespmem:$0x16400] =	vst v63  }
0x324: {  	s29 =	simm.s32 $0x8  }
0x325: {  	_ =	swait.ge [sflag:s29], $0x1000  }
0x326: {  	v17 =	vshll.u32 v18, $0x7;
	[sflag:s29] =	ssyncset.done $0x0  }
0x327: {  	v18 =	vadd.s32 s24, v2;
	v17 =	vand.u32 $0xF80, v17;
	[sflag:s29] =	ssyncadd.s32 $0xFFFFF000  }
0x328: {  	v19 =	vand.u32 $0x1F, v18;
	v17 =	vor.u32 v0, v17;
	v16 =	vld.idx.msk [tilespmem:v16+s23+$0x0], $0xffff  }
0x329: {  	v19 =	vor.u32 v3, v19;
	_ =	sdelay $0x2  }
0x32a: {  	v18 =	vshll.u32 v18, $0x7  }
0x32b: {  	[tilespmem:v17+s7+$0x0] =	vst.idx.msk $0xffff, v16;
	v16 =	vand.u32 $0xF80, v18;
	v17 =	vadd.s32 s24, v4  }
0x32c: {  	v18 =	vld.idx.msk [tilespmem:v19+s23+$0x0], $0xffff;
	v16 =	vor.u32 v2, v16;
	v19 =	vand.u32 $0x1F, v17  }
0x32d: {  	v19 =	vor.u32 v5, v19;
	_ =	sdelay $0x2  }
0x32e: {  	v17 =	vshll.u32 v17, $0x7  }
0x32f: {  	[tilespmem:v16+s7+$0x0] =	vst.idx.msk $0xffff, v18;
	v16 =	vand.u32 $0xF80, v17;
	v17 =	vadd.s32 s24, v6  }
0x330: {  	v18 =	vld.idx.msk [tilespmem:v19+s23+$0x0], $0xffff;
	v16 =	vor.u32 v4, v16;
	v19 =	vand.u32 $0x1F, v17  }
0x331: {  	v19 =	vor.u32 v7, v19;
	_ =	sdelay $0x2  }
0x332: {  	v17 =	vshll.u32 v17, $0x7  }
0x333: {  	[tilespmem:v16+s7+$0x0] =	vst.idx.msk $0xffff, v18;
	v16 =	vand.u32 $0xF80, v17;
	v17 =	vadd.s32 s24, v8  }
0x334: {  	v18 =	vld.idx.msk [tilespmem:v19+s23+$0x0], $0xffff;
	v16 =	vor.u32 v6, v16;
	v19 =	vand.u32 $0x1F, v17  }
0x335: {  	v19 =	vor.u32 v9, v19;
	_ =	sdelay $0x2  }
0x336: {  	v17 =	vshll.u32 v17, $0x7  }
0x337: {  	[tilespmem:v16+s7+$0x0] =	vst.idx.msk $0xffff, v18;
	v16 =	vand.u32 $0xF80, v17;
	v17 =	vadd.s32 s24, v10  }
0x338: {  	v18 =	vld.idx.msk [tilespmem:v19+s23+$0x0], $0xffff;
	v16 =	vor.u32 v8, v16;
	v19 =	vand.u32 $0x1F, v17  }
0x339: {  	v19 =	vor.u32 v11, v19;
	_ =	sdelay $0x2  }
0x33a: {  	v17 =	vshll.u32 v17, $0x7  }
0x33b: {  	[tilespmem:v16+s7+$0x0] =	vst.idx.msk $0xffff, v18;
	v16 =	vand.u32 $0xF80, v17;
	v17 =	vadd.s32 s24, v12  }
0x33c: {  	v18 =	vld.idx.msk [tilespmem:v19+s23+$0x0], $0xffff;
	v16 =	vor.u32 v10, v16;
	v19 =	vand.u32 $0x1F, v17  }
0x33d: {  	v19 =	vor.u32 v13, v19;
	_ =	sdelay $0x2  }
0x33e: {  	v17 =	vshll.u32 v17, $0x7  }
0x33f: {  	[tilespmem:v16+s7+$0x0] =	vst.idx.msk $0xffff, v18;
	v16 =	vand.u32 $0xF80, v17;
	v17 =	vadd.s32 s24, v14  }
0x340: {  	v18 =	vld.idx.msk [tilespmem:v19+s23+$0x0], $0xffff;
	v16 =	vor.u32 v12, v16;
	v19 =	vand.u32 $0x1F, v17  }
0x341: {  	v19 =	vor.u32 v15, v19;
	_ =	sdelay $0x3  }
0x342: {  	s24 =	simm.s32 $0x1;
	[tilespmem:v16+s7+$0x0] =	vst.idx.msk $0xffff, v18;
	v18 =	vshll.u32 v17, $0x7  }
0x343: {  	s29 =	simm.s32 $0x2;
	v16 =	vadd.s32 s24, v0;
	v17 =	vld.idx.msk [tilespmem:v19+s23+$0x0], $0xffff;
	v18 =	vand.u32 $0xF80, v18  }
.LBB2_17:
0x344: {  	p0 =	sne.s32 s29, $0x1F;
	v19 =	vand.u32 $0x1F, v16;
	v18 =	vor.u32 v14, v18  }
0x345: {  	v19 =	vor.u32 v1, v19;
	_ =	sdelay $0x3  }
0x346: {  	v16 =	vshll.u32 v16, $0x7;
	[tilespmem:v18+s7+$0x0] =	vst.idx.msk $0xffff, v17  }
0x347: {  	v16 =	vand.u32 $0xF80, v16;
	v18 =	vadd.s32 s24, v2;
	v17 =	vld.idx.msk [tilespmem:v19+s23+$0x0], $0xffff  }
0x348: {  	v16 =	vor.u32 v0, v16;
	v19 =	vand.u32 $0x1F, v18  }
0x349: {  	v19 =	vor.u32 v3, v19;
	_ =	sdelay $0x3  }
0x34a: {  	[tilespmem:v16+s7+$0x0] =	vst.idx.msk $0xffff, v17;
	v16 =	vshll.u32 v18, $0x7  }
0x34b: {  	v18 =	vadd.s32 s24, v4;
	v17 =	vld.idx.msk [tilespmem:v19+s23+$0x0], $0xffff;
	v16 =	vand.u32 $0xF80, v16  }
0x34c: {  	v19 =	vand.u32 $0x1F, v18;
	v16 =	vor.u32 v2, v16  }
0x34d: {  	v19 =	vor.u32 v5, v19;
	_ =	sdelay $0x3  }
0x34e: {  	[tilespmem:v16+s7+$0x0] =	vst.idx.msk $0xffff, v17;
	v16 =	vshll.u32 v18, $0x7  }
0x34f: {  	v18 =	vadd.s32 s24, v6;
	v17 =	vld.idx.msk [tilespmem:v19+s23+$0x0], $0xffff;
	v16 =	vand.u32 $0xF80, v16  }
0x350: {  	v19 =	vand.u32 $0x1F, v18;
	v16 =	vor.u32 v4, v16  }
0x351: {  	v19 =	vor.u32 v7, v19;
	_ =	sdelay $0x3  }
0x352: {  	[tilespmem:v16+s7+$0x0] =	vst.idx.msk $0xffff, v17;
	v16 =	vshll.u32 v18, $0x7  }
0x353: {  	v18 =	vadd.s32 s24, v8;
	v17 =	vld.idx.msk [tilespmem:v19+s23+$0x0], $0xffff;
	v16 =	vand.u32 $0xF80, v16  }
0x354: {  	v19 =	vand.u32 $0x1F, v18;
	v16 =	vor.u32 v6, v16  }
0x355: {  	v19 =	vor.u32 v9, v19;
	_ =	sdelay $0x3  }
0x356: {  	[tilespmem:v16+s7+$0x0] =	vst.idx.msk $0xffff, v17;
	v16 =	vshll.u32 v18, $0x7  }
0x357: {  	v18 =	vadd.s32 s24, v10;
	v17 =	vld.idx.msk [tilespmem:v19+s23+$0x0], $0xffff;
	v16 =	vand.u32 $0xF80, v16  }
0x358: {  	v19 =	vand.u32 $0x1F, v18;
	v16 =	vor.u32 v8, v16  }
0x359: {  	v19 =	vor.u32 v11, v19;
	_ =	sdelay $0x3  }
0x35a: {  	[tilespmem:v16+s7+$0x0] =	vst.idx.msk $0xffff, v17;
	v16 =	vshll.u32 v18, $0x7  }
0x35b: {  	v18 =	vadd.s32 s24, v12;
	v17 =	vld.idx.msk [tilespmem:v19+s23+$0x0], $0xffff;
	v16 =	vand.u32 $0xF80, v16  }
0x35c: {  	v19 =	vand.u32 $0x1F, v18;
	v16 =	vor.u32 v10, v16  }
0x35d: {  	v19 =	vor.u32 v13, v19;
	_ =	sdelay $0x3  }
0x35e: {  	[tilespmem:v16+s7+$0x0] =	vst.idx.msk $0xffff, v17;
	v16 =	vshll.u32 v18, $0x7  }
0x35f: {  	v18 =	vadd.s32 s24, v14;
	s24 =	smov.u32 s29;
	v17 =	vld.idx.msk [tilespmem:v19+s23+$0x0], $0xffff;
	v16 =	vand.u32 $0xF80, v16  }
0x360: {  	v19 =	vand.u32 $0x1F, v18;
	v16 =	vor.u32 v12, v16  }
0x361: {  	v19 =	vor.u32 v15, v19  }
.Ltmp9:
0x362: {  	(pc) =	sbr.rel @p0 .LBB2_17-.Ltmp9, $3  }
0x363: {  	_ =	sdelay $0x1  }
0x364: {  	v18 =	vshll.u32 v18, $0x7;
	[tilespmem:v16+s7+$0x0] =	vst.idx.msk $0xffff, v17  }
0x365: {  	s29 =	sadd.s32 $0x1, s29;
	v18 =	vand.u32 $0xF80, v18;
	v16 =	vadd.s32 s24, v0;
	v17 =	vld.idx.msk [tilespmem:v19+s23+$0x0], $0xffff  }
0x366: {  	v19 =	vand.u32 $0x1F, v16;
	v18 =	vor.u32 v14, v18  }
0x367: {  	v19 =	vor.u32 v1, v19;
	_ =	sdelay $0x2  }
0x368: {  	v16 =	vshll.u32 v16, $0x7  }
0x369: {  	v16 =	vand.u32 $0xF80, v16;
	[tilespmem:v18+s7+$0x0] =	vst.idx.msk $0xffff, v17;
	v17 =	vadd.s32 s24, v2  }
0x36a: {  	v16 =	vor.u32 v0, v16;
	v18 =	vld.idx.msk [tilespmem:v19+s23+$0x0], $0xffff;
	v57 =	vand.u32 $0x1F, v17  }
0x36b: {  	v19 =	vor.u32 v3, v57;
	_ =	sdelay $0x2  }
0x36c: {  	v17 =	vshll.u32 v17, $0x7  }
0x36d: {  	[tilespmem:v16+s7+$0x0] =	vst.idx.msk $0xffff, v18;
	v16 =	vand.u32 $0xF80, v17;
	v17 =	vadd.s32 s24, v4  }
0x36e: {  	v18 =	vld.idx.msk [tilespmem:v19+s23+$0x0], $0xffff;
	v16 =	vor.u32 v2, v16;
	v58 =	vand.u32 $0x1F, v17  }
0x36f: {  	v19 =	vor.u32 v5, v58;
	_ =	sdelay $0x2  }
0x370: {  	v17 =	vshll.u32 v17, $0x7  }
0x371: {  	[tilespmem:v16+s7+$0x0] =	vst.idx.msk $0xffff, v18;
	v16 =	vand.u32 $0xF80, v17;
	v17 =	vadd.s32 s24, v6  }
0x372: {  	v18 =	vld.idx.msk [tilespmem:v19+s23+$0x0], $0xffff;
	v16 =	vor.u32 v4, v16;
	v59 =	vand.u32 $0x1F, v17  }
0x373: {  	v19 =	vor.u32 v7, v59;
	_ =	sdelay $0x2  }
0x374: {  	v17 =	vshll.u32 v17, $0x7  }
0x375: {  	[tilespmem:v16+s7+$0x0] =	vst.idx.msk $0xffff, v18;
	v16 =	vand.u32 $0xF80, v17;
	v17 =	vadd.s32 s24, v8  }
0x376: {  	v18 =	vld.idx.msk [tilespmem:v19+s23+$0x0], $0xffff;
	v16 =	vor.u32 v6, v16;
	v60 =	vand.u32 $0x1F, v17  }
0x377: {  	v19 =	vor.u32 v9, v60;
	_ =	sdelay $0x2  }
0x378: {  	v17 =	vshll.u32 v17, $0x7  }
0x379: {  	[tilespmem:v16+s7+$0x0] =	vst.idx.msk $0xffff, v18;
	v16 =	vand.u32 $0xF80, v17;
	v17 =	vadd.s32 s24, v10  }
0x37a: {  	v18 =	vld.idx.msk [tilespmem:v19+s23+$0x0], $0xffff;
	v16 =	vor.u32 v8, v16;
	v61 =	vand.u32 $0x1F, v17  }
0x37b: {  	v19 =	vor.u32 v11, v61;
	_ =	sdelay $0x2  }
0x37c: {  	v17 =	vshll.u32 v17, $0x7  }
0x37d: {  	[tilespmem:v16+s7+$0x0] =	vst.idx.msk $0xffff, v18;
	v16 =	vand.u32 $0xF80, v17;
	v17 =	vadd.s32 s24, v12  }
0x37e: {  	v18 =	vld.idx.msk [tilespmem:v19+s23+$0x0], $0xffff;
	v16 =	vor.u32 v10, v16;
	v62 =	vand.u32 $0x1F, v17  }
0x37f: {  	v19 =	vor.u32 v13, v62;
	_ =	sdelay $0x2  }
0x380: {  	v17 =	vshll.u32 v17, $0x7  }
0x381: {  	[tilespmem:v16+s7+$0x0] =	vst.idx.msk $0xffff, v18;
	v16 =	vand.u32 $0xF80, v17;
	v17 =	vadd.s32 s24, v14  }
0x382: {  	v18 =	vld.idx.msk [tilespmem:v19+s23+$0x0], $0xffff;
	v16 =	vor.u32 v12, v16;
	v63 =	vand.u32 $0x1F, v17  }
0x383: {  	v19 =	vor.u32 v15, v63;
	_ =	sdelay $0x2  }
0x384: {  	v17 =	vshll.u32 v17, $0x7  }
0x385: {  	[tilespmem:v16+s7+$0x0] =	vst.idx.msk $0xffff, v18;
	v16 =	vand.u32 $0xF80, v17  }
0x386: {  	v17 =	vld.idx.msk [tilespmem:v19+s23+$0x0], $0xffff;
	v16 =	vor.u32 v14, v16  }
0x387: {  	s8 =	sadd.s32 $0x7, s8  }
0x388: {  	s29 =	sshll.u32 s8, $0x7  }
0x389: {  	s8 =	sshll.u32 s8, $0x9;
	s24 =	sand.u32 $0xF80, s29  }
0x38a: {  	p0 =	seq.s32 s6, $0x18;
	s8 =	sand.u32 $0xFFFC000, s8;
	s24 =	sadd.s32 s2, s24  }
.Ltmp10:
0x38b: {  	s31 =	simm.s32 $0x9;
	s8 =	sadd.s32 s8, s24;
	[tilespmem:v16+s7+$0x0] =	vst.idx.msk $0xffff, v17;
	(pc) =	sbr.rel @p0 .LBB2_20-.Ltmp10, $4  }
0x38c: {  	[hbm4b:s8+s26] =	stream.strided.scatter [tilespmem:s7], [sflag:$0x10], $0x1000, s28, s26, $0x38;
	[tilespmem:$0x16400] =	vst v63  }
0x38d: {  	_ =	swait.ge [sflag:s31], $0x1000  }
0x38e: {  	[sflag:s31] =	ssyncset.done $0x0  }
0x38f: {  	[sflag:s31] =	ssyncadd.s32 $0xFFFFF000  }
0x390: {  	s8 =	sshll.u32 s6, $0xA  }
0x391: {  	s8 =	sand.u32 $0x3FFFFC00, s8  }
0x392: {  	s31 =	simm.s32 $0xA;
	s24 =	sadd.s32 $0x400, s8  }
0x393: {  	[tilespmem:s10], [sflag:$0x1] =	stream.indirect.gather [hbm4b:s4+s9], $0x20, s24, s9, $0xb8;
	[tilespmem:$0x16400] =	vst v63  }
0x394: {  	_ =	swait.ge [sflag:s31], $0x1000  }
0x395: {  	[sflag:s31] =	ssyncset.done $0x0  }
0x396: {  	s29 =	sadd.s32 $0x480, s8;
	[sflag:s31] =	ssyncadd.s32 $0xFFFFF000;
	s31 =	simm.s32 $0xB  }
0x397: {  	[tilespmem:s11], [sflag:$0x2] =	stream.indirect.gather [hbm4b:s4+s9], $0x20, s29, s9, $0xb8;
	[tilespmem:$0x16400] =	vst v63  }
0x398: {  	_ =	swait.ge [sflag:s31], $0x1000  }
0x399: {  	[sflag:s31] =	ssyncset.done $0x0  }
0x39a: {  	s29 =	sadd.s32 $0x500, s8;
	[sflag:s31] =	ssyncadd.s32 $0xFFFFF000;
	s31 =	simm.s32 $0xC  }
0x39b: {  	[tilespmem:s13], [sflag:$0x3] =	stream.indirect.gather [hbm4b:s4+s9], $0x20, s29, s9, $0xb8;
	[tilespmem:$0x16400] =	vst v63  }
0x39c: {  	_ =	swait.ge [sflag:s31], $0x1000  }
0x39d: {  	[sflag:s31] =	ssyncset.done $0x0  }
0x39e: {  	s29 =	sadd.s32 $0x580, s8;
	[sflag:s31] =	ssyncadd.s32 $0xFFFFF000  }
0x39f: {  	[tilespmem:s15], [sflag:$0x4] =	stream.indirect.gather [hbm4b:s4+s9], $0x20, s29, s9, $0xb8;
	[tilespmem:$0x16400] =	vst v63  }
0x3a0: {  	_ =	swait.ge [sflag:s0], $0x1000  }
0x3a1: {  	[sflag:s0] =	ssyncset.done $0x0  }
0x3a2: {  	s31 =	sadd.s32 $0x600, s8;
	[sflag:s0] =	ssyncadd.s32 $0xFFFFF000  }
0x3a3: {  	[tilespmem:s17], [sflag:$0x5] =	stream.indirect.gather [hbm4b:s4+s9], $0x20, s31, s9, $0xb8;
	[tilespmem:$0x16400] =	vst v63  }
0x3a4: {  	_ =	swait.ge [sflag:s14], $0x1000  }
0x3a5: {  	[sflag:s14] =	ssyncset.done $0x0  }
0x3a6: {  	s29 =	sadd.s32 $0x680, s8;
	[sflag:s14] =	ssyncadd.s32 $0xFFFFF000  }
0x3a7: {  	[tilespmem:s19], [sflag:$0x6] =	stream.indirect.gather [hbm4b:s4+s9], $0x20, s29, s9, $0xb8;
	[tilespmem:$0x16400] =	vst v63  }
0x3a8: {  	_ =	swait.ge [sflag:s18], $0x1000  }
0x3a9: {  	[sflag:s18] =	ssyncset.done $0x0  }
0x3aa: {  	s31 =	sadd.s32 $0x700, s8;
	[sflag:s18] =	ssyncadd.s32 $0xFFFFF000  }
0x3ab: {  	[tilespmem:s21], [sflag:$0x7] =	stream.indirect.gather [hbm4b:s4+s9], $0x20, s31, s9, $0xb8;
	[tilespmem:$0x16400] =	vst v63  }
.Ltmp11:
0x3ac: {  	_ = 	snop;
	(pc) =	sbr.rel .LBB2_2-.Ltmp11, $4  }
0x3ad: {  	_ =	swait.ge [sflag:s22], $0x1000  }
0x3ae: {  	[sflag:s22] =	ssyncset.done $0x0  }
0x3af: {  	s6 =	sadd.s32 $0x1, s6;
	s8 =	sadd.s32 $0x780, s8;
	[sflag:s22] =	ssyncadd.s32 $0xFFFFF000  }
0x3b0: {  	[tilespmem:s23], [sflag:$0x8] =	stream.indirect.gather [hbm4b:s4+s9], $0x20, s8, s9, $0xb8;
	[tilespmem:$0x16400] =	vst v63  }
.LBB2_21:
0x3b1: {  	_ =	sfence.sel $0x180000  }
0x3b2: {  	[bflag:$0x0] =	sbarrier.arrive $0xFFFF  }
0x3b3: {  	_ =	strace $0x90000047  }
0x3b4: {  	s0 =	stileid.u32;
	[bflag:$0x2] =	sbarrier.arrive $0xFFFF  }
0x3b5: {  	p0 =	sne.s32 s0, $0x0;
	s0 =	rddreg [dreg:$0x2]  }
0x3b6: {  	s0 =	sadd.s32 @!p0 $0x100000, s0  }
0x3b7: {  	[sflag:s0] =	ssyncadd.tile.s32 @!p0 $0x1;
	_ =	shalt  }
.Lfunc_end2:
_tile_overlayer_lowered:
.L_overlay_start_2:
0x3b8: {  	(tag) =	ssettag $0x2  }
0x3b9: {  	s0 =	rddreg [dreg:$0x0];
	s2 =	stileid.u32  }
0x3ba: {  	s1 =	rddreg [dreg:$0x1];
	p0 =	sne.s32 s2, $0x0  }
0x3bb: {  	s3 =	rddreg [dreg:$0x2];
	[bflag:$0x3] =	sbarrier.arrive $0xFFFF;
	s2 =	simm.s32 @!p0 $0x1C12  }
0x3bc: {  	[timem:s3], [sflag:s2] =	dma.local @!p0 [hbm:s0], s1  }
0x3bd: {  	s0 =	simm.s32 @!p0 $0x12  }
0x3be: {  	_ =	swait.ge @!p0 [sflag:s0], s1  }
0x3bf: {  	s1 =	ssub.s32 @!p0 $0x0, s1;
	[sflag:s0] =	ssyncset.done @!p0 $0x0  }
0x3c0: {  	[sflag:s0] =	ssyncadd.s32 @!p0 s1  }
0x3c1: {  	[bflag:$0x3] =	sbarrier.arrive $0xFFFF  }
0x3c2: {  	_ =	shalt  }

</sc_bundles>
